<compile_context>
chip_gen: v7x
topology: tpu7x:2x2x1
jax: 0.10.2.dev20260603
libtpu: 0.0.44.dev20260713+nightly
codegen_flags: <defaults>
</compile_context>

<pallas_src>
import jax
import jax.numpy as jnp
from jax import lax
from jax.experimental import pallas as pl
from jax.experimental.pallas import tpu as pltpu
from jax.experimental.pallas import tpu_sc as plsc

N = 10000
E = 320000
D = 128

NC = 2
NS = 16
NW = NC * NS
EPW = E // NW
K = 80
CH = EPW // K
KA = 40
CHA = EPW // KA
CHD = EPW // KA
RING = 6
TRB = 624
LAST0 = TRB * (NS - 1)
LASTR = N - LAST0


def _make_agg_kernel(with_deg: bool):
    mesh = plsc.VectorSubcoreMesh(core_axis_name="c", subcore_axis_name="s")
    scratch = (
        [pltpu.VMEM((RING, KA), jnp.int32)] +
        [pltpu.VMEM((RING, KA), jnp.int32)] +
        [pltpu.VMEM((RING, KA, D), jnp.float32)] +
        [pltpu.VMEM_SHARED((N, D), jnp.float32)] +
        [pltpu.SemaphoreType.DMA] * (3 * RING)
    )
    if with_deg:
        scratch = scratch + [
            pltpu.VMEM((K, D), jnp.float32),
            pltpu.VMEM((2, K), jnp.int32),
        ]

    def body(h_hbm, srcr_hbm, dstr_hbm, zrows_hbm, *rest):
        if with_deg:
            (ones_hbm, agg_out, deg_out, src_v, dst_v, rows_v, agg_sh,
             *sems) = rest
            ones_v, ddst_v = sems[-2], sems[-1]
            sems = sems[:-2]
        else:
            agg_out, src_v, dst_v, rows_v, agg_sh, *sems = rest
        si = sems[0:RING]
        sg = sems[RING:2 * RING]
        ss = sems[2 * RING:3 * RING]
        c = lax.axis_index("c")
        s = lax.axis_index("s")
        wid = s * NC + c
        row0 = pl.multiple_of(s * TRB, 8)

        def zero_acc():
            @pl.when(s < NS - 1)
            def _():
                pltpu.sync_copy(zrows_hbm.at[pl.ds(0, TRB)],
                                agg_sh.at[pl.ds(row0, TRB)])

            @pl.when(s == NS - 1)
            def _():
                pltpu.sync_copy(zrows_hbm.at[pl.ds(0, LASTR)],
                                agg_sh.at[pl.ds(LAST0, LASTR)])

        zero_acc()
        plsc.subcore_barrier()

        base = wid * EPW

        def fire_idx(b, chunk):
            off = pl.multiple_of(base + chunk * KA, 8)
            pltpu.async_copy(srcr_hbm.at[pl.ds(off, KA)], src_v.at[b], si[b])
            pltpu.async_copy(dstr_hbm.at[pl.ds(off, KA)], dst_v.at[b], si[b])

        def wait_idx(b):
            pltpu.make_async_copy(srcr_hbm.at[pl.ds(0, KA)], src_v.at[b],
                                  si[b]).wait()
            pltpu.make_async_copy(dstr_hbm.at[pl.ds(0, KA)], dst_v.at[b],
                                  si[b]).wait()

        def fire_gather(b):
            pltpu.async_copy(h_hbm.at[src_v.at[b]], rows_v.at[b], sg[b])

        def wait_gather(b):
            pltpu.make_async_copy(h_hbm.at[src_v.at[b]], rows_v.at[b],
                                  sg[b]).wait()

        def fire_scatter(b):
            pltpu.async_copy(rows_v.at[b], agg_sh.at[dst_v.at[b]], ss[b],
                             add=True)

        def wait_scatter(b):
            pltpu.make_async_copy(rows_v.at[b], agg_sh.at[dst_v.at[b]],
                                  ss[b]).wait()

        def step(i, carry):
            for u in range(RING):
                t = RING * i + u
                @pl.when(jnp.logical_and(t >= 5, t < CHA + 5))
                def _(u=u):
                    wait_scatter((u - 5) % RING)

                @pl.when(jnp.logical_and(t >= 4, t < CHA + 4))
                def _(u=u):
                    wait_gather((u - 4) % RING)
                    fire_scatter((u - 4) % RING)

                @pl.when(jnp.logical_and(t >= 1, t < CHA + 1))
                def _(u=u):
                    wait_idx((u - 1) % RING)
                    fire_gather((u - 1) % RING)

                @pl.when(t < CHA)
                def _(u=u, t=t):
                    fire_idx(u, t)
            return carry

        lax.fori_loop(0, (CHA + 5 + RING - 1) // RING + 1, step, 0)
        plsc.subcore_barrier()

        @pl.when(s < NS - 1)
        def _():
            pltpu.sync_copy(agg_sh.at[pl.ds(row0, TRB)],
                            agg_out.at[c, pl.ds(row0, TRB)])

        @pl.when(s == NS - 1)
        def _():
            pltpu.sync_copy(agg_sh.at[pl.ds(LAST0, LASTR)],
                            agg_out.at[c, pl.ds(LAST0, LASTR)])

        if with_deg:
            pltpu.sync_copy(ones_hbm, ones_v)
            plsc.subcore_barrier()
            zero_acc()
            plsc.subcore_barrier()
            ssd = (ss[0], ss[1])

            def dload_idx(b, chunk):
                off = pl.multiple_of(base + chunk * K, 8)
                pltpu.sync_copy(dstr_hbm.at[pl.ds(off, K)], ddst_v.at[b])

            def dfire_scatter(b):
                pltpu.async_copy(ones_v, agg_sh.at[ddst_v.at[b]], ssd[b],
                                 add=True)

            def dwait_scatter(b):
                pltpu.make_async_copy(ones_v, agg_sh.at[ddst_v.at[b]],
                                      ssd[b]).wait()

            dload_idx(0, 0)

            def dstep(g2, carry):
                g0 = 2 * g2
                dfire_scatter(0)

                @pl.when(g2 > 0)
                def _():
                    dwait_scatter(1)
                dload_idx(1, g0 + 1)
                dfire_scatter(1)
                dwait_scatter(0)
                dload_idx(0, g0 + 2)
                return carry

            lax.fori_loop(0, (CH - 1) // 2, dstep, 0)
            dfire_scatter(0)
            dwait_scatter(1)
            dwait_scatter(0)
            plsc.subcore_barrier()

            @pl.when(s < NS - 1)
            def _():
                pltpu.sync_copy(agg_sh.at[pl.ds(row0, TRB)],
                                deg_out.at[c, pl.ds(row0, TRB)])

            @pl.when(s == NS - 1)
            def _():
                pltpu.sync_copy(agg_sh.at[pl.ds(LAST0, LASTR)],
                                deg_out.at[c, pl.ds(LAST0, LASTR)])

    out_type = jax.ShapeDtypeStruct((NC, N, D), jnp.float32)
    if with_deg:
        out_type = (out_type, jax.ShapeDtypeStruct((NC, N, D), jnp.float32))
    return pl.kernel(body, out_type=out_type,
                     mesh=mesh, scratch_types=scratch)




_agg_deg = _make_agg_kernel(True)
_agg = _make_agg_kernel(False)


R = 1000


def _tc_layer0_body(feat_ref, agg_ref, deg_ref, ws_ref, wn_ref, b_ref,
                    g_ref, beta_ref, out_ref):
    aggp = agg_ref[...]
    agg = aggp[0] + aggp[1]
    degp = deg_ref[...]
    deg = (degp[0] + degp[1])[:, 0:1]
    inv = 1.0 / jnp.maximum(deg, 1.0)
    mean = agg * inv
    h = (jnp.dot(feat_ref[...], ws_ref[...], preferred_element_type=jnp.float32)
         + jnp.dot(mean, wn_ref[...], preferred_element_type=jnp.float32)
         + b_ref[...])
    mu = jnp.mean(h, axis=-1, keepdims=True)
    var = jnp.mean((h - mu) ** 2, axis=-1, keepdims=True)
    hn = (h - mu) * lax.rsqrt(var + 1e-5) * g_ref[...] + beta_ref[...]
    out_ref[...] = jnp.maximum(hn, 0.0)


def _tc_layer1_body(h_ref, agg_ref, deg_ref, ws_ref, wn_ref, b_ref, out_ref):
    aggp = agg_ref[...]
    agg = aggp[0] + aggp[1]
    degp = deg_ref[...]
    deg = (degp[0] + degp[1])[:, 0:1]
    inv = 1.0 / jnp.maximum(deg, 1.0)
    mean = agg * inv
    out_ref[...] = (
        jnp.dot(h_ref[...], ws_ref[...], preferred_element_type=jnp.float32)
        + jnp.dot(mean, wn_ref[...], preferred_element_type=jnp.float32)
        + b_ref[...])


def _full(shape):
    return pl.BlockSpec(shape, lambda i: (0,) * len(shape))


_row_spec = pl.BlockSpec((R, D), lambda i: (i, 0))
_agg_spec = pl.BlockSpec((NC, R, D), lambda i: (0, i, 0))
_deg_spec = pl.BlockSpec((NC, R, D), lambda i: (0, i, 0))

_tc_layer0 = pl.pallas_call(
    _tc_layer0_body,
    grid=(N // R,),
    in_specs=[_row_spec, _agg_spec, _deg_spec, _full((D, D)), _full((D, D)),
              _full((1, D)), _full((1, D)), _full((1, D))],
    out_specs=_row_spec,
    out_shape=jax.ShapeDtypeStruct((N, D), jnp.float32),
)

_tc_layer1 = pl.pallas_call(
    _tc_layer1_body,
    grid=(N // R,),
    in_specs=[_row_spec, _agg_spec, _deg_spec, _full((D, D)), _full((D, D)),
              _full((1, D))],
    out_specs=_row_spec,
    out_shape=jax.ShapeDtypeStruct((N, D), jnp.float32),
)


def kernel(feat, edge_index, W0_self, W0_neigh, b0, ln_g, ln_b,
           W1_self, W1_neigh, b1):
    src = edge_index[0].astype(jnp.int32)
    dst = edge_index[1].astype(jnp.int32)
    zrows = jnp.zeros((LASTR, D), jnp.float32)
    ones = jnp.ones((K, D), jnp.float32)

    agg0, deg = _agg_deg(feat, src, dst, zrows, ones)
    h1 = _tc_layer0(feat, agg0, deg, W0_self, W0_neigh,
                    b0.reshape(1, D), ln_g.reshape(1, D), ln_b.reshape(1, D))
    agg1 = _agg(h1, src, dst, zrows)
    out = _tc_layer1(h1, agg1, deg, W1_self, W1_neigh, b1.reshape(1, D))
    return out

# --- scband reference (transcript-rebuilt; emitter-appended) ---
"""Pipeline reference for scband-graph-sage-14688788152985 (READ-ONLY COPY).

The authoritative reference and input builder live on the scoring server;
editing this copy changes nothing except your own understanding.
"""

import jax, jax.numpy as jnp
import numpy as np

N_NODES = 10000
N_EDGES = 320000
D = 128


def setup_inputs(seed: int = 0) -> dict:
    key = jax.random.key(seed)
    ks = jax.random.split(key, 12)
    feat = jax.random.normal(ks[0], (N_NODES, D), dtype=jnp.float32)
    edge_index = jax.random.randint(ks[1], (2, N_EDGES), 0, N_NODES, dtype=jnp.int64)
    s = 1.0 / np.sqrt(D)
    W0_self = jax.random.uniform(ks[2], (D, D), jnp.float32, -s, s)
    W0_neigh = jax.random.uniform(ks[3], (D, D), jnp.float32, -s, s)
    b0 = jax.random.uniform(ks[4], (D,), jnp.float32, -s, s)
    ln_g = jnp.ones((D,), jnp.float32)
    ln_b = jnp.zeros((D,), jnp.float32)
    W1_self = jax.random.uniform(ks[5], (D, D), jnp.float32, -s, s)
    W1_neigh = jax.random.uniform(ks[6], (D, D), jnp.float32, -s, s)
    b1 = jax.random.uniform(ks[7], (D,), jnp.float32, -s, s)
    return {"feat": feat, "edge_index": edge_index, "W0_self": W0_self,
            "W0_neigh": W0_neigh, "b0": b0, "ln_g": ln_g, "ln_b": ln_b,
            "W1_self": W1_self, "W1_neigh": W1_neigh, "b1": b1}


def _sage_layer(h, edge_index, W_self, W_neigh, b):
    # GraphSAGE mean aggregator: h_i' = W_self h_i + W_neigh mean_{j in N(i)} h_j + b
    src = edge_index[0]
    dst = edge_index[1]
    msgs = jnp.take(h, src, axis=0)                       # gather (SparseCore)
    agg = jax.ops.segment_sum(msgs, dst, num_segments=N_NODES)  # scatter-add
    deg = jax.ops.segment_sum(jnp.ones((edge_index.shape[1],), jnp.float32), dst,
                              num_segments=N_NODES)
    mean_neigh = agg / jnp.clip(deg, 1.0, None)[:, None]
    return h @ W_self + mean_neigh @ W_neigh + b


def _layer_norm(h, g, b, eps=1e-5):
    mu = jnp.mean(h, axis=-1, keepdims=True)
    var = jnp.var(h, axis=-1, keepdims=True)
    return (h - mu) / jnp.sqrt(var + eps) * g + b


def reference(feat, edge_index, W0_self, W0_neigh, b0, ln_g, ln_b, W1_self, W1_neigh, b1):
    # eval-mode forward: dropout p=0.0 (no-op), no ctx.buffer comms, 2 SAGE layers
    h = _sage_layer(feat, edge_index, W0_self, W0_neigh, b0)
    h = _layer_norm(h, ln_g, ln_b)
    h = jax.nn.relu(h)
    h = _sage_layer(h, edge_index, W1_self, W1_neigh, b1)
    return h

if __name__ == "__main__":
    import jax
    _d = setup_inputs()
    print(jax.jit(kernel)(*tuple(_d.values())))

</pallas_src>

<mosaic_0001>
#map = affine_map<(d0, d1) -> (0, 0)>
#map1 = affine_map<(d0, d1) -> (0)>
#map2 = affine_map<(d0, d1) -> (0, 0, 0)>
module attributes {stable_mosaic.version = 14 : i64} {
  func.func @body(%arg0: i32, %arg1: i32, %arg2: memref<10000x128xf32, #tpu.memory_space<hbm>>, %arg3: memref<320000xi32, #tpu.memory_space<hbm>>, %arg4: memref<320000xi32, #tpu.memory_space<hbm>>, %arg5: memref<640x128xf32, #tpu.memory_space<hbm>>, %arg6: memref<2x10000x128xf32, #tpu.memory_space<hbm>>, %arg7: memref<6x40xi32, #tpu.memory_space<vmem>>, %arg8: memref<6x40xi32, #tpu.memory_space<vmem>>, %arg9: memref<6x40x128xf32, #tpu.memory_space<vmem>>, %arg10: memref<10000x128xf32, #tpu.memory_space<vmem_shared>>, %arg11: memref<!tpu.dma_semaphore, #tpu.memory_space<semaphore_mem>>, %arg12: memref<!tpu.dma_semaphore, #tpu.memory_space<semaphore_mem>>, %arg13: memref<!tpu.dma_semaphore, #tpu.memory_space<semaphore_mem>>, %arg14: memref<!tpu.dma_semaphore, #tpu.memory_space<semaphore_mem>>, %arg15: memref<!tpu.dma_semaphore, #tpu.memory_space<semaphore_mem>>, %arg16: memref<!tpu.dma_semaphore, #tpu.memory_space<semaphore_mem>>, %arg17: memref<!tpu.dma_semaphore, #tpu.memory_space<semaphore_mem>>, %arg18: memref<!tpu.dma_semaphore, #tpu.memory_space<semaphore_mem>>, %arg19: memref<!tpu.dma_semaphore, #tpu.memory_space<semaphore_mem>>, %arg20: memref<!tpu.dma_semaphore, #tpu.memory_space<semaphore_mem>>, %arg21: memref<!tpu.dma_semaphore, #tpu.memory_space<semaphore_mem>>, %arg22: memref<!tpu.dma_semaphore, #tpu.memory_space<semaphore_mem>>, %arg23: memref<!tpu.dma_semaphore, #tpu.memory_space<semaphore_mem>>, %arg24: memref<!tpu.dma_semaphore, #tpu.memory_space<semaphore_mem>>, %arg25: memref<!tpu.dma_semaphore, #tpu.memory_space<semaphore_mem>>, %arg26: memref<!tpu.dma_semaphore, #tpu.memory_space<semaphore_mem>>, %arg27: memref<!tpu.dma_semaphore, #tpu.memory_space<semaphore_mem>>, %arg28: memref<!tpu.dma_semaphore, #tpu.memory_space<semaphore_mem>>) attributes {dimension_semantics = [#tpu.dimension_semantics<core_parallel>, #tpu.dimension_semantics<subcore_parallel>], iteration_bounds = array<i64: 2, 16>, scalar_prefetch = 0 : i64, scratch_operands = 22 : i64, tpu.core_type = #tpu.core_type<sc_vector_subcore>, window_params = [{transform_indices = #map}, {transform_indices = #map1}, {transform_indices = #map1}, {transform_indices = #map}, {transform_indices = #map2}]} {
    %mul3A = arith.constant 2 : i32
    %mul3A_0 = arith.muli %arg1, %mul3A : i32
    %add3A = arith.addi %mul3A_0, %arg0 : i32
    %mul3A_1 = arith.constant 624 : i32
    %mul3A_2 = arith.muli %arg1, %mul3A_1 : i32
    %multiple_of3A = tpu.assume_multiple %mul3A_2, 8 : i32
    %lt3A = arith.constant 15 : i32
    %lt3A_3 = arith.cmpi slt, %arg1, %lt3A : i32
    %convert_element_type3A = arith.extui %lt3A_3 : i1 to i32
    %cond3A = arith.constant 0 : i32
    %cond3A_4 = arith.cmpi ne, %convert_element_type3A, %cond3A : i32
    scf.if %cond3A_4 {
      "tpu.region"() ({
        %run_scoped3A = tpu.sem_alloc : memref<!tpu.dma_semaphore, #tpu.memory_space<semaphore_mem>>
        %dma_start3A = arith.constant 0 : i32
        %dma_start3A_27 = tpu.memref_slice %arg10[%multiple_of3A, %dma_start3A] : memref<10000x128xf32, #tpu.memory_space<vmem_shared>> -> memref<624x128xf32, #tpu.memory_space<vmem_shared>>
        %dma_start3A_28 = arith.constant 0 : i32
        %dma_start3A_29 = arith.constant 0 : i32
        %dma_start3A_30 = tpu.memref_slice %arg5[%dma_start3A_28, %dma_start3A_29] : memref<640x128xf32, #tpu.memory_space<hbm>> -> memref<624x128xf32, #tpu.memory_space<hbm>>
        tpu.enqueue_dma source(%dma_start3A_30 : memref<624x128xf32, #tpu.memory_space<hbm>>) target(%dma_start3A_27 : memref<624x128xf32, #tpu.memory_space<vmem_shared>>) target_semaphore(%run_scoped3A : memref<!tpu.dma_semaphore, #tpu.memory_space<semaphore_mem>>)
        %dma_wait3A = arith.constant 0 : i32
        %dma_wait3A_31 = tpu.memref_slice %arg10[%multiple_of3A, %dma_wait3A] : memref<10000x128xf32, #tpu.memory_space<vmem_shared>> -> memref<624x128xf32, #tpu.memory_space<vmem_shared>>
        %dma_wait3A_32 = arith.constant 0 : i32
        %dma_wait3A_33 = arith.constant 0 : i32
        %dma_wait3A_34 = tpu.memref_slice %arg5[%dma_wait3A_32, %dma_wait3A_33] : memref<640x128xf32, #tpu.memory_space<hbm>> -> memref<624x128xf32, #tpu.memory_space<hbm>>
        tpu.wait_dma2 semaphore(%run_scoped3A : memref<!tpu.dma_semaphore, #tpu.memory_space<semaphore_mem>>) src(%dma_wait3A_34 : memref<624x128xf32, #tpu.memory_space<hbm>>) dst(%dma_wait3A_31 : memref<624x128xf32, #tpu.memory_space<vmem_shared>>)
        tpu.yield
      }) : () -> ()
    } else {
    }
    %eq3A = arith.constant 15 : i32
    %eq3A_5 = arith.cmpi eq, %arg1, %eq3A : i32
    %convert_element_type3A_6 = arith.extui %eq3A_5 : i1 to i32
    %cond3A_7 = arith.constant 0 : i32
    %cond3A_8 = arith.cmpi ne, %convert_element_type3A_6, %cond3A_7 : i32
    scf.if %cond3A_8 {
      "tpu.region"() ({
        %run_scoped3A = tpu.sem_alloc : memref<!tpu.dma_semaphore, #tpu.memory_space<semaphore_mem>>
        %dma_start3A = arith.constant 9360 : i32
        %dma_start3A_27 = arith.constant 0 : i32
        %dma_start3A_28 = tpu.memref_slice %arg10[%dma_start3A, %dma_start3A_27] : memref<10000x128xf32, #tpu.memory_space<vmem_shared>> -> memref<640x128xf32, #tpu.memory_space<vmem_shared>>
        %dma_start3A_29 = arith.constant 0 : i32
        %dma_start3A_30 = arith.constant 0 : i32
        %dma_start3A_31 = tpu.memref_slice %arg5[%dma_start3A_29, %dma_start3A_30] : memref<640x128xf32, #tpu.memory_space<hbm>> -> memref<640x128xf32, #tpu.memory_space<hbm>>
        tpu.enqueue_dma source(%dma_start3A_31 : memref<640x128xf32, #tpu.memory_space<hbm>>) target(%dma_start3A_28 : memref<640x128xf32, #tpu.memory_space<vmem_shared>>) target_semaphore(%run_scoped3A : memref<!tpu.dma_semaphore, #tpu.memory_space<semaphore_mem>>)
        %dma_wait3A = arith.constant 9360 : i32
        %dma_wait3A_32 = arith.constant 0 : i32
        %dma_wait3A_33 = tpu.memref_slice %arg10[%dma_wait3A, %dma_wait3A_32] : memref<10000x128xf32, #tpu.memory_space<vmem_shared>> -> memref<640x128xf32, #tpu.memory_space<vmem_shared>>
        %dma_wait3A_34 = arith.constant 0 : i32
        %dma_wait3A_35 = arith.constant 0 : i32
        %dma_wait3A_36 = tpu.memref_slice %arg5[%dma_wait3A_34, %dma_wait3A_35] : memref<640x128xf32, #tpu.memory_space<hbm>> -> memref<640x128xf32, #tpu.memory_space<hbm>>
        tpu.wait_dma2 semaphore(%run_scoped3A : memref<!tpu.dma_semaphore, #tpu.memory_space<semaphore_mem>>) src(%dma_wait3A_36 : memref<640x128xf32, #tpu.memory_space<hbm>>) dst(%dma_wait3A_33 : memref<640x128xf32, #tpu.memory_space<vmem_shared>>)
        tpu.yield
      }) : () -> ()
    } else {
    }
    %barrier3A = arith.constant 0 : index
    tpu.barrier barrier_id(%barrier3A)
    %mul3A_9 = arith.constant 10000 : i32
    %mul3A_10 = arith.muli %add3A, %mul3A_9 : i32
    %scan3A = arith.constant 0 : i32
    %scan3A_11 = arith.constant 0 : i32
    %scan3A_12 = arith.constant 44 : i32
    %scan3A_13 = arith.addi %scan3A_11, %scan3A_12 : i32
    %scan3A_14 = arith.constant 1 : i32
    scf.for %scan3A_27 = %scan3A_11 to %scan3A_13 step %scan3A_14  : i32 {
      %mul3A_28 = arith.constant 6 : i32
      %mul3A_29 = arith.muli %mul3A_28, %scan3A_27 : i32
      %add3A_30 = arith.constant 0 : i32
      %add3A_31 = arith.addi %mul3A_29, %add3A_30 : i32
      %ge3A = arith.constant 5 : i32
      %ge3A_32 = arith.cmpi sge, %add3A_31, %ge3A : i32
      %lt3A_33 = arith.constant 255 : i32
      %lt3A_34 = arith.cmpi slt, %add3A_31, %lt3A_33 : i32
      %and3A = arith.andi %ge3A_32, %lt3A_34 : i1
      %convert_element_type3A_35 = arith.extui %and3A : i1 to i32
      %cond3A_36 = arith.constant 0 : i32
      %cond3A_37 = arith.cmpi ne, %convert_element_type3A_35, %cond3A_36 : i32
      scf.if %cond3A_37 {
        %dma_wait3A = arith.constant 1 : i32
        %dma_wait3A_224 = arith.constant 1 : i32
        %dma_wait3A_225 = arith.constant 0 : i32
        %dma_wait3A_226 = arith.constant 0 : i32
        %dma_wait3A_227 = tpu.memref_slice %arg9[%dma_wait3A, %dma_wait3A_225, %dma_wait3A_226] : memref<6x40x128xf32, #tpu.memory_space<vmem>> -> memref<1x40x128xf32, #tpu.memory_space<vmem>>
        %dma_wait3A_228 = tpu.memref_squeeze %dma_wait3A_227 : memref<1x40x128xf32, #tpu.memory_space<vmem>> -> memref<40x128xf32, #tpu.memory_space<vmem>>
        %dma_wait3A_229 = arith.constant 0 : i32
        %dma_wait3A_230 = tpu.memref_slice %arg8[%dma_wait3A_224, %dma_wait3A_229] : memref<6x40xi32, #tpu.memory_space<vmem>> -> memref<1x40xi32, #tpu.memory_space<vmem>>
        %dma_wait3A_231 = tpu.memref_squeeze %dma_wait3A_230 : memref<1x40xi32, #tpu.memory_space<vmem>> -> memref<40xi32, #tpu.memory_space<vmem>>
        %dma_wait3A_232 = arith.constant 0 : i32
        %dma_wait3A_233 = arith.constant 0 : i32
        %dma_wait3A_234 = tpu.memref_slice %arg10[%dma_wait3A_232, %dma_wait3A_233] : memref<10000x128xf32, #tpu.memory_space<vmem_shared>> -> memref<10000x128xf32, #tpu.memory_space<vmem_shared>>
        tpu.wait_indirect_dma semaphore(%arg24 : memref<!tpu.dma_semaphore, #tpu.memory_space<semaphore_mem>>) src(%dma_wait3A_228 : memref<40x128xf32, #tpu.memory_space<vmem>>) dst(%dma_wait3A_234 : memref<10000x128xf32, #tpu.memory_space<vmem_shared>>)
      } else {
      }
      %ge3A_38 = arith.constant 4 : i32
      %ge3A_39 = arith.cmpi sge, %add3A_31, %ge3A_38 : i32
      %lt3A_40 = arith.constant 254 : i32
      %lt3A_41 = arith.cmpi slt, %add3A_31, %lt3A_40 : i32
      %and3A_42 = arith.andi %ge3A_39, %lt3A_41 : i1
      %convert_element_type3A_43 = arith.extui %and3A_42 : i1 to i32
      %cond3A_44 = arith.constant 0 : i32
      %cond3A_45 = arith.cmpi ne, %convert_element_type3A_43, %cond3A_44 : i32
      scf.if %cond3A_45 {
        %dma_wait3A = arith.constant 2 : i32
        %dma_wait3A_224 = arith.constant 2 : i32
        %dma_wait3A_225 = arith.constant 0 : i32
        %dma_wait3A_226 = arith.constant 0 : i32
        %dma_wait3A_227 = tpu.memref_slice %arg9[%dma_wait3A_224, %dma_wait3A_225, %dma_wait3A_226] : memref<6x40x128xf32, #tpu.memory_space<vmem>> -> memref<1x40x128xf32, #tpu.memory_space<vmem>>
        %dma_wait3A_228 = tpu.memref_squeeze %dma_wait3A_227 : memref<1x40x128xf32, #tpu.memory_space<vmem>> -> memref<40x128xf32, #tpu.memory_space<vmem>>
        %dma_wait3A_229 = arith.constant 0 : i32
        %dma_wait3A_230 = tpu.memref_slice %arg7[%dma_wait3A, %dma_wait3A_229] : memref<6x40xi32, #tpu.memory_space<vmem>> -> memref<1x40xi32, #tpu.memory_space<vmem>>
        %dma_wait3A_231 = tpu.memref_squeeze %dma_wait3A_230 : memref<1x40xi32, #tpu.memory_space<vmem>> -> memref<40xi32, #tpu.memory_space<vmem>>
        %dma_wait3A_232 = arith.constant 0 : i32
        %dma_wait3A_233 = arith.constant 0 : i32
        %dma_wait3A_234 = tpu.memref_slice %arg2[%dma_wait3A_232, %dma_wait3A_233] : memref<10000x128xf32, #tpu.memory_space<hbm>> -> memref<10000x128xf32, #tpu.memory_space<hbm>>
        tpu.wait_indirect_dma semaphore(%arg19 : memref<!tpu.dma_semaphore, #tpu.memory_space<semaphore_mem>>) src(%dma_wait3A_234 : memref<10000x128xf32, #tpu.memory_space<hbm>>) dst(%dma_wait3A_228 : memref<40x128xf32, #tpu.memory_space<vmem>>)
        %dma_start3A = arith.constant 2 : i32
        %dma_start3A_235 = arith.constant 2 : i32
        %dma_start3A_236 = arith.constant 0 : i32
        %dma_start3A_237 = arith.constant 0 : i32
        %dma_start3A_238 = tpu.memref_slice %arg9[%dma_start3A, %dma_start3A_236, %dma_start3A_237] : memref<6x40x128xf32, #tpu.memory_space<vmem>> -> memref<1x40x128xf32, #tpu.memory_space<vmem>>
        %dma_start3A_239 = tpu.memref_squeeze %dma_start3A_238 : memref<1x40x128xf32, #tpu.memory_space<vmem>> -> memref<40x128xf32, #tpu.memory_space<vmem>>
        %dma_start3A_240 = arith.constant 0 : i32
        %dma_start3A_241 = tpu.memref_slice %arg8[%dma_start3A_235, %dma_start3A_240] : memref<6x40xi32, #tpu.memory_space<vmem>> -> memref<1x40xi32, #tpu.memory_space<vmem>>
        %dma_start3A_242 = tpu.memref_squeeze %dma_start3A_241 : memref<1x40xi32, #tpu.memory_space<vmem>> -> memref<40xi32, #tpu.memory_space<vmem>>
        %dma_start3A_243 = arith.constant 0 : i32
        %dma_start3A_244 = arith.constant 0 : i32
        %dma_start3A_245 = tpu.memref_slice %arg10[%dma_start3A_243, %dma_start3A_244] : memref<10000x128xf32, #tpu.memory_space<vmem_shared>> -> memref<10000x128xf32, #tpu.memory_space<vmem_shared>>
        tpu.enqueue_indirect_dma source(%dma_start3A_239 : memref<40x128xf32, #tpu.memory_space<vmem>>) target(%dma_start3A_245 : memref<10000x128xf32, #tpu.memory_space<vmem_shared>>) offsets(%dma_start3A_242 : memref<40xi32, #tpu.memory_space<vmem>>) semaphore(%arg25 : memref<!tpu.dma_semaphore, #tpu.memory_space<semaphore_mem>>) {add = true}
      } else {
      }
      %ge3A_46 = arith.constant 1 : i32
      %ge3A_47 = arith.cmpi sge, %add3A_31, %ge3A_46 : i32
      %lt3A_48 = arith.constant 251 : i32
      %lt3A_49 = arith.cmpi slt, %add3A_31, %lt3A_48 : i32
      %and3A_50 = arith.andi %ge3A_47, %lt3A_49 : i1
      %convert_element_type3A_51 = arith.extui %and3A_50 : i1 to i32
      %cond3A_52 = arith.constant 0 : i32
      %cond3A_53 = arith.cmpi ne, %convert_element_type3A_51, %cond3A_52 : i32
      scf.if %cond3A_53 {
        %dma_wait3A = arith.constant 5 : i32
        %dma_wait3A_224 = arith.constant 0 : i32
        %dma_wait3A_225 = tpu.memref_slice %arg7[%dma_wait3A, %dma_wait3A_224] : memref<6x40xi32, #tpu.memory_space<vmem>> -> memref<1x40xi32, #tpu.memory_space<vmem>>
        %dma_wait3A_226 = tpu.memref_squeeze %dma_wait3A_225 : memref<1x40xi32, #tpu.memory_space<vmem>> -> memref<40xi32, #tpu.memory_space<vmem>>
        %dma_wait3A_227 = arith.constant 0 : i32
        %dma_wait3A_228 = tpu.memref_slice %arg3[%dma_wait3A_227] : memref<320000xi32, #tpu.memory_space<hbm>> -> memref<40xi32, #tpu.memory_space<hbm>>
        %dma_wait3A_229 = arith.constant 0 : i32
        %dma_wait3A_230 = tpu.memref_slice %arg7[%dma_wait3A, %dma_wait3A_229] : memref<6x40xi32, #tpu.memory_space<vmem>> -> memref<1x40xi32, #tpu.memory_space<vmem>>
        %dma_wait3A_231 = tpu.memref_squeeze %dma_wait3A_230 : memref<1x40xi32, #tpu.memory_space<vmem>> -> memref<40xi32, #tpu.memory_space<vmem>>
        %dma_wait3A_232 = arith.constant 0 : i32
        %dma_wait3A_233 = tpu.memref_slice %arg3[%dma_wait3A_232] : memref<320000xi32, #tpu.memory_space<hbm>> -> memref<40xi32, #tpu.memory_space<hbm>>
        tpu.wait_dma2 semaphore(%arg16 : memref<!tpu.dma_semaphore, #tpu.memory_space<semaphore_mem>>) src(%dma_wait3A_233 : memref<40xi32, #tpu.memory_space<hbm>>) dst(%dma_wait3A_231 : memref<40xi32, #tpu.memory_space<vmem>>)
        %dma_wait3A_234 = arith.constant 5 : i32
        %dma_wait3A_235 = arith.constant 0 : i32
        %dma_wait3A_236 = tpu.memref_slice %arg8[%dma_wait3A_234, %dma_wait3A_235] : memref<6x40xi32, #tpu.memory_space<vmem>> -> memref<1x40xi32, #tpu.memory_space<vmem>>
        %dma_wait3A_237 = tpu.memref_squeeze %dma_wait3A_236 : memref<1x40xi32, #tpu.memory_space<vmem>> -> memref<40xi32, #tpu.memory_space<vmem>>
        %dma_wait3A_238 = arith.constant 0 : i32
        %dma_wait3A_239 = tpu.memref_slice %arg4[%dma_wait3A_238] : memref<320000xi32, #tpu.memory_space<hbm>> -> memref<40xi32, #tpu.memory_space<hbm>>
        %dma_wait3A_240 = arith.constant 0 : i32
        %dma_wait3A_241 = tpu.memref_slice %arg8[%dma_wait3A_234, %dma_wait3A_240] : memref<6x40xi32, #tpu.memory_space<vmem>> -> memref<1x40xi32, #tpu.memory_space<vmem>>
        %dma_wait3A_242 = tpu.memref_squeeze %dma_wait3A_241 : memref<1x40xi32, #tpu.memory_space<vmem>> -> memref<40xi32, #tpu.memory_space<vmem>>
        %dma_wait3A_243 = arith.constant 0 : i32
        %dma_wait3A_244 = tpu.memref_slice %arg4[%dma_wait3A_243] : memref<320000xi32, #tpu.memory_space<hbm>> -> memref<40xi32, #tpu.memory_space<hbm>>
        tpu.wait_dma2 semaphore(%arg16 : memref<!tpu.dma_semaphore, #tpu.memory_space<semaphore_mem>>) src(%dma_wait3A_244 : memref<40xi32, #tpu.memory_space<hbm>>) dst(%dma_wait3A_242 : memref<40xi32, #tpu.memory_space<vmem>>)
        %dma_start3A = arith.constant 5 : i32
        %dma_start3A_245 = arith.constant 5 : i32
        %dma_start3A_246 = arith.constant 0 : i32
        %dma_start3A_247 = arith.constant 0 : i32
        %dma_start3A_248 = tpu.memref_slice %arg9[%dma_start3A_245, %dma_start3A_246, %dma_start3A_247] : memref<6x40x128xf32, #tpu.memory_space<vmem>> -> memref<1x40x128xf32, #tpu.memory_space<vmem>>
        %dma_start3A_249 = tpu.memref_squeeze %dma_start3A_248 : memref<1x40x128xf32, #tpu.memory_space<vmem>> -> memref<40x128xf32, #tpu.memory_space<vmem>>
        %dma_start3A_250 = arith.constant 0 : i32
        %dma_start3A_251 = tpu.memref_slice %arg7[%dma_start3A, %dma_start3A_250] : memref<6x40xi32, #tpu.memory_space<vmem>> -> memref<1x40xi32, #tpu.memory_space<vmem>>
        %dma_start3A_252 = tpu.memref_squeeze %dma_start3A_251 : memref<1x40xi32, #tpu.memory_space<vmem>> -> memref<40xi32, #tpu.memory_space<vmem>>
        %dma_start3A_253 = arith.constant 0 : i32
        %dma_start3A_254 = arith.constant 0 : i32
        %dma_start3A_255 = tpu.memref_slice %arg2[%dma_start3A_253, %dma_start3A_254] : memref<10000x128xf32, #tpu.memory_space<hbm>> -> memref<10000x128xf32, #tpu.memory_space<hbm>>
        tpu.enqueue_indirect_dma source(%dma_start3A_255 : memref<10000x128xf32, #tpu.memory_space<hbm>>) target(%dma_start3A_249 : memref<40x128xf32, #tpu.memory_space<vmem>>) offsets(%dma_start3A_252 : memref<40xi32, #tpu.memory_space<vmem>>) semaphore(%arg22 : memref<!tpu.dma_semaphore, #tpu.memory_space<semaphore_mem>>)
      } else {
      }
      %lt3A_54 = arith.constant 250 : i32
      %lt3A_55 = arith.cmpi slt, %add3A_31, %lt3A_54 : i32
      %convert_element_type3A_56 = arith.extui %lt3A_55 : i1 to i32
      %cond3A_57 = arith.constant 0 : i32
      %cond3A_58 = arith.cmpi ne, %convert_element_type3A_56, %cond3A_57 : i32
      scf.if %cond3A_58 {
        %mul3A_224 = arith.constant 40 : i32
        %mul3A_225 = arith.muli %add3A_31, %mul3A_224 : i32
        %add3A_226 = arith.addi %mul3A_10, %mul3A_225 : i32
        %multiple_of3A_227 = tpu.assume_multiple %add3A_226, 8 : i32
        %dma_start3A = arith.constant 0 : i32
        %dma_start3A_228 = arith.constant 0 : i32
        %dma_start3A_229 = tpu.memref_slice %arg7[%dma_start3A, %dma_start3A_228] : memref<6x40xi32, #tpu.memory_space<vmem>> -> memref<1x40xi32, #tpu.memory_space<vmem>>
        %dma_start3A_230 = tpu.memref_squeeze %dma_start3A_229 : memref<1x40xi32, #tpu.memory_space<vmem>> -> memref<40xi32, #tpu.memory_space<vmem>>
        %dma_start3A_231 = tpu.memref_slice %arg3[%multiple_of3A_227] : memref<320000xi32, #tpu.memory_space<hbm>> -> memref<40xi32, #tpu.memory_space<hbm>>
        %dma_start3A_232 = arith.constant 0 : i32
        %dma_start3A_233 = tpu.memref_slice %arg7[%dma_start3A, %dma_start3A_232] : memref<6x40xi32, #tpu.memory_space<vmem>> -> memref<1x40xi32, #tpu.memory_space<vmem>>
        %dma_start3A_234 = tpu.memref_squeeze %dma_start3A_233 : memref<1x40xi32, #tpu.memory_space<vmem>> -> memref<40xi32, #tpu.memory_space<vmem>>
        %dma_start3A_235 = tpu.memref_slice %arg3[%multiple_of3A_227] : memref<320000xi32, #tpu.memory_space<hbm>> -> memref<40xi32, #tpu.memory_space<hbm>>
        tpu.enqueue_dma source(%dma_start3A_235 : memref<40xi32, #tpu.memory_space<hbm>>) target(%dma_start3A_234 : memref<40xi32, #tpu.memory_space<vmem>>) target_semaphore(%arg11 : memref<!tpu.dma_semaphore, #tpu.memory_space<semaphore_mem>>)
        %dma_start3A_236 = arith.constant 0 : i32
        %dma_start3A_237 = arith.constant 0 : i32
        %dma_start3A_238 = tpu.memref_slice %arg8[%dma_start3A_236, %dma_start3A_237] : memref<6x40xi32, #tpu.memory_space<vmem>> -> memref<1x40xi32, #tpu.memory_space<vmem>>
        %dma_start3A_239 = tpu.memref_squeeze %dma_start3A_238 : memref<1x40xi32, #tpu.memory_space<vmem>> -> memref<40xi32, #tpu.memory_space<vmem>>
        %dma_start3A_240 = tpu.memref_slice %arg4[%multiple_of3A_227] : memref<320000xi32, #tpu.memory_space<hbm>> -> memref<40xi32, #tpu.memory_space<hbm>>
        %dma_start3A_241 = arith.constant 0 : i32
        %dma_start3A_242 = tpu.memref_slice %arg8[%dma_start3A_236, %dma_start3A_241] : memref<6x40xi32, #tpu.memory_space<vmem>> -> memref<1x40xi32, #tpu.memory_space<vmem>>
        %dma_start3A_243 = tpu.memref_squeeze %dma_start3A_242 : memref<1x40xi32, #tpu.memory_space<vmem>> -> memref<40xi32, #tpu.memory_space<vmem>>
        %dma_start3A_244 = tpu.memref_slice %arg4[%multiple_of3A_227] : memref<320000xi32, #tpu.memory_space<hbm>> -> memref<40xi32, #tpu.memory_space<hbm>>
        tpu.enqueue_dma source(%dma_start3A_244 : memref<40xi32, #tpu.memory_space<hbm>>) target(%dma_start3A_243 : memref<40xi32, #tpu.memory_space<vmem>>) target_semaphore(%arg11 : memref<!tpu.dma_semaphore, #tpu.memory_space<semaphore_mem>>)
      } else {
      }
      %mul3A_59 = arith.constant 6 : i32
      %mul3A_60 = arith.muli %mul3A_59, %scan3A_27 : i32
      %add3A_61 = arith.constant 1 : i32
      %add3A_62 = arith.addi %mul3A_60, %add3A_61 : i32
      %ge3A_63 = arith.constant 5 : i32
      %ge3A_64 = arith.cmpi sge, %add3A_62, %ge3A_63 : i32
      %lt3A_65 = arith.constant 255 : i32
      %lt3A_66 = arith.cmpi slt, %add3A_62, %lt3A_65 : i32
      %and3A_67 = arith.andi %ge3A_64, %lt3A_66 : i1
      %convert_element_type3A_68 = arith.extui %and3A_67 : i1 to i32
      %cond3A_69 = arith.constant 0 : i32
      %cond3A_70 = arith.cmpi ne, %convert_element_type3A_68, %cond3A_69 : i32
      scf.if %cond3A_70 {
        %dma_wait3A = arith.constant 2 : i32
        %dma_wait3A_224 = arith.constant 2 : i32
        %dma_wait3A_225 = arith.constant 0 : i32
        %dma_wait3A_226 = arith.constant 0 : i32
        %dma_wait3A_227 = tpu.memref_slice %arg9[%dma_wait3A, %dma_wait3A_225, %dma_wait3A_226] : memref<6x40x128xf32, #tpu.memory_space<vmem>> -> memref<1x40x128xf32, #tpu.memory_space<vmem>>
        %dma_wait3A_228 = tpu.memref_squeeze %dma_wait3A_227 : memref<1x40x128xf32, #tpu.memory_space<vmem>> -> memref<40x128xf32, #tpu.memory_space<vmem>>
        %dma_wait3A_229 = arith.constant 0 : i32
        %dma_wait3A_230 = tpu.memref_slice %arg8[%dma_wait3A_224, %dma_wait3A_229] : memref<6x40xi32, #tpu.memory_space<vmem>> -> memref<1x40xi32, #tpu.memory_space<vmem>>
        %dma_wait3A_231 = tpu.memref_squeeze %dma_wait3A_230 : memref<1x40xi32, #tpu.memory_space<vmem>> -> memref<40xi32, #tpu.memory_space<vmem>>
        %dma_wait3A_232 = arith.constant 0 : i32
        %dma_wait3A_233 = arith.constant 0 : i32
        %dma_wait3A_234 = tpu.memref_slice %arg10[%dma_wait3A_232, %dma_wait3A_233] : memref<10000x128xf32, #tpu.memory_space<vmem_shared>> -> memref<10000x128xf32, #tpu.memory_space<vmem_shared>>
        tpu.wait_indirect_dma semaphore(%arg25 : memref<!tpu.dma_semaphore, #tpu.memory_space<semaphore_mem>>) src(%dma_wait3A_228 : memref<40x128xf32, #tpu.memory_space<vmem>>) dst(%dma_wait3A_234 : memref<10000x128xf32, #tpu.memory_space<vmem_shared>>)
      } else {
      }
      %ge3A_71 = arith.constant 4 : i32
      %ge3A_72 = arith.cmpi sge, %add3A_62, %ge3A_71 : i32
      %lt3A_73 = arith.constant 254 : i32
      %lt3A_74 = arith.cmpi slt, %add3A_62, %lt3A_73 : i32
      %and3A_75 = arith.andi %ge3A_72, %lt3A_74 : i1
      %convert_element_type3A_76 = arith.extui %and3A_75 : i1 to i32
      %cond3A_77 = arith.constant 0 : i32
      %cond3A_78 = arith.cmpi ne, %convert_element_type3A_76, %cond3A_77 : i32
      scf.if %cond3A_78 {
        %dma_wait3A = arith.constant 3 : i32
        %dma_wait3A_224 = arith.constant 3 : i32
        %dma_wait3A_225 = arith.constant 0 : i32
        %dma_wait3A_226 = arith.constant 0 : i32
        %dma_wait3A_227 = tpu.memref_slice %arg9[%dma_wait3A_224, %dma_wait3A_225, %dma_wait3A_226] : memref<6x40x128xf32, #tpu.memory_space<vmem>> -> memref<1x40x128xf32, #tpu.memory_space<vmem>>
        %dma_wait3A_228 = tpu.memref_squeeze %dma_wait3A_227 : memref<1x40x128xf32, #tpu.memory_space<vmem>> -> memref<40x128xf32, #tpu.memory_space<vmem>>
        %dma_wait3A_229 = arith.constant 0 : i32
        %dma_wait3A_230 = tpu.memref_slice %arg7[%dma_wait3A, %dma_wait3A_229] : memref<6x40xi32, #tpu.memory_space<vmem>> -> memref<1x40xi32, #tpu.memory_space<vmem>>
        %dma_wait3A_231 = tpu.memref_squeeze %dma_wait3A_230 : memref<1x40xi32, #tpu.memory_space<vmem>> -> memref<40xi32, #tpu.memory_space<vmem>>
        %dma_wait3A_232 = arith.constant 0 : i32
        %dma_wait3A_233 = arith.constant 0 : i32
        %dma_wait3A_234 = tpu.memref_slice %arg2[%dma_wait3A_232, %dma_wait3A_233] : memref<10000x128xf32, #tpu.memory_space<hbm>> -> memref<10000x128xf32, #tpu.memory_space<hbm>>
        tpu.wait_indirect_dma semaphore(%arg20 : memref<!tpu.dma_semaphore, #tpu.memory_space<semaphore_mem>>) src(%dma_wait3A_234 : memref<10000x128xf32, #tpu.memory_space<hbm>>) dst(%dma_wait3A_228 : memref<40x128xf32, #tpu.memory_space<vmem>>)
        %dma_start3A = arith.constant 3 : i32
        %dma_start3A_235 = arith.constant 3 : i32
        %dma_start3A_236 = arith.constant 0 : i32
        %dma_start3A_237 = arith.constant 0 : i32
        %dma_start3A_238 = tpu.memref_slice %arg9[%dma_start3A, %dma_start3A_236, %dma_start3A_237] : memref<6x40x128xf32, #tpu.memory_space<vmem>> -> memref<1x40x128xf32, #tpu.memory_space<vmem>>
        %dma_start3A_239 = tpu.memref_squeeze %dma_start3A_238 : memref<1x40x128xf32, #tpu.memory_space<vmem>> -> memref<40x128xf32, #tpu.memory_space<vmem>>
        %dma_start3A_240 = arith.constant 0 : i32
        %dma_start3A_241 = tpu.memref_slice %arg8[%dma_start3A_235, %dma_start3A_240] : memref<6x40xi32, #tpu.memory_space<vmem>> -> memref<1x40xi32, #tpu.memory_space<vmem>>
        %dma_start3A_242 = tpu.memref_squeeze %dma_start3A_241 : memref<1x40xi32, #tpu.memory_space<vmem>> -> memref<40xi32, #tpu.memory_space<vmem>>
        %dma_start3A_243 = arith.constant 0 : i32
        %dma_start3A_244 = arith.constant 0 : i32
        %dma_start3A_245 = tpu.memref_slice %arg10[%dma_start3A_243, %dma_start3A_244] : memref<10000x128xf32, #tpu.memory_space<vmem_shared>> -> memref<10000x128xf32, #tpu.memory_space<vmem_shared>>
        tpu.enqueue_indirect_dma source(%dma_start3A_239 : memref<40x128xf32, #tpu.memory_space<vmem>>) target(%dma_start3A_245 : memref<10000x128xf32, #tpu.memory_space<vmem_shared>>) offsets(%dma_start3A_242 : memref<40xi32, #tpu.memory_space<vmem>>) semaphore(%arg26 : memref<!tpu.dma_semaphore, #tpu.memory_space<semaphore_mem>>) {add = true}
      } else {
      }
      %ge3A_79 = arith.constant 1 : i32
      %ge3A_80 = arith.cmpi sge, %add3A_62, %ge3A_79 : i32
      %lt3A_81 = arith.constant 251 : i32
      %lt3A_82 = arith.cmpi slt, %add3A_62, %lt3A_81 : i32
      %and3A_83 = arith.andi %ge3A_80, %lt3A_82 : i1
      %convert_element_type3A_84 = arith.extui %and3A_83 : i1 to i32
      %cond3A_85 = arith.constant 0 : i32
      %cond3A_86 = arith.cmpi ne, %convert_element_type3A_84, %cond3A_85 : i32
      scf.if %cond3A_86 {
        %dma_wait3A = arith.constant 0 : i32
        %dma_wait3A_224 = arith.constant 0 : i32
        %dma_wait3A_225 = tpu.memref_slice %arg7[%dma_wait3A, %dma_wait3A_224] : memref<6x40xi32, #tpu.memory_space<vmem>> -> memref<1x40xi32, #tpu.memory_space<vmem>>
        %dma_wait3A_226 = tpu.memref_squeeze %dma_wait3A_225 : memref<1x40xi32, #tpu.memory_space<vmem>> -> memref<40xi32, #tpu.memory_space<vmem>>
        %dma_wait3A_227 = arith.constant 0 : i32
        %dma_wait3A_228 = tpu.memref_slice %arg3[%dma_wait3A_227] : memref<320000xi32, #tpu.memory_space<hbm>> -> memref<40xi32, #tpu.memory_space<hbm>>
        %dma_wait3A_229 = arith.constant 0 : i32
        %dma_wait3A_230 = tpu.memref_slice %arg7[%dma_wait3A, %dma_wait3A_229] : memref<6x40xi32, #tpu.memory_space<vmem>> -> memref<1x40xi32, #tpu.memory_space<vmem>>
        %dma_wait3A_231 = tpu.memref_squeeze %dma_wait3A_230 : memref<1x40xi32, #tpu.memory_space<vmem>> -> memref<40xi32, #tpu.memory_space<vmem>>
        %dma_wait3A_232 = arith.constant 0 : i32
        %dma_wait3A_233 = tpu.memref_slice %arg3[%dma_wait3A_232] : memref<320000xi32, #tpu.memory_space<hbm>> -> memref<40xi32, #tpu.memory_space<hbm>>
        tpu.wait_dma2 semaphore(%arg11 : memref<!tpu.dma_semaphore, #tpu.memory_space<semaphore_mem>>) src(%dma_wait3A_233 : memref<40xi32, #tpu.memory_space<hbm>>) dst(%dma_wait3A_231 : memref<40xi32, #tpu.memory_space<vmem>>)
        %dma_wait3A_234 = arith.constant 0 : i32
        %dma_wait3A_235 = arith.constant 0 : i32
        %dma_wait3A_236 = tpu.memref_slice %arg8[%dma_wait3A_234, %dma_wait3A_235] : memref<6x40xi32, #tpu.memory_space<vmem>> -> memref<1x40xi32, #tpu.memory_space<vmem>>
        %dma_wait3A_237 = tpu.memref_squeeze %dma_wait3A_236 : memref<1x40xi32, #tpu.memory_space<vmem>> -> memref<40xi32, #tpu.memory_space<vmem>>
        %dma_wait3A_238 = arith.constant 0 : i32
        %dma_wait3A_239 = tpu.memref_slice %arg4[%dma_wait3A_238] : memref<320000xi32, #tpu.memory_space<hbm>> -> memref<40xi32, #tpu.memory_space<hbm>>
        %dma_wait3A_240 = arith.constant 0 : i32
        %dma_wait3A_241 = tpu.memref_slice %arg8[%dma_wait3A_234, %dma_wait3A_240] : memref<6x40xi32, #tpu.memory_space<vmem>> -> memref<1x40xi32, #tpu.memory_space<vmem>>
        %dma_wait3A_242 = tpu.memref_squeeze %dma_wait3A_241 : memref<1x40xi32, #tpu.memory_space<vmem>> -> memref<40xi32, #tpu.memory_space<vmem>>
        %dma_wait3A_243 = arith.constant 0 : i32
        %dma_wait3A_244 = tpu.memref_slice %arg4[%dma_wait3A_243] : memref<320000xi32, #tpu.memory_space<hbm>> -> memref<40xi32, #tpu.memory_space<hbm>>
        tpu.wait_dma2 semaphore(%arg11 : memref<!tpu.dma_semaphore, #tpu.memory_space<semaphore_mem>>) src(%dma_wait3A_244 : memref<40xi32, #tpu.memory_space<hbm>>) dst(%dma_wait3A_242 : memref<40xi32, #tpu.memory_space<vmem>>)
        %dma_start3A = arith.constant 0 : i32
        %dma_start3A_245 = arith.constant 0 : i32
        %dma_start3A_246 = arith.constant 0 : i32
        %dma_start3A_247 = arith.constant 0 : i32
        %dma_start3A_248 = tpu.memref_slice %arg9[%dma_start3A_245, %dma_start3A_246, %dma_start3A_247] : memref<6x40x128xf32, #tpu.memory_space<vmem>> -> memref<1x40x128xf32, #tpu.memory_space<vmem>>
        %dma_start3A_249 = tpu.memref_squeeze %dma_start3A_248 : memref<1x40x128xf32, #tpu.memory_space<vmem>> -> memref<40x128xf32, #tpu.memory_space<vmem>>
        %dma_start3A_250 = arith.constant 0 : i32
        %dma_start3A_251 = tpu.memref_slice %arg7[%dma_start3A, %dma_start3A_250] : memref<6x40xi32, #tpu.memory_space<vmem>> -> memref<1x40xi32, #tpu.memory_space<vmem>>
        %dma_start3A_252 = tpu.memref_squeeze %dma_start3A_251 : memref<1x40xi32, #tpu.memory_space<vmem>> -> memref<40xi32, #tpu.memory_space<vmem>>
        %dma_start3A_253 = arith.constant 0 : i32
        %dma_start3A_254 = arith.constant 0 : i32
        %dma_start3A_255 = tpu.memref_slice %arg2[%dma_start3A_253, %dma_start3A_254] : memref<10000x128xf32, #tpu.memory_space<hbm>> -> memref<10000x128xf32, #tpu.memory_space<hbm>>
        tpu.enqueue_indirect_dma source(%dma_start3A_255 : memref<10000x128xf32, #tpu.memory_space<hbm>>) target(%dma_start3A_249 : memref<40x128xf32, #tpu.memory_space<vmem>>) offsets(%dma_start3A_252 : memref<40xi32, #tpu.memory_space<vmem>>) semaphore(%arg17 : memref<!tpu.dma_semaphore, #tpu.memory_space<semaphore_mem>>)
      } else {
      }
      %lt3A_87 = arith.constant 250 : i32
      %lt3A_88 = arith.cmpi slt, %add3A_62, %lt3A_87 : i32
      %convert_element_type3A_89 = arith.extui %lt3A_88 : i1 to i32
      %cond3A_90 = arith.constant 0 : i32
      %cond3A_91 = arith.cmpi ne, %convert_element_type3A_89, %cond3A_90 : i32
      scf.if %cond3A_91 {
        %mul3A_224 = arith.constant 40 : i32
        %mul3A_225 = arith.muli %add3A_62, %mul3A_224 : i32
        %add3A_226 = arith.addi %mul3A_10, %mul3A_225 : i32
        %multiple_of3A_227 = tpu.assume_multiple %add3A_226, 8 : i32
        %dma_start3A = arith.constant 1 : i32
        %dma_start3A_228 = arith.constant 0 : i32
        %dma_start3A_229 = tpu.memref_slice %arg7[%dma_start3A, %dma_start3A_228] : memref<6x40xi32, #tpu.memory_space<vmem>> -> memref<1x40xi32, #tpu.memory_space<vmem>>
        %dma_start3A_230 = tpu.memref_squeeze %dma_start3A_229 : memref<1x40xi32, #tpu.memory_space<vmem>> -> memref<40xi32, #tpu.memory_space<vmem>>
        %dma_start3A_231 = tpu.memref_slice %arg3[%multiple_of3A_227] : memref<320000xi32, #tpu.memory_space<hbm>> -> memref<40xi32, #tpu.memory_space<hbm>>
        %dma_start3A_232 = arith.constant 0 : i32
        %dma_start3A_233 = tpu.memref_slice %arg7[%dma_start3A, %dma_start3A_232] : memref<6x40xi32, #tpu.memory_space<vmem>> -> memref<1x40xi32, #tpu.memory_space<vmem>>
        %dma_start3A_234 = tpu.memref_squeeze %dma_start3A_233 : memref<1x40xi32, #tpu.memory_space<vmem>> -> memref<40xi32, #tpu.memory_space<vmem>>
        %dma_start3A_235 = tpu.memref_slice %arg3[%multiple_of3A_227] : memref<320000xi32, #tpu.memory_space<hbm>> -> memref<40xi32, #tpu.memory_space<hbm>>
        tpu.enqueue_dma source(%dma_start3A_235 : memref<40xi32, #tpu.memory_space<hbm>>) target(%dma_start3A_234 : memref<40xi32, #tpu.memory_space<vmem>>) target_semaphore(%arg12 : memref<!tpu.dma_semaphore, #tpu.memory_space<semaphore_mem>>)
        %dma_start3A_236 = arith.constant 1 : i32
        %dma_start3A_237 = arith.constant 0 : i32
        %dma_start3A_238 = tpu.memref_slice %arg8[%dma_start3A_236, %dma_start3A_237] : memref<6x40xi32, #tpu.memory_space<vmem>> -> memref<1x40xi32, #tpu.memory_space<vmem>>
        %dma_start3A_239 = tpu.memref_squeeze %dma_start3A_238 : memref<1x40xi32, #tpu.memory_space<vmem>> -> memref<40xi32, #tpu.memory_space<vmem>>
        %dma_start3A_240 = tpu.memref_slice %arg4[%multiple_of3A_227] : memref<320000xi32, #tpu.memory_space<hbm>> -> memref<40xi32, #tpu.memory_space<hbm>>
        %dma_start3A_241 = arith.constant 0 : i32
        %dma_start3A_242 = tpu.memref_slice %arg8[%dma_start3A_236, %dma_start3A_241] : memref<6x40xi32, #tpu.memory_space<vmem>> -> memref<1x40xi32, #tpu.memory_space<vmem>>
        %dma_start3A_243 = tpu.memref_squeeze %dma_start3A_242 : memref<1x40xi32, #tpu.memory_space<vmem>> -> memref<40xi32, #tpu.memory_space<vmem>>
        %dma_start3A_244 = tpu.memref_slice %arg4[%multiple_of3A_227] : memref<320000xi32, #tpu.memory_space<hbm>> -> memref<40xi32, #tpu.memory_space<hbm>>
        tpu.enqueue_dma source(%dma_start3A_244 : memref<40xi32, #tpu.memory_space<hbm>>) target(%dma_start3A_243 : memref<40xi32, #tpu.memory_space<vmem>>) target_semaphore(%arg12 : memref<!tpu.dma_semaphore, #tpu.memory_space<semaphore_mem>>)
      } else {
      }
      %mul3A_92 = arith.constant 6 : i32
      %mul3A_93 = arith.muli %mul3A_92, %scan3A_27 : i32
      %add3A_94 = arith.constant 2 : i32
      %add3A_95 = arith.addi %mul3A_93, %add3A_94 : i32
      %ge3A_96 = arith.constant 5 : i32
      %ge3A_97 = arith.cmpi sge, %add3A_95, %ge3A_96 : i32
      %lt3A_98 = arith.constant 255 : i32
      %lt3A_99 = arith.cmpi slt, %add3A_95, %lt3A_98 : i32
      %and3A_100 = arith.andi %ge3A_97, %lt3A_99 : i1
      %convert_element_type3A_101 = arith.extui %and3A_100 : i1 to i32
      %cond3A_102 = arith.constant 0 : i32
      %cond3A_103 = arith.cmpi ne, %convert_element_type3A_101, %cond3A_102 : i32
      scf.if %cond3A_103 {
        %dma_wait3A = arith.constant 3 : i32
        %dma_wait3A_224 = arith.constant 3 : i32
        %dma_wait3A_225 = arith.constant 0 : i32
        %dma_wait3A_226 = arith.constant 0 : i32
        %dma_wait3A_227 = tpu.memref_slice %arg9[%dma_wait3A, %dma_wait3A_225, %dma_wait3A_226] : memref<6x40x128xf32, #tpu.memory_space<vmem>> -> memref<1x40x128xf32, #tpu.memory_space<vmem>>
        %dma_wait3A_228 = tpu.memref_squeeze %dma_wait3A_227 : memref<1x40x128xf32, #tpu.memory_space<vmem>> -> memref<40x128xf32, #tpu.memory_space<vmem>>
        %dma_wait3A_229 = arith.constant 0 : i32
        %dma_wait3A_230 = tpu.memref_slice %arg8[%dma_wait3A_224, %dma_wait3A_229] : memref<6x40xi32, #tpu.memory_space<vmem>> -> memref<1x40xi32, #tpu.memory_space<vmem>>
        %dma_wait3A_231 = tpu.memref_squeeze %dma_wait3A_230 : memref<1x40xi32, #tpu.memory_space<vmem>> -> memref<40xi32, #tpu.memory_space<vmem>>
        %dma_wait3A_232 = arith.constant 0 : i32
        %dma_wait3A_233 = arith.constant 0 : i32
        %dma_wait3A_234 = tpu.memref_slice %arg10[%dma_wait3A_232, %dma_wait3A_233] : memref<10000x128xf32, #tpu.memory_space<vmem_shared>> -> memref<10000x128xf32, #tpu.memory_space<vmem_shared>>
        tpu.wait_indirect_dma semaphore(%arg26 : memref<!tpu.dma_semaphore, #tpu.memory_space<semaphore_mem>>) src(%dma_wait3A_228 : memref<40x128xf32, #tpu.memory_space<vmem>>) dst(%dma_wait3A_234 : memref<10000x128xf32, #tpu.memory_space<vmem_shared>>)
      } else {
      }
      %ge3A_104 = arith.constant 4 : i32
      %ge3A_105 = arith.cmpi sge, %add3A_95, %ge3A_104 : i32
      %lt3A_106 = arith.constant 254 : i32
      %lt3A_107 = arith.cmpi slt, %add3A_95, %lt3A_106 : i32
      %and3A_108 = arith.andi %ge3A_105, %lt3A_107 : i1
      %convert_element_type3A_109 = arith.extui %and3A_108 : i1 to i32
      %cond3A_110 = arith.constant 0 : i32
      %cond3A_111 = arith.cmpi ne, %convert_element_type3A_109, %cond3A_110 : i32
      scf.if %cond3A_111 {
        %dma_wait3A = arith.constant 4 : i32
        %dma_wait3A_224 = arith.constant 4 : i32
        %dma_wait3A_225 = arith.constant 0 : i32
        %dma_wait3A_226 = arith.constant 0 : i32
        %dma_wait3A_227 = tpu.memref_slice %arg9[%dma_wait3A_224, %dma_wait3A_225, %dma_wait3A_226] : memref<6x40x128xf32, #tpu.memory_space<vmem>> -> memref<1x40x128xf32, #tpu.memory_space<vmem>>
        %dma_wait3A_228 = tpu.memref_squeeze %dma_wait3A_227 : memref<1x40x128xf32, #tpu.memory_space<vmem>> -> memref<40x128xf32, #tpu.memory_space<vmem>>
        %dma_wait3A_229 = arith.constant 0 : i32
        %dma_wait3A_230 = tpu.memref_slice %arg7[%dma_wait3A, %dma_wait3A_229] : memref<6x40xi32, #tpu.memory_space<vmem>> -> memref<1x40xi32, #tpu.memory_space<vmem>>
        %dma_wait3A_231 = tpu.memref_squeeze %dma_wait3A_230 : memref<1x40xi32, #tpu.memory_space<vmem>> -> memref<40xi32, #tpu.memory_space<vmem>>
        %dma_wait3A_232 = arith.constant 0 : i32
        %dma_wait3A_233 = arith.constant 0 : i32
        %dma_wait3A_234 = tpu.memref_slice %arg2[%dma_wait3A_232, %dma_wait3A_233] : memref<10000x128xf32, #tpu.memory_space<hbm>> -> memref<10000x128xf32, #tpu.memory_space<hbm>>
        tpu.wait_indirect_dma semaphore(%arg21 : memref<!tpu.dma_semaphore, #tpu.memory_space<semaphore_mem>>) src(%dma_wait3A_234 : memref<10000x128xf32, #tpu.memory_space<hbm>>) dst(%dma_wait3A_228 : memref<40x128xf32, #tpu.memory_space<vmem>>)
        %dma_start3A = arith.constant 4 : i32
        %dma_start3A_235 = arith.constant 4 : i32
        %dma_start3A_236 = arith.constant 0 : i32
        %dma_start3A_237 = arith.constant 0 : i32
        %dma_start3A_238 = tpu.memref_slice %arg9[%dma_start3A, %dma_start3A_236, %dma_start3A_237] : memref<6x40x128xf32, #tpu.memory_space<vmem>> -> memref<1x40x128xf32, #tpu.memory_space<vmem>>
        %dma_start3A_239 = tpu.memref_squeeze %dma_start3A_238 : memref<1x40x128xf32, #tpu.memory_space<vmem>> -> memref<40x128xf32, #tpu.memory_space<vmem>>
        %dma_start3A_240 = arith.constant 0 : i32
        %dma_start3A_241 = tpu.memref_slice %arg8[%dma_start3A_235, %dma_start3A_240] : memref<6x40xi32, #tpu.memory_space<vmem>> -> memref<1x40xi32, #tpu.memory_space<vmem>>
        %dma_start3A_242 = tpu.memref_squeeze %dma_start3A_241 : memref<1x40xi32, #tpu.memory_space<vmem>> -> memref<40xi32, #tpu.memory_space<vmem>>
        %dma_start3A_243 = arith.constant 0 : i32
        %dma_start3A_244 = arith.constant 0 : i32
        %dma_start3A_245 = tpu.memref_slice %arg10[%dma_start3A_243, %dma_start3A_244] : memref<10000x128xf32, #tpu.memory_space<vmem_shared>> -> memref<10000x128xf32, #tpu.memory_space<vmem_shared>>
        tpu.enqueue_indirect_dma source(%dma_start3A_239 : memref<40x128xf32, #tpu.memory_space<vmem>>) target(%dma_start3A_245 : memref<10000x128xf32, #tpu.memory_space<vmem_shared>>) offsets(%dma_start3A_242 : memref<40xi32, #tpu.memory_space<vmem>>) semaphore(%arg27 : memref<!tpu.dma_semaphore, #tpu.memory_space<semaphore_mem>>) {add = true}
      } else {
      }
      %ge3A_112 = arith.constant 1 : i32
      %ge3A_113 = arith.cmpi sge, %add3A_95, %ge3A_112 : i32
      %lt3A_114 = arith.constant 251 : i32
      %lt3A_115 = arith.cmpi slt, %add3A_95, %lt3A_114 : i32
      %and3A_116 = arith.andi %ge3A_113, %lt3A_115 : i1
      %convert_element_type3A_117 = arith.extui %and3A_116 : i1 to i32
      %cond3A_118 = arith.constant 0 : i32
      %cond3A_119 = arith.cmpi ne, %convert_element_type3A_117, %cond3A_118 : i32
      scf.if %cond3A_119 {
        %dma_wait3A = arith.constant 1 : i32
        %dma_wait3A_224 = arith.constant 0 : i32
        %dma_wait3A_225 = tpu.memref_slice %arg7[%dma_wait3A, %dma_wait3A_224] : memref<6x40xi32, #tpu.memory_space<vmem>> -> memref<1x40xi32, #tpu.memory_space<vmem>>
        %dma_wait3A_226 = tpu.memref_squeeze %dma_wait3A_225 : memref<1x40xi32, #tpu.memory_space<vmem>> -> memref<40xi32, #tpu.memory_space<vmem>>
        %dma_wait3A_227 = arith.constant 0 : i32
        %dma_wait3A_228 = tpu.memref_slice %arg3[%dma_wait3A_227] : memref<320000xi32, #tpu.memory_space<hbm>> -> memref<40xi32, #tpu.memory_space<hbm>>
        %dma_wait3A_229 = arith.constant 0 : i32
        %dma_wait3A_230 = tpu.memref_slice %arg7[%dma_wait3A, %dma_wait3A_229] : memref<6x40xi32, #tpu.memory_space<vmem>> -> memref<1x40xi32, #tpu.memory_space<vmem>>
        %dma_wait3A_231 = tpu.memref_squeeze %dma_wait3A_230 : memref<1x40xi32, #tpu.memory_space<vmem>> -> memref<40xi32, #tpu.memory_space<vmem>>
        %dma_wait3A_232 = arith.constant 0 : i32
        %dma_wait3A_233 = tpu.memref_slice %arg3[%dma_wait3A_232] : memref<320000xi32, #tpu.memory_space<hbm>> -> memref<40xi32, #tpu.memory_space<hbm>>
        tpu.wait_dma2 semaphore(%arg12 : memref<!tpu.dma_semaphore, #tpu.memory_space<semaphore_mem>>) src(%dma_wait3A_233 : memref<40xi32, #tpu.memory_space<hbm>>) dst(%dma_wait3A_231 : memref<40xi32, #tpu.memory_space<vmem>>)
        %dma_wait3A_234 = arith.constant 1 : i32
        %dma_wait3A_235 = arith.constant 0 : i32
        %dma_wait3A_236 = tpu.memref_slice %arg8[%dma_wait3A_234, %dma_wait3A_235] : memref<6x40xi32, #tpu.memory_space<vmem>> -> memref<1x40xi32, #tpu.memory_space<vmem>>
        %dma_wait3A_237 = tpu.memref_squeeze %dma_wait3A_236 : memref<1x40xi32, #tpu.memory_space<vmem>> -> memref<40xi32, #tpu.memory_space<vmem>>
        %dma_wait3A_238 = arith.constant 0 : i32
        %dma_wait3A_239 = tpu.memref_slice %arg4[%dma_wait3A_238] : memref<320000xi32, #tpu.memory_space<hbm>> -> memref<40xi32, #tpu.memory_space<hbm>>
        %dma_wait3A_240 = arith.constant 0 : i32
        %dma_wait3A_241 = tpu.memref_slice %arg8[%dma_wait3A_234, %dma_wait3A_240] : memref<6x40xi32, #tpu.memory_space<vmem>> -> memref<1x40xi32, #tpu.memory_space<vmem>>
        %dma_wait3A_242 = tpu.memref_squeeze %dma_wait3A_241 : memref<1x40xi32, #tpu.memory_space<vmem>> -> memref<40xi32, #tpu.memory_space<vmem>>
        %dma_wait3A_243 = arith.constant 0 : i32
        %dma_wait3A_244 = tpu.memref_slice %arg4[%dma_wait3A_243] : memref<320000xi32, #tpu.memory_space<hbm>> -> memref<40xi32, #tpu.memory_space<hbm>>
        tpu.wait_dma2 semaphore(%arg12 : memref<!tpu.dma_semaphore, #tpu.memory_space<semaphore_mem>>) src(%dma_wait3A_244 : memref<40xi32, #tpu.memory_space<hbm>>) dst(%dma_wait3A_242 : memref<40xi32, #tpu.memory_space<vmem>>)
        %dma_start3A = arith.constant 1 : i32
        %dma_start3A_245 = arith.constant 1 : i32
        %dma_start3A_246 = arith.constant 0 : i32
        %dma_start3A_247 = arith.constant 0 : i32
        %dma_start3A_248 = tpu.memref_slice %arg9[%dma_start3A_245, %dma_start3A_246, %dma_start3A_247] : memref<6x40x128xf32, #tpu.memory_space<vmem>> -> memref<1x40x128xf32, #tpu.memory_space<vmem>>
        %dma_start3A_249 = tpu.memref_squeeze %dma_start3A_248 : memref<1x40x128xf32, #tpu.memory_space<vmem>> -> memref<40x128xf32, #tpu.memory_space<vmem>>
        %dma_start3A_250 = arith.constant 0 : i32
        %dma_start3A_251 = tpu.memref_slice %arg7[%dma_start3A, %dma_start3A_250] : memref<6x40xi32, #tpu.memory_space<vmem>> -> memref<1x40xi32, #tpu.memory_space<vmem>>
        %dma_start3A_252 = tpu.memref_squeeze %dma_start3A_251 : memref<1x40xi32, #tpu.memory_space<vmem>> -> memref<40xi32, #tpu.memory_space<vmem>>
        %dma_start3A_253 = arith.constant 0 : i32
        %dma_start3A_254 = arith.constant 0 : i32
        %dma_start3A_255 = tpu.memref_slice %arg2[%dma_start3A_253, %dma_start3A_254] : memref<10000x128xf32, #tpu.memory_space<hbm>> -> memref<10000x128xf32, #tpu.memory_space<hbm>>
        tpu.enqueue_indirect_dma source(%dma_start3A_255 : memref<10000x128xf32, #tpu.memory_space<hbm>>) target(%dma_start3A_249 : memref<40x128xf32, #tpu.memory_space<vmem>>) offsets(%dma_start3A_252 : memref<40xi32, #tpu.memory_space<vmem>>) semaphore(%arg18 : memref<!tpu.dma_semaphore, #tpu.memory_space<semaphore_mem>>)
      } else {
      }
      %lt3A_120 = arith.constant 250 : i32
      %lt3A_121 = arith.cmpi slt, %add3A_95, %lt3A_120 : i32
      %convert_element_type3A_122 = arith.extui %lt3A_121 : i1 to i32
      %cond3A_123 = arith.constant 0 : i32
      %cond3A_124 = arith.cmpi ne, %convert_element_type3A_122, %cond3A_123 : i32
      scf.if %cond3A_124 {
        %mul3A_224 = arith.constant 40 : i32
        %mul3A_225 = arith.muli %add3A_95, %mul3A_224 : i32
        %add3A_226 = arith.addi %mul3A_10, %mul3A_225 : i32
        %multiple_of3A_227 = tpu.assume_multiple %add3A_226, 8 : i32
        %dma_start3A = arith.constant 2 : i32
        %dma_start3A_228 = arith.constant 0 : i32
        %dma_start3A_229 = tpu.memref_slice %arg7[%dma_start3A, %dma_start3A_228] : memref<6x40xi32, #tpu.memory_space<vmem>> -> memref<1x40xi32, #tpu.memory_space<vmem>>
        %dma_start3A_230 = tpu.memref_squeeze %dma_start3A_229 : memref<1x40xi32, #tpu.memory_space<vmem>> -> memref<40xi32, #tpu.memory_space<vmem>>
        %dma_start3A_231 = tpu.memref_slice %arg3[%multiple_of3A_227] : memref<320000xi32, #tpu.memory_space<hbm>> -> memref<40xi32, #tpu.memory_space<hbm>>
        %dma_start3A_232 = arith.constant 0 : i32
        %dma_start3A_233 = tpu.memref_slice %arg7[%dma_start3A, %dma_start3A_232] : memref<6x40xi32, #tpu.memory_space<vmem>> -> memref<1x40xi32, #tpu.memory_space<vmem>>
        %dma_start3A_234 = tpu.memref_squeeze %dma_start3A_233 : memref<1x40xi32, #tpu.memory_space<vmem>> -> memref<40xi32, #tpu.memory_space<vmem>>
        %dma_start3A_235 = tpu.memref_slice %arg3[%multiple_of3A_227] : memref<320000xi32, #tpu.memory_space<hbm>> -> memref<40xi32, #tpu.memory_space<hbm>>
        tpu.enqueue_dma source(%dma_start3A_235 : memref<40xi32, #tpu.memory_space<hbm>>) target(%dma_start3A_234 : memref<40xi32, #tpu.memory_space<vmem>>) target_semaphore(%arg13 : memref<!tpu.dma_semaphore, #tpu.memory_space<semaphore_mem>>)
        %dma_start3A_236 = arith.constant 2 : i32
        %dma_start3A_237 = arith.constant 0 : i32
        %dma_start3A_238 = tpu.memref_slice %arg8[%dma_start3A_236, %dma_start3A_237] : memref<6x40xi32, #tpu.memory_space<vmem>> -> memref<1x40xi32, #tpu.memory_space<vmem>>
        %dma_start3A_239 = tpu.memref_squeeze %dma_start3A_238 : memref<1x40xi32, #tpu.memory_space<vmem>> -> memref<40xi32, #tpu.memory_space<vmem>>
        %dma_start3A_240 = tpu.memref_slice %arg4[%multiple_of3A_227] : memref<320000xi32, #tpu.memory_space<hbm>> -> memref<40xi32, #tpu.memory_space<hbm>>
        %dma_start3A_241 = arith.constant 0 : i32
        %dma_start3A_242 = tpu.memref_slice %arg8[%dma_start3A_236, %dma_start3A_241] : memref<6x40xi32, #tpu.memory_space<vmem>> -> memref<1x40xi32, #tpu.memory_space<vmem>>
        %dma_start3A_243 = tpu.memref_squeeze %dma_start3A_242 : memref<1x40xi32, #tpu.memory_space<vmem>> -> memref<40xi32, #tpu.memory_space<vmem>>
        %dma_start3A_244 = tpu.memref_slice %arg4[%multiple_of3A_227] : memref<320000xi32, #tpu.memory_space<hbm>> -> memref<40xi32, #tpu.memory_space<hbm>>
        tpu.enqueue_dma source(%dma_start3A_244 : memref<40xi32, #tpu.memory_space<hbm>>) target(%dma_start3A_243 : memref<40xi32, #tpu.memory_space<vmem>>) target_semaphore(%arg13 : memref<!tpu.dma_semaphore, #tpu.memory_space<semaphore_mem>>)
      } else {
      }
      %mul3A_125 = arith.constant 6 : i32
      %mul3A_126 = arith.muli %mul3A_125, %scan3A_27 : i32
      %add3A_127 = arith.constant 3 : i32
      %add3A_128 = arith.addi %mul3A_126, %add3A_127 : i32
      %ge3A_129 = arith.constant 5 : i32
      %ge3A_130 = arith.cmpi sge, %add3A_128, %ge3A_129 : i32
      %lt3A_131 = arith.constant 255 : i32
      %lt3A_132 = arith.cmpi slt, %add3A_128, %lt3A_131 : i32
      %and3A_133 = arith.andi %ge3A_130, %lt3A_132 : i1
      %convert_element_type3A_134 = arith.extui %and3A_133 : i1 to i32
      %cond3A_135 = arith.constant 0 : i32
      %cond3A_136 = arith.cmpi ne, %convert_element_type3A_134, %cond3A_135 : i32
      scf.if %cond3A_136 {
        %dma_wait3A = arith.constant 4 : i32
        %dma_wait3A_224 = arith.constant 4 : i32
        %dma_wait3A_225 = arith.constant 0 : i32
        %dma_wait3A_226 = arith.constant 0 : i32
        %dma_wait3A_227 = tpu.memref_slice %arg9[%dma_wait3A, %dma_wait3A_225, %dma_wait3A_226] : memref<6x40x128xf32, #tpu.memory_space<vmem>> -> memref<1x40x128xf32, #tpu.memory_space<vmem>>
        %dma_wait3A_228 = tpu.memref_squeeze %dma_wait3A_227 : memref<1x40x128xf32, #tpu.memory_space<vmem>> -> memref<40x128xf32, #tpu.memory_space<vmem>>
        %dma_wait3A_229 = arith.constant 0 : i32
        %dma_wait3A_230 = tpu.memref_slice %arg8[%dma_wait3A_224, %dma_wait3A_229] : memref<6x40xi32, #tpu.memory_space<vmem>> -> memref<1x40xi32, #tpu.memory_space<vmem>>
        %dma_wait3A_231 = tpu.memref_squeeze %dma_wait3A_230 : memref<1x40xi32, #tpu.memory_space<vmem>> -> memref<40xi32, #tpu.memory_space<vmem>>
        %dma_wait3A_232 = arith.constant 0 : i32
        %dma_wait3A_233 = arith.constant 0 : i32
        %dma_wait3A_234 = tpu.memref_slice %arg10[%dma_wait3A_232, %dma_wait3A_233] : memref<10000x128xf32, #tpu.memory_space<vmem_shared>> -> memref<10000x128xf32, #tpu.memory_space<vmem_shared>>
        tpu.wait_indirect_dma semaphore(%arg27 : memref<!tpu.dma_semaphore, #tpu.memory_space<semaphore_mem>>) src(%dma_wait3A_228 : memref<40x128xf32, #tpu.memory_space<vmem>>) dst(%dma_wait3A_234 : memref<10000x128xf32, #tpu.memory_space<vmem_shared>>)
      } else {
      }
      %ge3A_137 = arith.constant 4 : i32
      %ge3A_138 = arith.cmpi sge, %add3A_128, %ge3A_137 : i32
      %lt3A_139 = arith.constant 254 : i32
      %lt3A_140 = arith.cmpi slt, %add3A_128, %lt3A_139 : i32
      %and3A_141 = arith.andi %ge3A_138, %lt3A_140 : i1
      %convert_element_type3A_142 = arith.extui %and3A_141 : i1 to i32
      %cond3A_143 = arith.constant 0 : i32
      %cond3A_144 = arith.cmpi ne, %convert_element_type3A_142, %cond3A_143 : i32
      scf.if %cond3A_144 {
        %dma_wait3A = arith.constant 5 : i32
        %dma_wait3A_224 = arith.constant 5 : i32
        %dma_wait3A_225 = arith.constant 0 : i32
        %dma_wait3A_226 = arith.constant 0 : i32
        %dma_wait3A_227 = tpu.memref_slice %arg9[%dma_wait3A_224, %dma_wait3A_225, %dma_wait3A_226] : memref<6x40x128xf32, #tpu.memory_space<vmem>> -> memref<1x40x128xf32, #tpu.memory_space<vmem>>
        %dma_wait3A_228 = tpu.memref_squeeze %dma_wait3A_227 : memref<1x40x128xf32, #tpu.memory_space<vmem>> -> memref<40x128xf32, #tpu.memory_space<vmem>>
        %dma_wait3A_229 = arith.constant 0 : i32
        %dma_wait3A_230 = tpu.memref_slice %arg7[%dma_wait3A, %dma_wait3A_229] : memref<6x40xi32, #tpu.memory_space<vmem>> -> memref<1x40xi32, #tpu.memory_space<vmem>>
        %dma_wait3A_231 = tpu.memref_squeeze %dma_wait3A_230 : memref<1x40xi32, #tpu.memory_space<vmem>> -> memref<40xi32, #tpu.memory_space<vmem>>
        %dma_wait3A_232 = arith.constant 0 : i32
        %dma_wait3A_233 = arith.constant 0 : i32
        %dma_wait3A_234 = tpu.memref_slice %arg2[%dma_wait3A_232, %dma_wait3A_233] : memref<10000x128xf32, #tpu.memory_space<hbm>> -> memref<10000x128xf32, #tpu.memory_space<hbm>>
        tpu.wait_indirect_dma semaphore(%arg22 : memref<!tpu.dma_semaphore, #tpu.memory_space<semaphore_mem>>) src(%dma_wait3A_234 : memref<10000x128xf32, #tpu.memory_space<hbm>>) dst(%dma_wait3A_228 : memref<40x128xf32, #tpu.memory_space<vmem>>)
        %dma_start3A = arith.constant 5 : i32
        %dma_start3A_235 = arith.constant 5 : i32
        %dma_start3A_236 = arith.constant 0 : i32
        %dma_start3A_237 = arith.constant 0 : i32
        %dma_start3A_238 = tpu.memref_slice %arg9[%dma_start3A, %dma_start3A_236, %dma_start3A_237] : memref<6x40x128xf32, #tpu.memory_space<vmem>> -> memref<1x40x128xf32, #tpu.memory_space<vmem>>
        %dma_start3A_239 = tpu.memref_squeeze %dma_start3A_238 : memref<1x40x128xf32, #tpu.memory_space<vmem>> -> memref<40x128xf32, #tpu.memory_space<vmem>>
        %dma_start3A_240 = arith.constant 0 : i32
        %dma_start3A_241 = tpu.memref_slice %arg8[%dma_start3A_235, %dma_start3A_240] : memref<6x40xi32, #tpu.memory_space<vmem>> -> memref<1x40xi32, #tpu.memory_space<vmem>>
        %dma_start3A_242 = tpu.memref_squeeze %dma_start3A_241 : memref<1x40xi32, #tpu.memory_space<vmem>> -> memref<40xi32, #tpu.memory_space<vmem>>
        %dma_start3A_243 = arith.constant 0 : i32
        %dma_start3A_244 = arith.constant 0 : i32
        %dma_start3A_245 = tpu.memref_slice %arg10[%dma_start3A_243, %dma_start3A_244] : memref<10000x128xf32, #tpu.memory_space<vmem_shared>> -> memref<10000x128xf32, #tpu.memory_space<vmem_shared>>
        tpu.enqueue_indirect_dma source(%dma_start3A_239 : memref<40x128xf32, #tpu.memory_space<vmem>>) target(%dma_start3A_245 : memref<10000x128xf32, #tpu.memory_space<vmem_shared>>) offsets(%dma_start3A_242 : memref<40xi32, #tpu.memory_space<vmem>>) semaphore(%arg28 : memref<!tpu.dma_semaphore, #tpu.memory_space<semaphore_mem>>) {add = true}
      } else {
      }
      %ge3A_145 = arith.constant 1 : i32
      %ge3A_146 = arith.cmpi sge, %add3A_128, %ge3A_145 : i32
      %lt3A_147 = arith.constant 251 : i32
      %lt3A_148 = arith.cmpi slt, %add3A_128, %lt3A_147 : i32
      %and3A_149 = arith.andi %ge3A_146, %lt3A_148 : i1
      %convert_element_type3A_150 = arith.extui %and3A_149 : i1 to i32
      %cond3A_151 = arith.constant 0 : i32
      %cond3A_152 = arith.cmpi ne, %convert_element_type3A_150, %cond3A_151 : i32
      scf.if %cond3A_152 {
        %dma_wait3A = arith.constant 2 : i32
        %dma_wait3A_224 = arith.constant 0 : i32
        %dma_wait3A_225 = tpu.memref_slice %arg7[%dma_wait3A, %dma_wait3A_224] : memref<6x40xi32, #tpu.memory_space<vmem>> -> memref<1x40xi32, #tpu.memory_space<vmem>>
        %dma_wait3A_226 = tpu.memref_squeeze %dma_wait3A_225 : memref<1x40xi32, #tpu.memory_space<vmem>> -> memref<40xi32, #tpu.memory_space<vmem>>
        %dma_wait3A_227 = arith.constant 0 : i32
        %dma_wait3A_228 = tpu.memref_slice %arg3[%dma_wait3A_227] : memref<320000xi32, #tpu.memory_space<hbm>> -> memref<40xi32, #tpu.memory_space<hbm>>
        %dma_wait3A_229 = arith.constant 0 : i32
        %dma_wait3A_230 = tpu.memref_slice %arg7[%dma_wait3A, %dma_wait3A_229] : memref<6x40xi32, #tpu.memory_space<vmem>> -> memref<1x40xi32, #tpu.memory_space<vmem>>
        %dma_wait3A_231 = tpu.memref_squeeze %dma_wait3A_230 : memref<1x40xi32, #tpu.memory_space<vmem>> -> memref<40xi32, #tpu.memory_space<vmem>>
        %dma_wait3A_232 = arith.constant 0 : i32
        %dma_wait3A_233 = tpu.memref_slice %arg3[%dma_wait3A_232] : memref<320000xi32, #tpu.memory_space<hbm>> -> memref<40xi32, #tpu.memory_space<hbm>>
        tpu.wait_dma2 semaphore(%arg13 : memref<!tpu.dma_semaphore, #tpu.memory_space<semaphore_mem>>) src(%dma_wait3A_233 : memref<40xi32, #tpu.memory_space<hbm>>) dst(%dma_wait3A_231 : memref<40xi32, #tpu.memory_space<vmem>>)
        %dma_wait3A_234 = arith.constant 2 : i32
        %dma_wait3A_235 = arith.constant 0 : i32
        %dma_wait3A_236 = tpu.memref_slice %arg8[%dma_wait3A_234, %dma_wait3A_235] : memref<6x40xi32, #tpu.memory_space<vmem>> -> memref<1x40xi32, #tpu.memory_space<vmem>>
        %dma_wait3A_237 = tpu.memref_squeeze %dma_wait3A_236 : memref<1x40xi32, #tpu.memory_space<vmem>> -> memref<40xi32, #tpu.memory_space<vmem>>
        %dma_wait3A_238 = arith.constant 0 : i32
        %dma_wait3A_239 = tpu.memref_slice %arg4[%dma_wait3A_238] : memref<320000xi32, #tpu.memory_space<hbm>> -> memref<40xi32, #tpu.memory_space<hbm>>
        %dma_wait3A_240 = arith.constant 0 : i32
        %dma_wait3A_241 = tpu.memref_slice %arg8[%dma_wait3A_234, %dma_wait3A_240] : memref<6x40xi32, #tpu.memory_space<vmem>> -> memref<1x40xi32, #tpu.memory_space<vmem>>
        %dma_wait3A_242 = tpu.memref_squeeze %dma_wait3A_241 : memref<1x40xi32, #tpu.memory_space<vmem>> -> memref<40xi32, #tpu.memory_space<vmem>>
        %dma_wait3A_243 = arith.constant 0 : i32
        %dma_wait3A_244 = tpu.memref_slice %arg4[%dma_wait3A_243] : memref<320000xi32, #tpu.memory_space<hbm>> -> memref<40xi32, #tpu.memory_space<hbm>>
        tpu.wait_dma2 semaphore(%arg13 : memref<!tpu.dma_semaphore, #tpu.memory_space<semaphore_mem>>) src(%dma_wait3A_244 : memref<40xi32, #tpu.memory_space<hbm>>) dst(%dma_wait3A_242 : memref<40xi32, #tpu.memory_space<vmem>>)
        %dma_start3A = arith.constant 2 : i32
        %dma_start3A_245 = arith.constant 2 : i32
        %dma_start3A_246 = arith.constant 0 : i32
        %dma_start3A_247 = arith.constant 0 : i32
        %dma_start3A_248 = tpu.memref_slice %arg9[%dma_start3A_245, %dma_start3A_246, %dma_start3A_247] : memref<6x40x128xf32, #tpu.memory_space<vmem>> -> memref<1x40x128xf32, #tpu.memory_space<vmem>>
        %dma_start3A_249 = tpu.memref_squeeze %dma_start3A_248 : memref<1x40x128xf32, #tpu.memory_space<vmem>> -> memref<40x128xf32, #tpu.memory_space<vmem>>
        %dma_start3A_250 = arith.constant 0 : i32
        %dma_start3A_251 = tpu.memref_slice %arg7[%dma_start3A, %dma_start3A_250] : memref<6x40xi32, #tpu.memory_space<vmem>> -> memref<1x40xi32, #tpu.memory_space<vmem>>
        %dma_start3A_252 = tpu.memref_squeeze %dma_start3A_251 : memref<1x40xi32, #tpu.memory_space<vmem>> -> memref<40xi32, #tpu.memory_space<vmem>>
        %dma_start3A_253 = arith.constant 0 : i32
        %dma_start3A_254 = arith.constant 0 : i32
        %dma_start3A_255 = tpu.memref_slice %arg2[%dma_start3A_253, %dma_start3A_254] : memref<10000x128xf32, #tpu.memory_space<hbm>> -> memref<10000x128xf32, #tpu.memory_space<hbm>>
        tpu.enqueue_indirect_dma source(%dma_start3A_255 : memref<10000x128xf32, #tpu.memory_space<hbm>>) target(%dma_start3A_249 : memref<40x128xf32, #tpu.memory_space<vmem>>) offsets(%dma_start3A_252 : memref<40xi32, #tpu.memory_space<vmem>>) semaphore(%arg19 : memref<!tpu.dma_semaphore, #tpu.memory_space<semaphore_mem>>)
      } else {
      }
      %lt3A_153 = arith.constant 250 : i32
      %lt3A_154 = arith.cmpi slt, %add3A_128, %lt3A_153 : i32
      %convert_element_type3A_155 = arith.extui %lt3A_154 : i1 to i32
      %cond3A_156 = arith.constant 0 : i32
      %cond3A_157 = arith.cmpi ne, %convert_element_type3A_155, %cond3A_156 : i32
      scf.if %cond3A_157 {
        %mul3A_224 = arith.constant 40 : i32
        %mul3A_225 = arith.muli %add3A_128, %mul3A_224 : i32
        %add3A_226 = arith.addi %mul3A_10, %mul3A_225 : i32
        %multiple_of3A_227 = tpu.assume_multiple %add3A_226, 8 : i32
        %dma_start3A = arith.constant 3 : i32
        %dma_start3A_228 = arith.constant 0 : i32
        %dma_start3A_229 = tpu.memref_slice %arg7[%dma_start3A, %dma_start3A_228] : memref<6x40xi32, #tpu.memory_space<vmem>> -> memref<1x40xi32, #tpu.memory_space<vmem>>
        %dma_start3A_230 = tpu.memref_squeeze %dma_start3A_229 : memref<1x40xi32, #tpu.memory_space<vmem>> -> memref<40xi32, #tpu.memory_space<vmem>>
        %dma_start3A_231 = tpu.memref_slice %arg3[%multiple_of3A_227] : memref<320000xi32, #tpu.memory_space<hbm>> -> memref<40xi32, #tpu.memory_space<hbm>>
        %dma_start3A_232 = arith.constant 0 : i32
        %dma_start3A_233 = tpu.memref_slice %arg7[%dma_start3A, %dma_start3A_232] : memref<6x40xi32, #tpu.memory_space<vmem>> -> memref<1x40xi32, #tpu.memory_space<vmem>>
        %dma_start3A_234 = tpu.memref_squeeze %dma_start3A_233 : memref<1x40xi32, #tpu.memory_space<vmem>> -> memref<40xi32, #tpu.memory_space<vmem>>
        %dma_start3A_235 = tpu.memref_slice %arg3[%multiple_of3A_227] : memref<320000xi32, #tpu.memory_space<hbm>> -> memref<40xi32, #tpu.memory_space<hbm>>
        tpu.enqueue_dma source(%dma_start3A_235 : memref<40xi32, #tpu.memory_space<hbm>>) target(%dma_start3A_234 : memref<40xi32, #tpu.memory_space<vmem>>) target_semaphore(%arg14 : memref<!tpu.dma_semaphore, #tpu.memory_space<semaphore_mem>>)
        %dma_start3A_236 = arith.constant 3 : i32
        %dma_start3A_237 = arith.constant 0 : i32
        %dma_start3A_238 = tpu.memref_slice %arg8[%dma_start3A_236, %dma_start3A_237] : memref<6x40xi32, #tpu.memory_space<vmem>> -> memref<1x40xi32, #tpu.memory_space<vmem>>
        %dma_start3A_239 = tpu.memref_squeeze %dma_start3A_238 : memref<1x40xi32, #tpu.memory_space<vmem>> -> memref<40xi32, #tpu.memory_space<vmem>>
        %dma_start3A_240 = tpu.memref_slice %arg4[%multiple_of3A_227] : memref<320000xi32, #tpu.memory_space<hbm>> -> memref<40xi32, #tpu.memory_space<hbm>>
        %dma_start3A_241 = arith.constant 0 : i32
        %dma_start3A_242 = tpu.memref_slice %arg8[%dma_start3A_236, %dma_start3A_241] : memref<6x40xi32, #tpu.memory_space<vmem>> -> memref<1x40xi32, #tpu.memory_space<vmem>>
        %dma_start3A_243 = tpu.memref_squeeze %dma_start3A_242 : memref<1x40xi32, #tpu.memory_space<vmem>> -> memref<40xi32, #tpu.memory_space<vmem>>
        %dma_start3A_244 = tpu.memref_slice %arg4[%multiple_of3A_227] : memref<320000xi32, #tpu.memory_space<hbm>> -> memref<40xi32, #tpu.memory_space<hbm>>
        tpu.enqueue_dma source(%dma_start3A_244 : memref<40xi32, #tpu.memory_space<hbm>>) target(%dma_start3A_243 : memref<40xi32, #tpu.memory_space<vmem>>) target_semaphore(%arg14 : memref<!tpu.dma_semaphore, #tpu.memory_space<semaphore_mem>>)
      } else {
      }
      %mul3A_158 = arith.constant 6 : i32
      %mul3A_159 = arith.muli %mul3A_158, %scan3A_27 : i32
      %add3A_160 = arith.constant 4 : i32
      %add3A_161 = arith.addi %mul3A_159, %add3A_160 : i32
      %ge3A_162 = arith.constant 5 : i32
      %ge3A_163 = arith.cmpi sge, %add3A_161, %ge3A_162 : i32
      %lt3A_164 = arith.constant 255 : i32
      %lt3A_165 = arith.cmpi slt, %add3A_161, %lt3A_164 : i32
      %and3A_166 = arith.andi %ge3A_163, %lt3A_165 : i1
      %convert_element_type3A_167 = arith.extui %and3A_166 : i1 to i32
      %cond3A_168 = arith.constant 0 : i32
      %cond3A_169 = arith.cmpi ne, %convert_element_type3A_167, %cond3A_168 : i32
      scf.if %cond3A_169 {
        %dma_wait3A = arith.constant 5 : i32
        %dma_wait3A_224 = arith.constant 5 : i32
        %dma_wait3A_225 = arith.constant 0 : i32
        %dma_wait3A_226 = arith.constant 0 : i32
        %dma_wait3A_227 = tpu.memref_slice %arg9[%dma_wait3A, %dma_wait3A_225, %dma_wait3A_226] : memref<6x40x128xf32, #tpu.memory_space<vmem>> -> memref<1x40x128xf32, #tpu.memory_space<vmem>>
        %dma_wait3A_228 = tpu.memref_squeeze %dma_wait3A_227 : memref<1x40x128xf32, #tpu.memory_space<vmem>> -> memref<40x128xf32, #tpu.memory_space<vmem>>
        %dma_wait3A_229 = arith.constant 0 : i32
        %dma_wait3A_230 = tpu.memref_slice %arg8[%dma_wait3A_224, %dma_wait3A_229] : memref<6x40xi32, #tpu.memory_space<vmem>> -> memref<1x40xi32, #tpu.memory_space<vmem>>
        %dma_wait3A_231 = tpu.memref_squeeze %dma_wait3A_230 : memref<1x40xi32, #tpu.memory_space<vmem>> -> memref<40xi32, #tpu.memory_space<vmem>>
        %dma_wait3A_232 = arith.constant 0 : i32
        %dma_wait3A_233 = arith.constant 0 : i32
        %dma_wait3A_234 = tpu.memref_slice %arg10[%dma_wait3A_232, %dma_wait3A_233] : memref<10000x128xf32, #tpu.memory_space<vmem_shared>> -> memref<10000x128xf32, #tpu.memory_space<vmem_shared>>
        tpu.wait_indirect_dma semaphore(%arg28 : memref<!tpu.dma_semaphore, #tpu.memory_space<semaphore_mem>>) src(%dma_wait3A_228 : memref<40x128xf32, #tpu.memory_space<vmem>>) dst(%dma_wait3A_234 : memref<10000x128xf32, #tpu.memory_space<vmem_shared>>)
      } else {
      }
      %ge3A_170 = arith.constant 4 : i32
      %ge3A_171 = arith.cmpi sge, %add3A_161, %ge3A_170 : i32
      %lt3A_172 = arith.constant 254 : i32
      %lt3A_173 = arith.cmpi slt, %add3A_161, %lt3A_172 : i32
      %and3A_174 = arith.andi %ge3A_171, %lt3A_173 : i1
      %convert_element_type3A_175 = arith.extui %and3A_174 : i1 to i32
      %cond3A_176 = arith.constant 0 : i32
      %cond3A_177 = arith.cmpi ne, %convert_element_type3A_175, %cond3A_176 : i32
      scf.if %cond3A_177 {
        %dma_wait3A = arith.constant 0 : i32
        %dma_wait3A_224 = arith.constant 0 : i32
        %dma_wait3A_225 = arith.constant 0 : i32
        %dma_wait3A_226 = arith.constant 0 : i32
        %dma_wait3A_227 = tpu.memref_slice %arg9[%dma_wait3A_224, %dma_wait3A_225, %dma_wait3A_226] : memref<6x40x128xf32, #tpu.memory_space<vmem>> -> memref<1x40x128xf32, #tpu.memory_space<vmem>>
        %dma_wait3A_228 = tpu.memref_squeeze %dma_wait3A_227 : memref<1x40x128xf32, #tpu.memory_space<vmem>> -> memref<40x128xf32, #tpu.memory_space<vmem>>
        %dma_wait3A_229 = arith.constant 0 : i32
        %dma_wait3A_230 = tpu.memref_slice %arg7[%dma_wait3A, %dma_wait3A_229] : memref<6x40xi32, #tpu.memory_space<vmem>> -> memref<1x40xi32, #tpu.memory_space<vmem>>
        %dma_wait3A_231 = tpu.memref_squeeze %dma_wait3A_230 : memref<1x40xi32, #tpu.memory_space<vmem>> -> memref<40xi32, #tpu.memory_space<vmem>>
        %dma_wait3A_232 = arith.constant 0 : i32
        %dma_wait3A_233 = arith.constant 0 : i32
        %dma_wait3A_234 = tpu.memref_slice %arg2[%dma_wait3A_232, %dma_wait3A_233] : memref<10000x128xf32, #tpu.memory_space<hbm>> -> memref<10000x128xf32, #tpu.memory_space<hbm>>
        tpu.wait_indirect_dma semaphore(%arg17 : memref<!tpu.dma_semaphore, #tpu.memory_space<semaphore_mem>>) src(%dma_wait3A_234 : memref<10000x128xf32, #tpu.memory_space<hbm>>) dst(%dma_wait3A_228 : memref<40x128xf32, #tpu.memory_space<vmem>>)
        %dma_start3A = arith.constant 0 : i32
        %dma_start3A_235 = arith.constant 0 : i32
        %dma_start3A_236 = arith.constant 0 : i32
        %dma_start3A_237 = arith.constant 0 : i32
        %dma_start3A_238 = tpu.memref_slice %arg9[%dma_start3A, %dma_start3A_236, %dma_start3A_237] : memref<6x40x128xf32, #tpu.memory_space<vmem>> -> memref<1x40x128xf32, #tpu.memory_space<vmem>>
        %dma_start3A_239 = tpu.memref_squeeze %dma_start3A_238 : memref<1x40x128xf32, #tpu.memory_space<vmem>> -> memref<40x128xf32, #tpu.memory_space<vmem>>
        %dma_start3A_240 = arith.constant 0 : i32
        %dma_start3A_241 = tpu.memref_slice %arg8[%dma_start3A_235, %dma_start3A_240] : memref<6x40xi32, #tpu.memory_space<vmem>> -> memref<1x40xi32, #tpu.memory_space<vmem>>
        %dma_start3A_242 = tpu.memref_squeeze %dma_start3A_241 : memref<1x40xi32, #tpu.memory_space<vmem>> -> memref<40xi32, #tpu.memory_space<vmem>>
        %dma_start3A_243 = arith.constant 0 : i32
        %dma_start3A_244 = arith.constant 0 : i32
        %dma_start3A_245 = tpu.memref_slice %arg10[%dma_start3A_243, %dma_start3A_244] : memref<10000x128xf32, #tpu.memory_space<vmem_shared>> -> memref<10000x128xf32, #tpu.memory_space<vmem_shared>>
        tpu.enqueue_indirect_dma source(%dma_start3A_239 : memref<40x128xf32, #tpu.memory_space<vmem>>) target(%dma_start3A_245 : memref<10000x128xf32, #tpu.memory_space<vmem_shared>>) offsets(%dma_start3A_242 : memref<40xi32, #tpu.memory_space<vmem>>) semaphore(%arg23 : memref<!tpu.dma_semaphore, #tpu.memory_space<semaphore_mem>>) {add = true}
      } else {
      }
      %ge3A_178 = arith.constant 1 : i32
      %ge3A_179 = arith.cmpi sge, %add3A_161, %ge3A_178 : i32
      %lt3A_180 = arith.constant 251 : i32
      %lt3A_181 = arith.cmpi slt, %add3A_161, %lt3A_180 : i32
      %and3A_182 = arith.andi %ge3A_179, %lt3A_181 : i1
      %convert_element_type3A_183 = arith.extui %and3A_182 : i1 to i32
      %cond3A_184 = arith.constant 0 : i32
      %cond3A_185 = arith.cmpi ne, %convert_element_type3A_183, %cond3A_184 : i32
      scf.if %cond3A_185 {
        %dma_wait3A = arith.constant 3 : i32
        %dma_wait3A_224 = arith.constant 0 : i32
        %dma_wait3A_225 = tpu.memref_slice %arg7[%dma_wait3A, %dma_wait3A_224] : memref<6x40xi32, #tpu.memory_space<vmem>> -> memref<1x40xi32, #tpu.memory_space<vmem>>
        %dma_wait3A_226 = tpu.memref_squeeze %dma_wait3A_225 : memref<1x40xi32, #tpu.memory_space<vmem>> -> memref<40xi32, #tpu.memory_space<vmem>>
        %dma_wait3A_227 = arith.constant 0 : i32
        %dma_wait3A_228 = tpu.memref_slice %arg3[%dma_wait3A_227] : memref<320000xi32, #tpu.memory_space<hbm>> -> memref<40xi32, #tpu.memory_space<hbm>>
        %dma_wait3A_229 = arith.constant 0 : i32
        %dma_wait3A_230 = tpu.memref_slice %arg7[%dma_wait3A, %dma_wait3A_229] : memref<6x40xi32, #tpu.memory_space<vmem>> -> memref<1x40xi32, #tpu.memory_space<vmem>>
        %dma_wait3A_231 = tpu.memref_squeeze %dma_wait3A_230 : memref<1x40xi32, #tpu.memory_space<vmem>> -> memref<40xi32, #tpu.memory_space<vmem>>
        %dma_wait3A_232 = arith.constant 0 : i32
        %dma_wait3A_233 = tpu.memref_slice %arg3[%dma_wait3A_232] : memref<320000xi32, #tpu.memory_space<hbm>> -> memref<40xi32, #tpu.memory_space<hbm>>
        tpu.wait_dma2 semaphore(%arg14 : memref<!tpu.dma_semaphore, #tpu.memory_space<semaphore_mem>>) src(%dma_wait3A_233 : memref<40xi32, #tpu.memory_space<hbm>>) dst(%dma_wait3A_231 : memref<40xi32, #tpu.memory_space<vmem>>)
        %dma_wait3A_234 = arith.constant 3 : i32
        %dma_wait3A_235 = arith.constant 0 : i32
        %dma_wait3A_236 = tpu.memref_slice %arg8[%dma_wait3A_234, %dma_wait3A_235] : memref<6x40xi32, #tpu.memory_space<vmem>> -> memref<1x40xi32, #tpu.memory_space<vmem>>
        %dma_wait3A_237 = tpu.memref_squeeze %dma_wait3A_236 : memref<1x40xi32, #tpu.memory_space<vmem>> -> memref<40xi32, #tpu.memory_space<vmem>>
        %dma_wait3A_238 = arith.constant 0 : i32
        %dma_wait3A_239 = tpu.memref_slice %arg4[%dma_wait3A_238] : memref<320000xi32, #tpu.memory_space<hbm>> -> memref<40xi32, #tpu.memory_space<hbm>>
        %dma_wait3A_240 = arith.constant 0 : i32
        %dma_wait3A_241 = tpu.memref_slice %arg8[%dma_wait3A_234, %dma_wait3A_240] : memref<6x40xi32, #tpu.memory_space<vmem>> -> memref<1x40xi32, #tpu.memory_space<vmem>>
        %dma_wait3A_242 = tpu.memref_squeeze %dma_wait3A_241 : memref<1x40xi32, #tpu.memory_space<vmem>> -> memref<40xi32, #tpu.memory_space<vmem>>
        %dma_wait3A_243 = arith.constant 0 : i32
        %dma_wait3A_244 = tpu.memref_slice %arg4[%dma_wait3A_243] : memref<320000xi32, #tpu.memory_space<hbm>> -> memref<40xi32, #tpu.memory_space<hbm>>
        tpu.wait_dma2 semaphore(%arg14 : memref<!tpu.dma_semaphore, #tpu.memory_space<semaphore_mem>>) src(%dma_wait3A_244 : memref<40xi32, #tpu.memory_space<hbm>>) dst(%dma_wait3A_242 : memref<40xi32, #tpu.memory_space<vmem>>)
        %dma_start3A = arith.constant 3 : i32
        %dma_start3A_245 = arith.constant 3 : i32
        %dma_start3A_246 = arith.constant 0 : i32
        %dma_start3A_247 = arith.constant 0 : i32
        %dma_start3A_248 = tpu.memref_slice %arg9[%dma_start3A_245, %dma_start3A_246, %dma_start3A_247] : memref<6x40x128xf32, #tpu.memory_space<vmem>> -> memref<1x40x128xf32, #tpu.memory_space<vmem>>
        %dma_start3A_249 = tpu.memref_squeeze %dma_start3A_248 : memref<1x40x128xf32, #tpu.memory_space<vmem>> -> memref<40x128xf32, #tpu.memory_space<vmem>>
        %dma_start3A_250 = arith.constant 0 : i32
        %dma_start3A_251 = tpu.memref_slice %arg7[%dma_start3A, %dma_start3A_250] : memref<6x40xi32, #tpu.memory_space<vmem>> -> memref<1x40xi32, #tpu.memory_space<vmem>>
        %dma_start3A_252 = tpu.memref_squeeze %dma_start3A_251 : memref<1x40xi32, #tpu.memory_space<vmem>> -> memref<40xi32, #tpu.memory_space<vmem>>
        %dma_start3A_253 = arith.constant 0 : i32
        %dma_start3A_254 = arith.constant 0 : i32
        %dma_start3A_255 = tpu.memref_slice %arg2[%dma_start3A_253, %dma_start3A_254] : memref<10000x128xf32, #tpu.memory_space<hbm>> -> memref<10000x128xf32, #tpu.memory_space<hbm>>
        tpu.enqueue_indirect_dma source(%dma_start3A_255 : memref<10000x128xf32, #tpu.memory_space<hbm>>) target(%dma_start3A_249 : memref<40x128xf32, #tpu.memory_space<vmem>>) offsets(%dma_start3A_252 : memref<40xi32, #tpu.memory_space<vmem>>) semaphore(%arg20 : memref<!tpu.dma_semaphore, #tpu.memory_space<semaphore_mem>>)
      } else {
      }
      %lt3A_186 = arith.constant 250 : i32
      %lt3A_187 = arith.cmpi slt, %add3A_161, %lt3A_186 : i32
      %convert_element_type3A_188 = arith.extui %lt3A_187 : i1 to i32
      %cond3A_189 = arith.constant 0 : i32
      %cond3A_190 = arith.cmpi ne, %convert_element_type3A_188, %cond3A_189 : i32
      scf.if %cond3A_190 {
        %mul3A_224 = arith.constant 40 : i32
        %mul3A_225 = arith.muli %add3A_161, %mul3A_224 : i32
        %add3A_226 = arith.addi %mul3A_10, %mul3A_225 : i32
        %multiple_of3A_227 = tpu.assume_multiple %add3A_226, 8 : i32
        %dma_start3A = arith.constant 4 : i32
        %dma_start3A_228 = arith.constant 0 : i32
        %dma_start3A_229 = tpu.memref_slice %arg7[%dma_start3A, %dma_start3A_228] : memref<6x40xi32, #tpu.memory_space<vmem>> -> memref<1x40xi32, #tpu.memory_space<vmem>>
        %dma_start3A_230 = tpu.memref_squeeze %dma_start3A_229 : memref<1x40xi32, #tpu.memory_space<vmem>> -> memref<40xi32, #tpu.memory_space<vmem>>
        %dma_start3A_231 = tpu.memref_slice %arg3[%multiple_of3A_227] : memref<320000xi32, #tpu.memory_space<hbm>> -> memref<40xi32, #tpu.memory_space<hbm>>
        %dma_start3A_232 = arith.constant 0 : i32
        %dma_start3A_233 = tpu.memref_slice %arg7[%dma_start3A, %dma_start3A_232] : memref<6x40xi32, #tpu.memory_space<vmem>> -> memref<1x40xi32, #tpu.memory_space<vmem>>
        %dma_start3A_234 = tpu.memref_squeeze %dma_start3A_233 : memref<1x40xi32, #tpu.memory_space<vmem>> -> memref<40xi32, #tpu.memory_space<vmem>>
        %dma_start3A_235 = tpu.memref_slice %arg3[%multiple_of3A_227] : memref<320000xi32, #tpu.memory_space<hbm>> -> memref<40xi32, #tpu.memory_space<hbm>>
        tpu.enqueue_dma source(%dma_start3A_235 : memref<40xi32, #tpu.memory_space<hbm>>) target(%dma_start3A_234 : memref<40xi32, #tpu.memory_space<vmem>>) target_semaphore(%arg15 : memref<!tpu.dma_semaphore, #tpu.memory_space<semaphore_mem>>)
        %dma_start3A_236 = arith.constant 4 : i32
        %dma_start3A_237 = arith.constant 0 : i32
        %dma_start3A_238 = tpu.memref_slice %arg8[%dma_start3A_236, %dma_start3A_237] : memref<6x40xi32, #tpu.memory_space<vmem>> -> memref<1x40xi32, #tpu.memory_space<vmem>>
        %dma_start3A_239 = tpu.memref_squeeze %dma_start3A_238 : memref<1x40xi32, #tpu.memory_space<vmem>> -> memref<40xi32, #tpu.memory_space<vmem>>
        %dma_start3A_240 = tpu.memref_slice %arg4[%multiple_of3A_227] : memref<320000xi32, #tpu.memory_space<hbm>> -> memref<40xi32, #tpu.memory_space<hbm>>
        %dma_start3A_241 = arith.constant 0 : i32
        %dma_start3A_242 = tpu.memref_slice %arg8[%dma_start3A_236, %dma_start3A_241] : memref<6x40xi32, #tpu.memory_space<vmem>> -> memref<1x40xi32, #tpu.memory_space<vmem>>
        %dma_start3A_243 = tpu.memref_squeeze %dma_start3A_242 : memref<1x40xi32, #tpu.memory_space<vmem>> -> memref<40xi32, #tpu.memory_space<vmem>>
        %dma_start3A_244 = tpu.memref_slice %arg4[%multiple_of3A_227] : memref<320000xi32, #tpu.memory_space<hbm>> -> memref<40xi32, #tpu.memory_space<hbm>>
        tpu.enqueue_dma source(%dma_start3A_244 : memref<40xi32, #tpu.memory_space<hbm>>) target(%dma_start3A_243 : memref<40xi32, #tpu.memory_space<vmem>>) target_semaphore(%arg15 : memref<!tpu.dma_semaphore, #tpu.memory_space<semaphore_mem>>)
      } else {
      }
      %mul3A_191 = arith.constant 6 : i32
      %mul3A_192 = arith.muli %mul3A_191, %scan3A_27 : i32
      %add3A_193 = arith.constant 5 : i32
      %add3A_194 = arith.addi %mul3A_192, %add3A_193 : i32
      %ge3A_195 = arith.constant 5 : i32
      %ge3A_196 = arith.cmpi sge, %add3A_194, %ge3A_195 : i32
      %lt3A_197 = arith.constant 255 : i32
      %lt3A_198 = arith.cmpi slt, %add3A_194, %lt3A_197 : i32
      %and3A_199 = arith.andi %ge3A_196, %lt3A_198 : i1
      %convert_element_type3A_200 = arith.extui %and3A_199 : i1 to i32
      %cond3A_201 = arith.constant 0 : i32
      %cond3A_202 = arith.cmpi ne, %convert_element_type3A_200, %cond3A_201 : i32
      scf.if %cond3A_202 {
        %dma_wait3A = arith.constant 0 : i32
        %dma_wait3A_224 = arith.constant 0 : i32
        %dma_wait3A_225 = arith.constant 0 : i32
        %dma_wait3A_226 = arith.constant 0 : i32
        %dma_wait3A_227 = tpu.memref_slice %arg9[%dma_wait3A, %dma_wait3A_225, %dma_wait3A_226] : memref<6x40x128xf32, #tpu.memory_space<vmem>> -> memref<1x40x128xf32, #tpu.memory_space<vmem>>
        %dma_wait3A_228 = tpu.memref_squeeze %dma_wait3A_227 : memref<1x40x128xf32, #tpu.memory_space<vmem>> -> memref<40x128xf32, #tpu.memory_space<vmem>>
        %dma_wait3A_229 = arith.constant 0 : i32
        %dma_wait3A_230 = tpu.memref_slice %arg8[%dma_wait3A_224, %dma_wait3A_229] : memref<6x40xi32, #tpu.memory_space<vmem>> -> memref<1x40xi32, #tpu.memory_space<vmem>>
        %dma_wait3A_231 = tpu.memref_squeeze %dma_wait3A_230 : memref<1x40xi32, #tpu.memory_space<vmem>> -> memref<40xi32, #tpu.memory_space<vmem>>
        %dma_wait3A_232 = arith.constant 0 : i32
        %dma_wait3A_233 = arith.constant 0 : i32
        %dma_wait3A_234 = tpu.memref_slice %arg10[%dma_wait3A_232, %dma_wait3A_233] : memref<10000x128xf32, #tpu.memory_space<vmem_shared>> -> memref<10000x128xf32, #tpu.memory_space<vmem_shared>>
        tpu.wait_indirect_dma semaphore(%arg23 : memref<!tpu.dma_semaphore, #tpu.memory_space<semaphore_mem>>) src(%dma_wait3A_228 : memref<40x128xf32, #tpu.memory_space<vmem>>) dst(%dma_wait3A_234 : memref<10000x128xf32, #tpu.memory_space<vmem_shared>>)
      } else {
      }
      %ge3A_203 = arith.constant 4 : i32
      %ge3A_204 = arith.cmpi sge, %add3A_194, %ge3A_203 : i32
      %lt3A_205 = arith.constant 254 : i32
      %lt3A_206 = arith.cmpi slt, %add3A_194, %lt3A_205 : i32
      %and3A_207 = arith.andi %ge3A_204, %lt3A_206 : i1
      %convert_element_type3A_208 = arith.extui %and3A_207 : i1 to i32
      %cond3A_209 = arith.constant 0 : i32
      %cond3A_210 = arith.cmpi ne, %convert_element_type3A_208, %cond3A_209 : i32
      scf.if %cond3A_210 {
        %dma_wait3A = arith.constant 1 : i32
        %dma_wait3A_224 = arith.constant 1 : i32
        %dma_wait3A_225 = arith.constant 0 : i32
        %dma_wait3A_226 = arith.constant 0 : i32
        %dma_wait3A_227 = tpu.memref_slice %arg9[%dma_wait3A_224, %dma_wait3A_225, %dma_wait3A_226] : memref<6x40x128xf32, #tpu.memory_space<vmem>> -> memref<1x40x128xf32, #tpu.memory_space<vmem>>
        %dma_wait3A_228 = tpu.memref_squeeze %dma_wait3A_227 : memref<1x40x128xf32, #tpu.memory_space<vmem>> -> memref<40x128xf32, #tpu.memory_space<vmem>>
        %dma_wait3A_229 = arith.constant 0 : i32
        %dma_wait3A_230 = tpu.memref_slice %arg7[%dma_wait3A, %dma_wait3A_229] : memref<6x40xi32, #tpu.memory_space<vmem>> -> memref<1x40xi32, #tpu.memory_space<vmem>>
        %dma_wait3A_231 = tpu.memref_squeeze %dma_wait3A_230 : memref<1x40xi32, #tpu.memory_space<vmem>> -> memref<40xi32, #tpu.memory_space<vmem>>
        %dma_wait3A_232 = arith.constant 0 : i32
        %dma_wait3A_233 = arith.constant 0 : i32
        %dma_wait3A_234 = tpu.memref_slice %arg2[%dma_wait3A_232, %dma_wait3A_233] : memref<10000x128xf32, #tpu.memory_space<hbm>> -> memref<10000x128xf32, #tpu.memory_space<hbm>>
        tpu.wait_indirect_dma semaphore(%arg18 : memref<!tpu.dma_semaphore, #tpu.memory_space<semaphore_mem>>) src(%dma_wait3A_234 : memref<10000x128xf32, #tpu.memory_space<hbm>>) dst(%dma_wait3A_228 : memref<40x128xf32, #tpu.memory_space<vmem>>)
        %dma_start3A = arith.constant 1 : i32
        %dma_start3A_235 = arith.constant 1 : i32
        %dma_start3A_236 = arith.constant 0 : i32
        %dma_start3A_237 = arith.constant 0 : i32
        %dma_start3A_238 = tpu.memref_slice %arg9[%dma_start3A, %dma_start3A_236, %dma_start3A_237] : memref<6x40x128xf32, #tpu.memory_space<vmem>> -> memref<1x40x128xf32, #tpu.memory_space<vmem>>
        %dma_start3A_239 = tpu.memref_squeeze %dma_start3A_238 : memref<1x40x128xf32, #tpu.memory_space<vmem>> -> memref<40x128xf32, #tpu.memory_space<vmem>>
        %dma_start3A_240 = arith.constant 0 : i32
        %dma_start3A_241 = tpu.memref_slice %arg8[%dma_start3A_235, %dma_start3A_240] : memref<6x40xi32, #tpu.memory_space<vmem>> -> memref<1x40xi32, #tpu.memory_space<vmem>>
        %dma_start3A_242 = tpu.memref_squeeze %dma_start3A_241 : memref<1x40xi32, #tpu.memory_space<vmem>> -> memref<40xi32, #tpu.memory_space<vmem>>
        %dma_start3A_243 = arith.constant 0 : i32
        %dma_start3A_244 = arith.constant 0 : i32
        %dma_start3A_245 = tpu.memref_slice %arg10[%dma_start3A_243, %dma_start3A_244] : memref<10000x128xf32, #tpu.memory_space<vmem_shared>> -> memref<10000x128xf32, #tpu.memory_space<vmem_shared>>
        tpu.enqueue_indirect_dma source(%dma_start3A_239 : memref<40x128xf32, #tpu.memory_space<vmem>>) target(%dma_start3A_245 : memref<10000x128xf32, #tpu.memory_space<vmem_shared>>) offsets(%dma_start3A_242 : memref<40xi32, #tpu.memory_space<vmem>>) semaphore(%arg24 : memref<!tpu.dma_semaphore, #tpu.memory_space<semaphore_mem>>) {add = true}
      } else {
      }
      %ge3A_211 = arith.constant 1 : i32
      %ge3A_212 = arith.cmpi sge, %add3A_194, %ge3A_211 : i32
      %lt3A_213 = arith.constant 251 : i32
      %lt3A_214 = arith.cmpi slt, %add3A_194, %lt3A_213 : i32
      %and3A_215 = arith.andi %ge3A_212, %lt3A_214 : i1
      %convert_element_type3A_216 = arith.extui %and3A_215 : i1 to i32
      %cond3A_217 = arith.constant 0 : i32
      %cond3A_218 = arith.cmpi ne, %convert_element_type3A_216, %cond3A_217 : i32
      scf.if %cond3A_218 {
        %dma_wait3A = arith.constant 4 : i32
        %dma_wait3A_224 = arith.constant 0 : i32
        %dma_wait3A_225 = tpu.memref_slice %arg7[%dma_wait3A, %dma_wait3A_224] : memref<6x40xi32, #tpu.memory_space<vmem>> -> memref<1x40xi32, #tpu.memory_space<vmem>>
        %dma_wait3A_226 = tpu.memref_squeeze %dma_wait3A_225 : memref<1x40xi32, #tpu.memory_space<vmem>> -> memref<40xi32, #tpu.memory_space<vmem>>
        %dma_wait3A_227 = arith.constant 0 : i32
        %dma_wait3A_228 = tpu.memref_slice %arg3[%dma_wait3A_227] : memref<320000xi32, #tpu.memory_space<hbm>> -> memref<40xi32, #tpu.memory_space<hbm>>
        %dma_wait3A_229 = arith.constant 0 : i32
        %dma_wait3A_230 = tpu.memref_slice %arg7[%dma_wait3A, %dma_wait3A_229] : memref<6x40xi32, #tpu.memory_space<vmem>> -> memref<1x40xi32, #tpu.memory_space<vmem>>
        %dma_wait3A_231 = tpu.memref_squeeze %dma_wait3A_230 : memref<1x40xi32, #tpu.memory_space<vmem>> -> memref<40xi32, #tpu.memory_space<vmem>>
        %dma_wait3A_232 = arith.constant 0 : i32
        %dma_wait3A_233 = tpu.memref_slice %arg3[%dma_wait3A_232] : memref<320000xi32, #tpu.memory_space<hbm>> -> memref<40xi32, #tpu.memory_space<hbm>>
        tpu.wait_dma2 semaphore(%arg15 : memref<!tpu.dma_semaphore, #tpu.memory_space<semaphore_mem>>) src(%dma_wait3A_233 : memref<40xi32, #tpu.memory_space<hbm>>) dst(%dma_wait3A_231 : memref<40xi32, #tpu.memory_space<vmem>>)
        %dma_wait3A_234 = arith.constant 4 : i32
        %dma_wait3A_235 = arith.constant 0 : i32
        %dma_wait3A_236 = tpu.memref_slice %arg8[%dma_wait3A_234, %dma_wait3A_235] : memref<6x40xi32, #tpu.memory_space<vmem>> -> memref<1x40xi32, #tpu.memory_space<vmem>>
        %dma_wait3A_237 = tpu.memref_squeeze %dma_wait3A_236 : memref<1x40xi32, #tpu.memory_space<vmem>> -> memref<40xi32, #tpu.memory_space<vmem>>
        %dma_wait3A_238 = arith.constant 0 : i32
        %dma_wait3A_239 = tpu.memref_slice %arg4[%dma_wait3A_238] : memref<320000xi32, #tpu.memory_space<hbm>> -> memref<40xi32, #tpu.memory_space<hbm>>
        %dma_wait3A_240 = arith.constant 0 : i32
        %dma_wait3A_241 = tpu.memref_slice %arg8[%dma_wait3A_234, %dma_wait3A_240] : memref<6x40xi32, #tpu.memory_space<vmem>> -> memref<1x40xi32, #tpu.memory_space<vmem>>
        %dma_wait3A_242 = tpu.memref_squeeze %dma_wait3A_241 : memref<1x40xi32, #tpu.memory_space<vmem>> -> memref<40xi32, #tpu.memory_space<vmem>>
        %dma_wait3A_243 = arith.constant 0 : i32
        %dma_wait3A_244 = tpu.memref_slice %arg4[%dma_wait3A_243] : memref<320000xi32, #tpu.memory_space<hbm>> -> memref<40xi32, #tpu.memory_space<hbm>>
        tpu.wait_dma2 semaphore(%arg15 : memref<!tpu.dma_semaphore, #tpu.memory_space<semaphore_mem>>) src(%dma_wait3A_244 : memref<40xi32, #tpu.memory_space<hbm>>) dst(%dma_wait3A_242 : memref<40xi32, #tpu.memory_space<vmem>>)
        %dma_start3A = arith.constant 4 : i32
        %dma_start3A_245 = arith.constant 4 : i32
        %dma_start3A_246 = arith.constant 0 : i32
        %dma_start3A_247 = arith.constant 0 : i32
        %dma_start3A_248 = tpu.memref_slice %arg9[%dma_start3A_245, %dma_start3A_246, %dma_start3A_247] : memref<6x40x128xf32, #tpu.memory_space<vmem>> -> memref<1x40x128xf32, #tpu.memory_space<vmem>>
        %dma_start3A_249 = tpu.memref_squeeze %dma_start3A_248 : memref<1x40x128xf32, #tpu.memory_space<vmem>> -> memref<40x128xf32, #tpu.memory_space<vmem>>
        %dma_start3A_250 = arith.constant 0 : i32
        %dma_start3A_251 = tpu.memref_slice %arg7[%dma_start3A, %dma_start3A_250] : memref<6x40xi32, #tpu.memory_space<vmem>> -> memref<1x40xi32, #tpu.memory_space<vmem>>
        %dma_start3A_252 = tpu.memref_squeeze %dma_start3A_251 : memref<1x40xi32, #tpu.memory_space<vmem>> -> memref<40xi32, #tpu.memory_space<vmem>>
        %dma_start3A_253 = arith.constant 0 : i32
        %dma_start3A_254 = arith.constant 0 : i32
        %dma_start3A_255 = tpu.memref_slice %arg2[%dma_start3A_253, %dma_start3A_254] : memref<10000x128xf32, #tpu.memory_space<hbm>> -> memref<10000x128xf32, #tpu.memory_space<hbm>>
        tpu.enqueue_indirect_dma source(%dma_start3A_255 : memref<10000x128xf32, #tpu.memory_space<hbm>>) target(%dma_start3A_249 : memref<40x128xf32, #tpu.memory_space<vmem>>) offsets(%dma_start3A_252 : memref<40xi32, #tpu.memory_space<vmem>>) semaphore(%arg21 : memref<!tpu.dma_semaphore, #tpu.memory_space<semaphore_mem>>)
      } else {
      }
      %lt3A_219 = arith.constant 250 : i32
      %lt3A_220 = arith.cmpi slt, %add3A_194, %lt3A_219 : i32
      %convert_element_type3A_221 = arith.extui %lt3A_220 : i1 to i32
      %cond3A_222 = arith.constant 0 : i32
      %cond3A_223 = arith.cmpi ne, %convert_element_type3A_221, %cond3A_222 : i32
      scf.if %cond3A_223 {
        %mul3A_224 = arith.constant 40 : i32
        %mul3A_225 = arith.muli %add3A_194, %mul3A_224 : i32
        %add3A_226 = arith.addi %mul3A_10, %mul3A_225 : i32
        %multiple_of3A_227 = tpu.assume_multiple %add3A_226, 8 : i32
        %dma_start3A = arith.constant 5 : i32
        %dma_start3A_228 = arith.constant 0 : i32
        %dma_start3A_229 = tpu.memref_slice %arg7[%dma_start3A, %dma_start3A_228] : memref<6x40xi32, #tpu.memory_space<vmem>> -> memref<1x40xi32, #tpu.memory_space<vmem>>
        %dma_start3A_230 = tpu.memref_squeeze %dma_start3A_229 : memref<1x40xi32, #tpu.memory_space<vmem>> -> memref<40xi32, #tpu.memory_space<vmem>>
        %dma_start3A_231 = tpu.memref_slice %arg3[%multiple_of3A_227] : memref<320000xi32, #tpu.memory_space<hbm>> -> memref<40xi32, #tpu.memory_space<hbm>>
        %dma_start3A_232 = arith.constant 0 : i32
        %dma_start3A_233 = tpu.memref_slice %arg7[%dma_start3A, %dma_start3A_232] : memref<6x40xi32, #tpu.memory_space<vmem>> -> memref<1x40xi32, #tpu.memory_space<vmem>>
        %dma_start3A_234 = tpu.memref_squeeze %dma_start3A_233 : memref<1x40xi32, #tpu.memory_space<vmem>> -> memref<40xi32, #tpu.memory_space<vmem>>
        %dma_start3A_235 = tpu.memref_slice %arg3[%multiple_of3A_227] : memref<320000xi32, #tpu.memory_space<hbm>> -> memref<40xi32, #tpu.memory_space<hbm>>
        tpu.enqueue_dma source(%dma_start3A_235 : memref<40xi32, #tpu.memory_space<hbm>>) target(%dma_start3A_234 : memref<40xi32, #tpu.memory_space<vmem>>) target_semaphore(%arg16 : memref<!tpu.dma_semaphore, #tpu.memory_space<semaphore_mem>>)
        %dma_start3A_236 = arith.constant 5 : i32
        %dma_start3A_237 = arith.constant 0 : i32
        %dma_start3A_238 = tpu.memref_slice %arg8[%dma_start3A_236, %dma_start3A_237] : memref<6x40xi32, #tpu.memory_space<vmem>> -> memref<1x40xi32, #tpu.memory_space<vmem>>
        %dma_start3A_239 = tpu.memref_squeeze %dma_start3A_238 : memref<1x40xi32, #tpu.memory_space<vmem>> -> memref<40xi32, #tpu.memory_space<vmem>>
        %dma_start3A_240 = tpu.memref_slice %arg4[%multiple_of3A_227] : memref<320000xi32, #tpu.memory_space<hbm>> -> memref<40xi32, #tpu.memory_space<hbm>>
        %dma_start3A_241 = arith.constant 0 : i32
        %dma_start3A_242 = tpu.memref_slice %arg8[%dma_start3A_236, %dma_start3A_241] : memref<6x40xi32, #tpu.memory_space<vmem>> -> memref<1x40xi32, #tpu.memory_space<vmem>>
        %dma_start3A_243 = tpu.memref_squeeze %dma_start3A_242 : memref<1x40xi32, #tpu.memory_space<vmem>> -> memref<40xi32, #tpu.memory_space<vmem>>
        %dma_start3A_244 = tpu.memref_slice %arg4[%multiple_of3A_227] : memref<320000xi32, #tpu.memory_space<hbm>> -> memref<40xi32, #tpu.memory_space<hbm>>
        tpu.enqueue_dma source(%dma_start3A_244 : memref<40xi32, #tpu.memory_space<hbm>>) target(%dma_start3A_243 : memref<40xi32, #tpu.memory_space<vmem>>) target_semaphore(%arg16 : memref<!tpu.dma_semaphore, #tpu.memory_space<semaphore_mem>>)
      } else {
      }
    }
    %scan3A_15 = arith.constant 44 : i32
    %barrier3A_16 = arith.constant 0 : index
    tpu.barrier barrier_id(%barrier3A_16)
    %lt3A_17 = arith.constant 15 : i32
    %lt3A_18 = arith.cmpi slt, %arg1, %lt3A_17 : i32
    %convert_element_type3A_19 = arith.extui %lt3A_18 : i1 to i32
    %cond3A_20 = arith.constant 0 : i32
    %cond3A_21 = arith.cmpi ne, %convert_element_type3A_19, %cond3A_20 : i32
    scf.if %cond3A_21 {
      "tpu.region"() ({
        %run_scoped3A = tpu.sem_alloc : memref<!tpu.dma_semaphore, #tpu.memory_space<semaphore_mem>>
        %dma_start3A = arith.constant 0 : i32
        %dma_start3A_27 = tpu.memref_slice %arg6[%arg0, %multiple_of3A, %dma_start3A] : memref<2x10000x128xf32, #tpu.memory_space<hbm>> -> memref<1x624x128xf32, #tpu.memory_space<hbm>>
        %dma_start3A_28 = tpu.memref_squeeze %dma_start3A_27 : memref<1x624x128xf32, #tpu.memory_space<hbm>> -> memref<624x128xf32, #tpu.memory_space<hbm>>
        %dma_start3A_29 = arith.constant 0 : i32
        %dma_start3A_30 = tpu.memref_slice %arg10[%multiple_of3A, %dma_start3A_29] : memref<10000x128xf32, #tpu.memory_space<vmem_shared>> -> memref<624x128xf32, #tpu.memory_space<vmem_shared>>
        tpu.enqueue_dma source(%dma_start3A_30 : memref<624x128xf32, #tpu.memory_space<vmem_shared>>) target(%dma_start3A_28 : memref<624x128xf32, #tpu.memory_space<hbm>>) target_semaphore(%run_scoped3A : memref<!tpu.dma_semaphore, #tpu.memory_space<semaphore_mem>>)
        %dma_wait3A = arith.constant 0 : i32
        %dma_wait3A_31 = tpu.memref_slice %arg6[%arg0, %multiple_of3A, %dma_wait3A] : memref<2x10000x128xf32, #tpu.memory_space<hbm>> -> memref<1x624x128xf32, #tpu.memory_space<hbm>>
        %dma_wait3A_32 = tpu.memref_squeeze %dma_wait3A_31 : memref<1x624x128xf32, #tpu.memory_space<hbm>> -> memref<624x128xf32, #tpu.memory_space<hbm>>
        %dma_wait3A_33 = arith.constant 0 : i32
        %dma_wait3A_34 = tpu.memref_slice %arg10[%multiple_of3A, %dma_wait3A_33] : memref<10000x128xf32, #tpu.memory_space<vmem_shared>> -> memref<624x128xf32, #tpu.memory_space<vmem_shared>>
        tpu.wait_dma2 semaphore(%run_scoped3A : memref<!tpu.dma_semaphore, #tpu.memory_space<semaphore_mem>>) src(%dma_wait3A_34 : memref<624x128xf32, #tpu.memory_space<vmem_shared>>) dst(%dma_wait3A_32 : memref<624x128xf32, #tpu.memory_space<hbm>>)
        tpu.yield
      }) : () -> ()
    } else {
    }
    %eq3A_22 = arith.constant 15 : i32
    %eq3A_23 = arith.cmpi eq, %arg1, %eq3A_22 : i32
    %convert_element_type3A_24 = arith.extui %eq3A_23 : i1 to i32
    %cond3A_25 = arith.constant 0 : i32
    %cond3A_26 = arith.cmpi ne, %convert_element_type3A_24, %cond3A_25 : i32
    scf.if %cond3A_26 {
      "tpu.region"() ({
        %run_scoped3A = tpu.sem_alloc : memref<!tpu.dma_semaphore, #tpu.memory_space<semaphore_mem>>
        %dma_start3A = arith.constant 9360 : i32
        %dma_start3A_27 = arith.constant 0 : i32
        %dma_start3A_28 = tpu.memref_slice %arg6[%arg0, %dma_start3A, %dma_start3A_27] : memref<2x10000x128xf32, #tpu.memory_space<hbm>> -> memref<1x640x128xf32, #tpu.memory_space<hbm>>
        %dma_start3A_29 = tpu.memref_squeeze %dma_start3A_28 : memref<1x640x128xf32, #tpu.memory_space<hbm>> -> memref<640x128xf32, #tpu.memory_space<hbm>>
        %dma_start3A_30 = arith.constant 9360 : i32
        %dma_start3A_31 = arith.constant 0 : i32
        %dma_start3A_32 = tpu.memref_slice %arg10[%dma_start3A_30, %dma_start3A_31] : memref<10000x128xf32, #tpu.memory_space<vmem_shared>> -> memref<640x128xf32, #tpu.memory_space<vmem_shared>>
        tpu.enqueue_dma source(%dma_start3A_32 : memref<640x128xf32, #tpu.memory_space<vmem_shared>>) target(%dma_start3A_29 : memref<640x128xf32, #tpu.memory_space<hbm>>) target_semaphore(%run_scoped3A : memref<!tpu.dma_semaphore, #tpu.memory_space<semaphore_mem>>)
        %dma_wait3A = arith.constant 9360 : i32
        %dma_wait3A_33 = arith.constant 0 : i32
        %dma_wait3A_34 = tpu.memref_slice %arg6[%arg0, %dma_wait3A, %dma_wait3A_33] : memref<2x10000x128xf32, #tpu.memory_space<hbm>> -> memref<1x640x128xf32, #tpu.memory_space<hbm>>
        %dma_wait3A_35 = tpu.memref_squeeze %dma_wait3A_34 : memref<1x640x128xf32, #tpu.memory_space<hbm>> -> memref<640x128xf32, #tpu.memory_space<hbm>>
        %dma_wait3A_36 = arith.constant 9360 : i32
        %dma_wait3A_37 = arith.constant 0 : i32
        %dma_wait3A_38 = tpu.memref_slice %arg10[%dma_wait3A_36, %dma_wait3A_37] : memref<10000x128xf32, #tpu.memory_space<vmem_shared>> -> memref<640x128xf32, #tpu.memory_space<vmem_shared>>
        tpu.wait_dma2 semaphore(%run_scoped3A : memref<!tpu.dma_semaphore, #tpu.memory_space<semaphore_mem>>) src(%dma_wait3A_38 : memref<640x128xf32, #tpu.memory_space<vmem_shared>>) dst(%dma_wait3A_35 : memref<640x128xf32, #tpu.memory_space<hbm>>)
        tpu.yield
      }) : () -> ()
    } else {
    }
    return
  }
}

#map = affine_map<(d0, d1) -> (0, 0)>
#map1 = affine_map<(d0, d1) -> (0)>
#map2 = affine_map<(d0, d1) -> (0, 0, 0)>
module attributes {stable_mosaic.version = 14 : i64} {
  func.func @body(%arg0: i32, %arg1: i32, %arg2: memref<10000x128xf32, #tpu.memory_space<hbm>>, %arg3: memref<320000xi32, #tpu.memory_space<hbm>>, %arg4: memref<320000xi32, #tpu.memory_space<hbm>>, %arg5: memref<640x128xf32, #tpu.memory_space<hbm>>, %arg6: memref<80x128xf32, #tpu.memory_space<hbm>>, %arg7: memref<2x10000x128xf32, #tpu.memory_space<hbm>>, %arg8: memref<2x10000x128xf32, #tpu.memory_space<hbm>>, %arg9: memref<6x40xi32, #tpu.memory_space<vmem>>, %arg10: memref<6x40xi32, #tpu.memory_space<vmem>>, %arg11: memref<6x40x128xf32, #tpu.memory_space<vmem>>, %arg12: memref<10000x128xf32, #tpu.memory_space<vmem_shared>>, %arg13: memref<!tpu.dma_semaphore, #tpu.memory_space<semaphore_mem>>, %arg14: memref<!tpu.dma_semaphore, #tpu.memory_space<semaphore_mem>>, %arg15: memref<!tpu.dma_semaphore, #tpu.memory_space<semaphore_mem>>, %arg16: memref<!tpu.dma_semaphore, #tpu.memory_space<semaphore_mem>>, %arg17: memref<!tpu.dma_semaphore, #tpu.memory_space<semaphore_mem>>, %arg18: memref<!tpu.dma_semaphore, #tpu.memory_space<semaphore_mem>>, %arg19: memref<!tpu.dma_semaphore, #tpu.memory_space<semaphore_mem>>, %arg20: memref<!tpu.dma_semaphore, #tpu.memory_space<semaphore_mem>>, %arg21: memref<!tpu.dma_semaphore, #tpu.memory_space<semaphore_mem>>, %arg22: memref<!tpu.dma_semaphore, #tpu.memory_space<semaphore_mem>>, %arg23: memref<!tpu.dma_semaphore, #tpu.memory_space<semaphore_mem>>, %arg24: memref<!tpu.dma_semaphore, #tpu.memory_space<semaphore_mem>>, %arg25: memref<!tpu.dma_semaphore, #tpu.memory_space<semaphore_mem>>, %arg26: memref<!tpu.dma_semaphore, #tpu.memory_space<semaphore_mem>>, %arg27: memref<!tpu.dma_semaphore, #tpu.memory_space<semaphore_mem>>, %arg28: memref<!tpu.dma_semaphore, #tpu.memory_space<semaphore_mem>>, %arg29: memref<!tpu.dma_semaphore, #tpu.memory_space<semaphore_mem>>, %arg30: memref<!tpu.dma_semaphore, #tpu.memory_space<semaphore_mem>>, %arg31: memref<80x128xf32, #tpu.memory_space<vmem>>, %arg32: memref<2x80xi32, #tpu.memory_space<vmem>>) attributes {dimension_semantics = [#tpu.dimension_semantics<core_parallel>, #tpu.dimension_semantics<subcore_parallel>], iteration_bounds = array<i64: 2, 16>, scalar_prefetch = 0 : i64, scratch_operands = 24 : i64, tpu.core_type = #tpu.core_type<sc_vector_subcore>, window_params = [{transform_indices = #map}, {transform_indices = #map1}, {transform_indices = #map1}, {transform_indices = #map}, {transform_indices = #map}, {transform_indices = #map2}, {transform_indices = #map2}]} {
    %mul3A = arith.constant 2 : i32
    %mul3A_0 = arith.muli %arg1, %mul3A : i32
    %add3A = arith.addi %mul3A_0, %arg0 : i32
    %mul3A_1 = arith.constant 624 : i32
    %mul3A_2 = arith.muli %arg1, %mul3A_1 : i32
    %multiple_of3A = tpu.assume_multiple %mul3A_2, 8 : i32
    %lt3A = arith.constant 15 : i32
    %lt3A_3 = arith.cmpi slt, %arg1, %lt3A : i32
    %convert_element_type3A = arith.extui %lt3A_3 : i1 to i32
    %cond3A = arith.constant 0 : i32
    %cond3A_4 = arith.cmpi ne, %convert_element_type3A, %cond3A : i32
    scf.if %cond3A_4 {
      "tpu.region"() ({
        %run_scoped3A_78 = tpu.sem_alloc : memref<!tpu.dma_semaphore, #tpu.memory_space<semaphore_mem>>
        %dma_start3A_79 = arith.constant 0 : i32
        %dma_start3A_80 = tpu.memref_slice %arg12[%multiple_of3A, %dma_start3A_79] : memref<10000x128xf32, #tpu.memory_space<vmem_shared>> -> memref<624x128xf32, #tpu.memory_space<vmem_shared>>
        %dma_start3A_81 = arith.constant 0 : i32
        %dma_start3A_82 = arith.constant 0 : i32
        %dma_start3A_83 = tpu.memref_slice %arg5[%dma_start3A_81, %dma_start3A_82] : memref<640x128xf32, #tpu.memory_space<hbm>> -> memref<624x128xf32, #tpu.memory_space<hbm>>
        tpu.enqueue_dma source(%dma_start3A_83 : memref<624x128xf32, #tpu.memory_space<hbm>>) target(%dma_start3A_80 : memref<624x128xf32, #tpu.memory_space<vmem_shared>>) target_semaphore(%run_scoped3A_78 : memref<!tpu.dma_semaphore, #tpu.memory_space<semaphore_mem>>)
        %dma_wait3A_84 = arith.constant 0 : i32
        %dma_wait3A_85 = tpu.memref_slice %arg12[%multiple_of3A, %dma_wait3A_84] : memref<10000x128xf32, #tpu.memory_space<vmem_shared>> -> memref<624x128xf32, #tpu.memory_space<vmem_shared>>
        %dma_wait3A_86 = arith.constant 0 : i32
        %dma_wait3A_87 = arith.constant 0 : i32
        %dma_wait3A_88 = tpu.memref_slice %arg5[%dma_wait3A_86, %dma_wait3A_87] : memref<640x128xf32, #tpu.memory_space<hbm>> -> memref<624x128xf32, #tpu.memory_space<hbm>>
        tpu.wait_dma2 semaphore(%run_scoped3A_78 : memref<!tpu.dma_semaphore, #tpu.memory_space<semaphore_mem>>) src(%dma_wait3A_88 : memref<624x128xf32, #tpu.memory_space<hbm>>) dst(%dma_wait3A_85 : memref<624x128xf32, #tpu.memory_space<vmem_shared>>)
        tpu.yield
      }) : () -> ()
    } else {
    }
    %eq3A = arith.constant 15 : i32
    %eq3A_5 = arith.cmpi eq, %arg1, %eq3A : i32
    %convert_element_type3A_6 = arith.extui %eq3A_5 : i1 to i32
    %cond3A_7 = arith.constant 0 : i32
    %cond3A_8 = arith.cmpi ne, %convert_element_type3A_6, %cond3A_7 : i32
    scf.if %cond3A_8 {
      "tpu.region"() ({
        %run_scoped3A_78 = tpu.sem_alloc : memref<!tpu.dma_semaphore, #tpu.memory_space<semaphore_mem>>
        %dma_start3A_79 = arith.constant 9360 : i32
        %dma_start3A_80 = arith.constant 0 : i32
        %dma_start3A_81 = tpu.memref_slice %arg12[%dma_start3A_79, %dma_start3A_80] : memref<10000x128xf32, #tpu.memory_space<vmem_shared>> -> memref<640x128xf32, #tpu.memory_space<vmem_shared>>
        %dma_start3A_82 = arith.constant 0 : i32
        %dma_start3A_83 = arith.constant 0 : i32
        %dma_start3A_84 = tpu.memref_slice %arg5[%dma_start3A_82, %dma_start3A_83] : memref<640x128xf32, #tpu.memory_space<hbm>> -> memref<640x128xf32, #tpu.memory_space<hbm>>
        tpu.enqueue_dma source(%dma_start3A_84 : memref<640x128xf32, #tpu.memory_space<hbm>>) target(%dma_start3A_81 : memref<640x128xf32, #tpu.memory_space<vmem_shared>>) target_semaphore(%run_scoped3A_78 : memref<!tpu.dma_semaphore, #tpu.memory_space<semaphore_mem>>)
        %dma_wait3A_85 = arith.constant 9360 : i32
        %dma_wait3A_86 = arith.constant 0 : i32
        %dma_wait3A_87 = tpu.memref_slice %arg12[%dma_wait3A_85, %dma_wait3A_86] : memref<10000x128xf32, #tpu.memory_space<vmem_shared>> -> memref<640x128xf32, #tpu.memory_space<vmem_shared>>
        %dma_wait3A_88 = arith.constant 0 : i32
        %dma_wait3A_89 = arith.constant 0 : i32
        %dma_wait3A_90 = tpu.memref_slice %arg5[%dma_wait3A_88, %dma_wait3A_89] : memref<640x128xf32, #tpu.memory_space<hbm>> -> memref<640x128xf32, #tpu.memory_space<hbm>>
        tpu.wait_dma2 semaphore(%run_scoped3A_78 : memref<!tpu.dma_semaphore, #tpu.memory_space<semaphore_mem>>) src(%dma_wait3A_90 : memref<640x128xf32, #tpu.memory_space<hbm>>) dst(%dma_wait3A_87 : memref<640x128xf32, #tpu.memory_space<vmem_shared>>)
        tpu.yield
      }) : () -> ()
    } else {
    }
    %barrier3A = arith.constant 0 : index
    tpu.barrier barrier_id(%barrier3A)
    %mul3A_9 = arith.constant 10000 : i32
    %mul3A_10 = arith.muli %add3A, %mul3A_9 : i32
    %scan3A = arith.constant 0 : i32
    %scan3A_11 = arith.constant 0 : i32
    %scan3A_12 = arith.constant 44 : i32
    %scan3A_13 = arith.addi %scan3A_11, %scan3A_12 : i32
    %scan3A_14 = arith.constant 1 : i32
    scf.for %scan3A_78 = %scan3A_11 to %scan3A_13 step %scan3A_14  : i32 {
      %mul3A_79 = arith.constant 6 : i32
      %mul3A_80 = arith.muli %mul3A_79, %scan3A_78 : i32
      %add3A_81 = arith.constant 0 : i32
      %add3A_82 = arith.addi %mul3A_80, %add3A_81 : i32
      %ge3A = arith.constant 5 : i32
      %ge3A_83 = arith.cmpi sge, %add3A_82, %ge3A : i32
      %lt3A_84 = arith.constant 255 : i32
      %lt3A_85 = arith.cmpi slt, %add3A_82, %lt3A_84 : i32
      %and3A = arith.andi %ge3A_83, %lt3A_85 : i1
      %convert_element_type3A_86 = arith.extui %and3A : i1 to i32
      %cond3A_87 = arith.constant 0 : i32
      %cond3A_88 = arith.cmpi ne, %convert_element_type3A_86, %cond3A_87 : i32
      scf.if %cond3A_88 {
        %dma_wait3A_275 = arith.constant 1 : i32
        %dma_wait3A_276 = arith.constant 1 : i32
        %dma_wait3A_277 = arith.constant 0 : i32
        %dma_wait3A_278 = arith.constant 0 : i32
        %dma_wait3A_279 = tpu.memref_slice %arg11[%dma_wait3A_275, %dma_wait3A_277, %dma_wait3A_278] : memref<6x40x128xf32, #tpu.memory_space<vmem>> -> memref<1x40x128xf32, #tpu.memory_space<vmem>>
        %dma_wait3A_280 = tpu.memref_squeeze %dma_wait3A_279 : memref<1x40x128xf32, #tpu.memory_space<vmem>> -> memref<40x128xf32, #tpu.memory_space<vmem>>
        %dma_wait3A_281 = arith.constant 0 : i32
        %dma_wait3A_282 = tpu.memref_slice %arg10[%dma_wait3A_276, %dma_wait3A_281] : memref<6x40xi32, #tpu.memory_space<vmem>> -> memref<1x40xi32, #tpu.memory_space<vmem>>
        %dma_wait3A_283 = tpu.memref_squeeze %dma_wait3A_282 : memref<1x40xi32, #tpu.memory_space<vmem>> -> memref<40xi32, #tpu.memory_space<vmem>>
        %dma_wait3A_284 = arith.constant 0 : i32
        %dma_wait3A_285 = arith.constant 0 : i32
        %dma_wait3A_286 = tpu.memref_slice %arg12[%dma_wait3A_284, %dma_wait3A_285] : memref<10000x128xf32, #tpu.memory_space<vmem_shared>> -> memref<10000x128xf32, #tpu.memory_space<vmem_shared>>
        tpu.wait_indirect_dma semaphore(%arg26 : memref<!tpu.dma_semaphore, #tpu.memory_space<semaphore_mem>>) src(%dma_wait3A_280 : memref<40x128xf32, #tpu.memory_space<vmem>>) dst(%dma_wait3A_286 : memref<10000x128xf32, #tpu.memory_space<vmem_shared>>)
      } else {
      }
      %ge3A_89 = arith.constant 4 : i32
      %ge3A_90 = arith.cmpi sge, %add3A_82, %ge3A_89 : i32
      %lt3A_91 = arith.constant 254 : i32
      %lt3A_92 = arith.cmpi slt, %add3A_82, %lt3A_91 : i32
      %and3A_93 = arith.andi %ge3A_90, %lt3A_92 : i1
      %convert_element_type3A_94 = arith.extui %and3A_93 : i1 to i32
      %cond3A_95 = arith.constant 0 : i32
      %cond3A_96 = arith.cmpi ne, %convert_element_type3A_94, %cond3A_95 : i32
      scf.if %cond3A_96 {
        %dma_wait3A_275 = arith.constant 2 : i32
        %dma_wait3A_276 = arith.constant 2 : i32
        %dma_wait3A_277 = arith.constant 0 : i32
        %dma_wait3A_278 = arith.constant 0 : i32
        %dma_wait3A_279 = tpu.memref_slice %arg11[%dma_wait3A_276, %dma_wait3A_277, %dma_wait3A_278] : memref<6x40x128xf32, #tpu.memory_space<vmem>> -> memref<1x40x128xf32, #tpu.memory_space<vmem>>
        %dma_wait3A_280 = tpu.memref_squeeze %dma_wait3A_279 : memref<1x40x128xf32, #tpu.memory_space<vmem>> -> memref<40x128xf32, #tpu.memory_space<vmem>>
        %dma_wait3A_281 = arith.constant 0 : i32
        %dma_wait3A_282 = tpu.memref_slice %arg9[%dma_wait3A_275, %dma_wait3A_281] : memref<6x40xi32, #tpu.memory_space<vmem>> -> memref<1x40xi32, #tpu.memory_space<vmem>>
        %dma_wait3A_283 = tpu.memref_squeeze %dma_wait3A_282 : memref<1x40xi32, #tpu.memory_space<vmem>> -> memref<40xi32, #tpu.memory_space<vmem>>
        %dma_wait3A_284 = arith.constant 0 : i32
        %dma_wait3A_285 = arith.constant 0 : i32
        %dma_wait3A_286 = tpu.memref_slice %arg2[%dma_wait3A_284, %dma_wait3A_285] : memref<10000x128xf32, #tpu.memory_space<hbm>> -> memref<10000x128xf32, #tpu.memory_space<hbm>>
        tpu.wait_indirect_dma semaphore(%arg21 : memref<!tpu.dma_semaphore, #tpu.memory_space<semaphore_mem>>) src(%dma_wait3A_286 : memref<10000x128xf32, #tpu.memory_space<hbm>>) dst(%dma_wait3A_280 : memref<40x128xf32, #tpu.memory_space<vmem>>)
        %dma_start3A_287 = arith.constant 2 : i32
        %dma_start3A_288 = arith.constant 2 : i32
        %dma_start3A_289 = arith.constant 0 : i32
        %dma_start3A_290 = arith.constant 0 : i32
        %dma_start3A_291 = tpu.memref_slice %arg11[%dma_start3A_287, %dma_start3A_289, %dma_start3A_290] : memref<6x40x128xf32, #tpu.memory_space<vmem>> -> memref<1x40x128xf32, #tpu.memory_space<vmem>>
        %dma_start3A_292 = tpu.memref_squeeze %dma_start3A_291 : memref<1x40x128xf32, #tpu.memory_space<vmem>> -> memref<40x128xf32, #tpu.memory_space<vmem>>
        %dma_start3A_293 = arith.constant 0 : i32
        %dma_start3A_294 = tpu.memref_slice %arg10[%dma_start3A_288, %dma_start3A_293] : memref<6x40xi32, #tpu.memory_space<vmem>> -> memref<1x40xi32, #tpu.memory_space<vmem>>
        %dma_start3A_295 = tpu.memref_squeeze %dma_start3A_294 : memref<1x40xi32, #tpu.memory_space<vmem>> -> memref<40xi32, #tpu.memory_space<vmem>>
        %dma_start3A_296 = arith.constant 0 : i32
        %dma_start3A_297 = arith.constant 0 : i32
        %dma_start3A_298 = tpu.memref_slice %arg12[%dma_start3A_296, %dma_start3A_297] : memref<10000x128xf32, #tpu.memory_space<vmem_shared>> -> memref<10000x128xf32, #tpu.memory_space<vmem_shared>>
        tpu.enqueue_indirect_dma source(%dma_start3A_292 : memref<40x128xf32, #tpu.memory_space<vmem>>) target(%dma_start3A_298 : memref<10000x128xf32, #tpu.memory_space<vmem_shared>>) offsets(%dma_start3A_295 : memref<40xi32, #tpu.memory_space<vmem>>) semaphore(%arg27 : memref<!tpu.dma_semaphore, #tpu.memory_space<semaphore_mem>>) {add = true}
      } else {
      }
      %ge3A_97 = arith.constant 1 : i32
      %ge3A_98 = arith.cmpi sge, %add3A_82, %ge3A_97 : i32
      %lt3A_99 = arith.constant 251 : i32
      %lt3A_100 = arith.cmpi slt, %add3A_82, %lt3A_99 : i32
      %and3A_101 = arith.andi %ge3A_98, %lt3A_100 : i1
      %convert_element_type3A_102 = arith.extui %and3A_101 : i1 to i32
      %cond3A_103 = arith.constant 0 : i32
      %cond3A_104 = arith.cmpi ne, %convert_element_type3A_102, %cond3A_103 : i32
      scf.if %cond3A_104 {
        %dma_wait3A_275 = arith.constant 5 : i32
        %dma_wait3A_276 = arith.constant 0 : i32
        %dma_wait3A_277 = tpu.memref_slice %arg9[%dma_wait3A_275, %dma_wait3A_276] : memref<6x40xi32, #tpu.memory_space<vmem>> -> memref<1x40xi32, #tpu.memory_space<vmem>>
        %dma_wait3A_278 = tpu.memref_squeeze %dma_wait3A_277 : memref<1x40xi32, #tpu.memory_space<vmem>> -> memref<40xi32, #tpu.memory_space<vmem>>
        %dma_wait3A_279 = arith.constant 0 : i32
        %dma_wait3A_280 = tpu.memref_slice %arg3[%dma_wait3A_279] : memref<320000xi32, #tpu.memory_space<hbm>> -> memref<40xi32, #tpu.memory_space<hbm>>
        %dma_wait3A_281 = arith.constant 0 : i32
        %dma_wait3A_282 = tpu.memref_slice %arg9[%dma_wait3A_275, %dma_wait3A_281] : memref<6x40xi32, #tpu.memory_space<vmem>> -> memref<1x40xi32, #tpu.memory_space<vmem>>
        %dma_wait3A_283 = tpu.memref_squeeze %dma_wait3A_282 : memref<1x40xi32, #tpu.memory_space<vmem>> -> memref<40xi32, #tpu.memory_space<vmem>>
        %dma_wait3A_284 = arith.constant 0 : i32
        %dma_wait3A_285 = tpu.memref_slice %arg3[%dma_wait3A_284] : memref<320000xi32, #tpu.memory_space<hbm>> -> memref<40xi32, #tpu.memory_space<hbm>>
        tpu.wait_dma2 semaphore(%arg18 : memref<!tpu.dma_semaphore, #tpu.memory_space<semaphore_mem>>) src(%dma_wait3A_285 : memref<40xi32, #tpu.memory_space<hbm>>) dst(%dma_wait3A_283 : memref<40xi32, #tpu.memory_space<vmem>>)
        %dma_wait3A_286 = arith.constant 5 : i32
        %dma_wait3A_287 = arith.constant 0 : i32
        %dma_wait3A_288 = tpu.memref_slice %arg10[%dma_wait3A_286, %dma_wait3A_287] : memref<6x40xi32, #tpu.memory_space<vmem>> -> memref<1x40xi32, #tpu.memory_space<vmem>>
        %dma_wait3A_289 = tpu.memref_squeeze %dma_wait3A_288 : memref<1x40xi32, #tpu.memory_space<vmem>> -> memref<40xi32, #tpu.memory_space<vmem>>
        %dma_wait3A_290 = arith.constant 0 : i32
        %dma_wait3A_291 = tpu.memref_slice %arg4[%dma_wait3A_290] : memref<320000xi32, #tpu.memory_space<hbm>> -> memref<40xi32, #tpu.memory_space<hbm>>
        %dma_wait3A_292 = arith.constant 0 : i32
        %dma_wait3A_293 = tpu.memref_slice %arg10[%dma_wait3A_286, %dma_wait3A_292] : memref<6x40xi32, #tpu.memory_space<vmem>> -> memref<1x40xi32, #tpu.memory_space<vmem>>
        %dma_wait3A_294 = tpu.memref_squeeze %dma_wait3A_293 : memref<1x40xi32, #tpu.memory_space<vmem>> -> memref<40xi32, #tpu.memory_space<vmem>>
        %dma_wait3A_295 = arith.constant 0 : i32
        %dma_wait3A_296 = tpu.memref_slice %arg4[%dma_wait3A_295] : memref<320000xi32, #tpu.memory_space<hbm>> -> memref<40xi32, #tpu.memory_space<hbm>>
        tpu.wait_dma2 semaphore(%arg18 : memref<!tpu.dma_semaphore, #tpu.memory_space<semaphore_mem>>) src(%dma_wait3A_296 : memref<40xi32, #tpu.memory_space<hbm>>) dst(%dma_wait3A_294 : memref<40xi32, #tpu.memory_space<vmem>>)
        %dma_start3A_297 = arith.constant 5 : i32
        %dma_start3A_298 = arith.constant 5 : i32
        %dma_start3A_299 = arith.constant 0 : i32
        %dma_start3A_300 = arith.constant 0 : i32
        %dma_start3A_301 = tpu.memref_slice %arg11[%dma_start3A_298, %dma_start3A_299, %dma_start3A_300] : memref<6x40x128xf32, #tpu.memory_space<vmem>> -> memref<1x40x128xf32, #tpu.memory_space<vmem>>
        %dma_start3A_302 = tpu.memref_squeeze %dma_start3A_301 : memref<1x40x128xf32, #tpu.memory_space<vmem>> -> memref<40x128xf32, #tpu.memory_space<vmem>>
        %dma_start3A_303 = arith.constant 0 : i32
        %dma_start3A_304 = tpu.memref_slice %arg9[%dma_start3A_297, %dma_start3A_303] : memref<6x40xi32, #tpu.memory_space<vmem>> -> memref<1x40xi32, #tpu.memory_space<vmem>>
        %dma_start3A_305 = tpu.memref_squeeze %dma_start3A_304 : memref<1x40xi32, #tpu.memory_space<vmem>> -> memref<40xi32, #tpu.memory_space<vmem>>
        %dma_start3A_306 = arith.constant 0 : i32
        %dma_start3A_307 = arith.constant 0 : i32
        %dma_start3A_308 = tpu.memref_slice %arg2[%dma_start3A_306, %dma_start3A_307] : memref<10000x128xf32, #tpu.memory_space<hbm>> -> memref<10000x128xf32, #tpu.memory_space<hbm>>
        tpu.enqueue_indirect_dma source(%dma_start3A_308 : memref<10000x128xf32, #tpu.memory_space<hbm>>) target(%dma_start3A_302 : memref<40x128xf32, #tpu.memory_space<vmem>>) offsets(%dma_start3A_305 : memref<40xi32, #tpu.memory_space<vmem>>) semaphore(%arg24 : memref<!tpu.dma_semaphore, #tpu.memory_space<semaphore_mem>>)
      } else {
      }
      %lt3A_105 = arith.constant 250 : i32
      %lt3A_106 = arith.cmpi slt, %add3A_82, %lt3A_105 : i32
      %convert_element_type3A_107 = arith.extui %lt3A_106 : i1 to i32
      %cond3A_108 = arith.constant 0 : i32
      %cond3A_109 = arith.cmpi ne, %convert_element_type3A_107, %cond3A_108 : i32
      scf.if %cond3A_109 {
        %mul3A_275 = arith.constant 40 : i32
        %mul3A_276 = arith.muli %add3A_82, %mul3A_275 : i32
        %add3A_277 = arith.addi %mul3A_10, %mul3A_276 : i32
        %multiple_of3A_278 = tpu.assume_multiple %add3A_277, 8 : i32
        %dma_start3A_279 = arith.constant 0 : i32
        %dma_start3A_280 = arith.constant 0 : i32
        %dma_start3A_281 = tpu.memref_slice %arg9[%dma_start3A_279, %dma_start3A_280] : memref<6x40xi32, #tpu.memory_space<vmem>> -> memref<1x40xi32, #tpu.memory_space<vmem>>
        %dma_start3A_282 = tpu.memref_squeeze %dma_start3A_281 : memref<1x40xi32, #tpu.memory_space<vmem>> -> memref<40xi32, #tpu.memory_space<vmem>>
        %dma_start3A_283 = tpu.memref_slice %arg3[%multiple_of3A_278] : memref<320000xi32, #tpu.memory_space<hbm>> -> memref<40xi32, #tpu.memory_space<hbm>>
        %dma_start3A_284 = arith.constant 0 : i32
        %dma_start3A_285 = tpu.memref_slice %arg9[%dma_start3A_279, %dma_start3A_284] : memref<6x40xi32, #tpu.memory_space<vmem>> -> memref<1x40xi32, #tpu.memory_space<vmem>>
        %dma_start3A_286 = tpu.memref_squeeze %dma_start3A_285 : memref<1x40xi32, #tpu.memory_space<vmem>> -> memref<40xi32, #tpu.memory_space<vmem>>
        %dma_start3A_287 = tpu.memref_slice %arg3[%multiple_of3A_278] : memref<320000xi32, #tpu.memory_space<hbm>> -> memref<40xi32, #tpu.memory_space<hbm>>
        tpu.enqueue_dma source(%dma_start3A_287 : memref<40xi32, #tpu.memory_space<hbm>>) target(%dma_start3A_286 : memref<40xi32, #tpu.memory_space<vmem>>) target_semaphore(%arg13 : memref<!tpu.dma_semaphore, #tpu.memory_space<semaphore_mem>>)
        %dma_start3A_288 = arith.constant 0 : i32
        %dma_start3A_289 = arith.constant 0 : i32
        %dma_start3A_290 = tpu.memref_slice %arg10[%dma_start3A_288, %dma_start3A_289] : memref<6x40xi32, #tpu.memory_space<vmem>> -> memref<1x40xi32, #tpu.memory_space<vmem>>
        %dma_start3A_291 = tpu.memref_squeeze %dma_start3A_290 : memref<1x40xi32, #tpu.memory_space<vmem>> -> memref<40xi32, #tpu.memory_space<vmem>>
        %dma_start3A_292 = tpu.memref_slice %arg4[%multiple_of3A_278] : memref<320000xi32, #tpu.memory_space<hbm>> -> memref<40xi32, #tpu.memory_space<hbm>>
        %dma_start3A_293 = arith.constant 0 : i32
        %dma_start3A_294 = tpu.memref_slice %arg10[%dma_start3A_288, %dma_start3A_293] : memref<6x40xi32, #tpu.memory_space<vmem>> -> memref<1x40xi32, #tpu.memory_space<vmem>>
        %dma_start3A_295 = tpu.memref_squeeze %dma_start3A_294 : memref<1x40xi32, #tpu.memory_space<vmem>> -> memref<40xi32, #tpu.memory_space<vmem>>
        %dma_start3A_296 = tpu.memref_slice %arg4[%multiple_of3A_278] : memref<320000xi32, #tpu.memory_space<hbm>> -> memref<40xi32, #tpu.memory_space<hbm>>
        tpu.enqueue_dma source(%dma_start3A_296 : memref<40xi32, #tpu.memory_space<hbm>>) target(%dma_start3A_295 : memref<40xi32, #tpu.memory_space<vmem>>) target_semaphore(%arg13 : memref<!tpu.dma_semaphore, #tpu.memory_space<semaphore_mem>>)
      } else {
      }
      %mul3A_110 = arith.constant 6 : i32
      %mul3A_111 = arith.muli %mul3A_110, %scan3A_78 : i32
      %add3A_112 = arith.constant 1 : i32
      %add3A_113 = arith.addi %mul3A_111, %add3A_112 : i32
      %ge3A_114 = arith.constant 5 : i32
      %ge3A_115 = arith.cmpi sge, %add3A_113, %ge3A_114 : i32
      %lt3A_116 = arith.constant 255 : i32
      %lt3A_117 = arith.cmpi slt, %add3A_113, %lt3A_116 : i32
      %and3A_118 = arith.andi %ge3A_115, %lt3A_117 : i1
      %convert_element_type3A_119 = arith.extui %and3A_118 : i1 to i32
      %cond3A_120 = arith.constant 0 : i32
      %cond3A_121 = arith.cmpi ne, %convert_element_type3A_119, %cond3A_120 : i32
      scf.if %cond3A_121 {
        %dma_wait3A_275 = arith.constant 2 : i32
        %dma_wait3A_276 = arith.constant 2 : i32
        %dma_wait3A_277 = arith.constant 0 : i32
        %dma_wait3A_278 = arith.constant 0 : i32
        %dma_wait3A_279 = tpu.memref_slice %arg11[%dma_wait3A_275, %dma_wait3A_277, %dma_wait3A_278] : memref<6x40x128xf32, #tpu.memory_space<vmem>> -> memref<1x40x128xf32, #tpu.memory_space<vmem>>
        %dma_wait3A_280 = tpu.memref_squeeze %dma_wait3A_279 : memref<1x40x128xf32, #tpu.memory_space<vmem>> -> memref<40x128xf32, #tpu.memory_space<vmem>>
        %dma_wait3A_281 = arith.constant 0 : i32
        %dma_wait3A_282 = tpu.memref_slice %arg10[%dma_wait3A_276, %dma_wait3A_281] : memref<6x40xi32, #tpu.memory_space<vmem>> -> memref<1x40xi32, #tpu.memory_space<vmem>>
        %dma_wait3A_283 = tpu.memref_squeeze %dma_wait3A_282 : memref<1x40xi32, #tpu.memory_space<vmem>> -> memref<40xi32, #tpu.memory_space<vmem>>
        %dma_wait3A_284 = arith.constant 0 : i32
        %dma_wait3A_285 = arith.constant 0 : i32
        %dma_wait3A_286 = tpu.memref_slice %arg12[%dma_wait3A_284, %dma_wait3A_285] : memref<10000x128xf32, #tpu.memory_space<vmem_shared>> -> memref<10000x128xf32, #tpu.memory_space<vmem_shared>>
        tpu.wait_indirect_dma semaphore(%arg27 : memref<!tpu.dma_semaphore, #tpu.memory_space<semaphore_mem>>) src(%dma_wait3A_280 : memref<40x128xf32, #tpu.memory_space<vmem>>) dst(%dma_wait3A_286 : memref<10000x128xf32, #tpu.memory_space<vmem_shared>>)
      } else {
      }
      %ge3A_122 = arith.constant 4 : i32
      %ge3A_123 = arith.cmpi sge, %add3A_113, %ge3A_122 : i32
      %lt3A_124 = arith.constant 254 : i32
      %lt3A_125 = arith.cmpi slt, %add3A_113, %lt3A_124 : i32
      %and3A_126 = arith.andi %ge3A_123, %lt3A_125 : i1
      %convert_element_type3A_127 = arith.extui %and3A_126 : i1 to i32
      %cond3A_128 = arith.constant 0 : i32
      %cond3A_129 = arith.cmpi ne, %convert_element_type3A_127, %cond3A_128 : i32
      scf.if %cond3A_129 {
        %dma_wait3A_275 = arith.constant 3 : i32
        %dma_wait3A_276 = arith.constant 3 : i32
        %dma_wait3A_277 = arith.constant 0 : i32
        %dma_wait3A_278 = arith.constant 0 : i32
        %dma_wait3A_279 = tpu.memref_slice %arg11[%dma_wait3A_276, %dma_wait3A_277, %dma_wait3A_278] : memref<6x40x128xf32, #tpu.memory_space<vmem>> -> memref<1x40x128xf32, #tpu.memory_space<vmem>>
        %dma_wait3A_280 = tpu.memref_squeeze %dma_wait3A_279 : memref<1x40x128xf32, #tpu.memory_space<vmem>> -> memref<40x128xf32, #tpu.memory_space<vmem>>
        %dma_wait3A_281 = arith.constant 0 : i32
        %dma_wait3A_282 = tpu.memref_slice %arg9[%dma_wait3A_275, %dma_wait3A_281] : memref<6x40xi32, #tpu.memory_space<vmem>> -> memref<1x40xi32, #tpu.memory_space<vmem>>
        %dma_wait3A_283 = tpu.memref_squeeze %dma_wait3A_282 : memref<1x40xi32, #tpu.memory_space<vmem>> -> memref<40xi32, #tpu.memory_space<vmem>>
        %dma_wait3A_284 = arith.constant 0 : i32
        %dma_wait3A_285 = arith.constant 0 : i32
        %dma_wait3A_286 = tpu.memref_slice %arg2[%dma_wait3A_284, %dma_wait3A_285] : memref<10000x128xf32, #tpu.memory_space<hbm>> -> memref<10000x128xf32, #tpu.memory_space<hbm>>
        tpu.wait_indirect_dma semaphore(%arg22 : memref<!tpu.dma_semaphore, #tpu.memory_space<semaphore_mem>>) src(%dma_wait3A_286 : memref<10000x128xf32, #tpu.memory_space<hbm>>) dst(%dma_wait3A_280 : memref<40x128xf32, #tpu.memory_space<vmem>>)
        %dma_start3A_287 = arith.constant 3 : i32
        %dma_start3A_288 = arith.constant 3 : i32
        %dma_start3A_289 = arith.constant 0 : i32
        %dma_start3A_290 = arith.constant 0 : i32
        %dma_start3A_291 = tpu.memref_slice %arg11[%dma_start3A_287, %dma_start3A_289, %dma_start3A_290] : memref<6x40x128xf32, #tpu.memory_space<vmem>> -> memref<1x40x128xf32, #tpu.memory_space<vmem>>
        %dma_start3A_292 = tpu.memref_squeeze %dma_start3A_291 : memref<1x40x128xf32, #tpu.memory_space<vmem>> -> memref<40x128xf32, #tpu.memory_space<vmem>>
        %dma_start3A_293 = arith.constant 0 : i32
        %dma_start3A_294 = tpu.memref_slice %arg10[%dma_start3A_288, %dma_start3A_293] : memref<6x40xi32, #tpu.memory_space<vmem>> -> memref<1x40xi32, #tpu.memory_space<vmem>>
        %dma_start3A_295 = tpu.memref_squeeze %dma_start3A_294 : memref<1x40xi32, #tpu.memory_space<vmem>> -> memref<40xi32, #tpu.memory_space<vmem>>
        %dma_start3A_296 = arith.constant 0 : i32
        %dma_start3A_297 = arith.constant 0 : i32
        %dma_start3A_298 = tpu.memref_slice %arg12[%dma_start3A_296, %dma_start3A_297] : memref<10000x128xf32, #tpu.memory_space<vmem_shared>> -> memref<10000x128xf32, #tpu.memory_space<vmem_shared>>
        tpu.enqueue_indirect_dma source(%dma_start3A_292 : memref<40x128xf32, #tpu.memory_space<vmem>>) target(%dma_start3A_298 : memref<10000x128xf32, #tpu.memory_space<vmem_shared>>) offsets(%dma_start3A_295 : memref<40xi32, #tpu.memory_space<vmem>>) semaphore(%arg28 : memref<!tpu.dma_semaphore, #tpu.memory_space<semaphore_mem>>) {add = true}
      } else {
      }
      %ge3A_130 = arith.constant 1 : i32
      %ge3A_131 = arith.cmpi sge, %add3A_113, %ge3A_130 : i32
      %lt3A_132 = arith.constant 251 : i32
      %lt3A_133 = arith.cmpi slt, %add3A_113, %lt3A_132 : i32
      %and3A_134 = arith.andi %ge3A_131, %lt3A_133 : i1
      %convert_element_type3A_135 = arith.extui %and3A_134 : i1 to i32
      %cond3A_136 = arith.constant 0 : i32
      %cond3A_137 = arith.cmpi ne, %convert_element_type3A_135, %cond3A_136 : i32
      scf.if %cond3A_137 {
        %dma_wait3A_275 = arith.constant 0 : i32
        %dma_wait3A_276 = arith.constant 0 : i32
        %dma_wait3A_277 = tpu.memref_slice %arg9[%dma_wait3A_275, %dma_wait3A_276] : memref<6x40xi32, #tpu.memory_space<vmem>> -> memref<1x40xi32, #tpu.memory_space<vmem>>
        %dma_wait3A_278 = tpu.memref_squeeze %dma_wait3A_277 : memref<1x40xi32, #tpu.memory_space<vmem>> -> memref<40xi32, #tpu.memory_space<vmem>>
        %dma_wait3A_279 = arith.constant 0 : i32
        %dma_wait3A_280 = tpu.memref_slice %arg3[%dma_wait3A_279] : memref<320000xi32, #tpu.memory_space<hbm>> -> memref<40xi32, #tpu.memory_space<hbm>>
        %dma_wait3A_281 = arith.constant 0 : i32
        %dma_wait3A_282 = tpu.memref_slice %arg9[%dma_wait3A_275, %dma_wait3A_281] : memref<6x40xi32, #tpu.memory_space<vmem>> -> memref<1x40xi32, #tpu.memory_space<vmem>>
        %dma_wait3A_283 = tpu.memref_squeeze %dma_wait3A_282 : memref<1x40xi32, #tpu.memory_space<vmem>> -> memref<40xi32, #tpu.memory_space<vmem>>
        %dma_wait3A_284 = arith.constant 0 : i32
        %dma_wait3A_285 = tpu.memref_slice %arg3[%dma_wait3A_284] : memref<320000xi32, #tpu.memory_space<hbm>> -> memref<40xi32, #tpu.memory_space<hbm>>
        tpu.wait_dma2 semaphore(%arg13 : memref<!tpu.dma_semaphore, #tpu.memory_space<semaphore_mem>>) src(%dma_wait3A_285 : memref<40xi32, #tpu.memory_space<hbm>>) dst(%dma_wait3A_283 : memref<40xi32, #tpu.memory_space<vmem>>)
        %dma_wait3A_286 = arith.constant 0 : i32
        %dma_wait3A_287 = arith.constant 0 : i32
        %dma_wait3A_288 = tpu.memref_slice %arg10[%dma_wait3A_286, %dma_wait3A_287] : memref<6x40xi32, #tpu.memory_space<vmem>> -> memref<1x40xi32, #tpu.memory_space<vmem>>
        %dma_wait3A_289 = tpu.memref_squeeze %dma_wait3A_288 : memref<1x40xi32, #tpu.memory_space<vmem>> -> memref<40xi32, #tpu.memory_space<vmem>>
        %dma_wait3A_290 = arith.constant 0 : i32
        %dma_wait3A_291 = tpu.memref_slice %arg4[%dma_wait3A_290] : memref<320000xi32, #tpu.memory_space<hbm>> -> memref<40xi32, #tpu.memory_space<hbm>>
        %dma_wait3A_292 = arith.constant 0 : i32
        %dma_wait3A_293 = tpu.memref_slice %arg10[%dma_wait3A_286, %dma_wait3A_292] : memref<6x40xi32, #tpu.memory_space<vmem>> -> memref<1x40xi32, #tpu.memory_space<vmem>>
        %dma_wait3A_294 = tpu.memref_squeeze %dma_wait3A_293 : memref<1x40xi32, #tpu.memory_space<vmem>> -> memref<40xi32, #tpu.memory_space<vmem>>
        %dma_wait3A_295 = arith.constant 0 : i32
        %dma_wait3A_296 = tpu.memref_slice %arg4[%dma_wait3A_295] : memref<320000xi32, #tpu.memory_space<hbm>> -> memref<40xi32, #tpu.memory_space<hbm>>
        tpu.wait_dma2 semaphore(%arg13 : memref<!tpu.dma_semaphore, #tpu.memory_space<semaphore_mem>>) src(%dma_wait3A_296 : memref<40xi32, #tpu.memory_space<hbm>>) dst(%dma_wait3A_294 : memref<40xi32, #tpu.memory_space<vmem>>)
        %dma_start3A_297 = arith.constant 0 : i32
        %dma_start3A_298 = arith.constant 0 : i32
        %dma_start3A_299 = arith.constant 0 : i32
        %dma_start3A_300 = arith.constant 0 : i32
        %dma_start3A_301 = tpu.memref_slice %arg11[%dma_start3A_298, %dma_start3A_299, %dma_start3A_300] : memref<6x40x128xf32, #tpu.memory_space<vmem>> -> memref<1x40x128xf32, #tpu.memory_space<vmem>>
        %dma_start3A_302 = tpu.memref_squeeze %dma_start3A_301 : memref<1x40x128xf32, #tpu.memory_space<vmem>> -> memref<40x128xf32, #tpu.memory_space<vmem>>
        %dma_start3A_303 = arith.constant 0 : i32
        %dma_start3A_304 = tpu.memref_slice %arg9[%dma_start3A_297, %dma_start3A_303] : memref<6x40xi32, #tpu.memory_space<vmem>> -> memref<1x40xi32, #tpu.memory_space<vmem>>
        %dma_start3A_305 = tpu.memref_squeeze %dma_start3A_304 : memref<1x40xi32, #tpu.memory_space<vmem>> -> memref<40xi32, #tpu.memory_space<vmem>>
        %dma_start3A_306 = arith.constant 0 : i32
        %dma_start3A_307 = arith.constant 0 : i32
        %dma_start3A_308 = tpu.memref_slice %arg2[%dma_start3A_306, %dma_start3A_307] : memref<10000x128xf32, #tpu.memory_space<hbm>> -> memref<10000x128xf32, #tpu.memory_space<hbm>>
        tpu.enqueue_indirect_dma source(%dma_start3A_308 : memref<10000x128xf32, #tpu.memory_space<hbm>>) target(%dma_start3A_302 : memref<40x128xf32, #tpu.memory_space<vmem>>) offsets(%dma_start3A_305 : memref<40xi32, #tpu.memory_space<vmem>>) semaphore(%arg19 : memref<!tpu.dma_semaphore, #tpu.memory_space<semaphore_mem>>)
      } else {
      }
      %lt3A_138 = arith.constant 250 : i32
      %lt3A_139 = arith.cmpi slt, %add3A_113, %lt3A_138 : i32
      %convert_element_type3A_140 = arith.extui %lt3A_139 : i1 to i32
      %cond3A_141 = arith.constant 0 : i32
      %cond3A_142 = arith.cmpi ne, %convert_element_type3A_140, %cond3A_141 : i32
      scf.if %cond3A_142 {
        %mul3A_275 = arith.constant 40 : i32
        %mul3A_276 = arith.muli %add3A_113, %mul3A_275 : i32
        %add3A_277 = arith.addi %mul3A_10, %mul3A_276 : i32
        %multiple_of3A_278 = tpu.assume_multiple %add3A_277, 8 : i32
        %dma_start3A_279 = arith.constant 1 : i32
        %dma_start3A_280 = arith.constant 0 : i32
        %dma_start3A_281 = tpu.memref_slice %arg9[%dma_start3A_279, %dma_start3A_280] : memref<6x40xi32, #tpu.memory_space<vmem>> -> memref<1x40xi32, #tpu.memory_space<vmem>>
        %dma_start3A_282 = tpu.memref_squeeze %dma_start3A_281 : memref<1x40xi32, #tpu.memory_space<vmem>> -> memref<40xi32, #tpu.memory_space<vmem>>
        %dma_start3A_283 = tpu.memref_slice %arg3[%multiple_of3A_278] : memref<320000xi32, #tpu.memory_space<hbm>> -> memref<40xi32, #tpu.memory_space<hbm>>
        %dma_start3A_284 = arith.constant 0 : i32
        %dma_start3A_285 = tpu.memref_slice %arg9[%dma_start3A_279, %dma_start3A_284] : memref<6x40xi32, #tpu.memory_space<vmem>> -> memref<1x40xi32, #tpu.memory_space<vmem>>
        %dma_start3A_286 = tpu.memref_squeeze %dma_start3A_285 : memref<1x40xi32, #tpu.memory_space<vmem>> -> memref<40xi32, #tpu.memory_space<vmem>>
        %dma_start3A_287 = tpu.memref_slice %arg3[%multiple_of3A_278] : memref<320000xi32, #tpu.memory_space<hbm>> -> memref<40xi32, #tpu.memory_space<hbm>>
        tpu.enqueue_dma source(%dma_start3A_287 : memref<40xi32, #tpu.memory_space<hbm>>) target(%dma_start3A_286 : memref<40xi32, #tpu.memory_space<vmem>>) target_semaphore(%arg14 : memref<!tpu.dma_semaphore, #tpu.memory_space<semaphore_mem>>)
        %dma_start3A_288 = arith.constant 1 : i32
        %dma_start3A_289 = arith.constant 0 : i32
        %dma_start3A_290 = tpu.memref_slice %arg10[%dma_start3A_288, %dma_start3A_289] : memref<6x40xi32, #tpu.memory_space<vmem>> -> memref<1x40xi32, #tpu.memory_space<vmem>>
        %dma_start3A_291 = tpu.memref_squeeze %dma_start3A_290 : memref<1x40xi32, #tpu.memory_space<vmem>> -> memref<40xi32, #tpu.memory_space<vmem>>
        %dma_start3A_292 = tpu.memref_slice %arg4[%multiple_of3A_278] : memref<320000xi32, #tpu.memory_space<hbm>> -> memref<40xi32, #tpu.memory_space<hbm>>
        %dma_start3A_293 = arith.constant 0 : i32
        %dma_start3A_294 = tpu.memref_slice %arg10[%dma_start3A_288, %dma_start3A_293] : memref<6x40xi32, #tpu.memory_space<vmem>> -> memref<1x40xi32, #tpu.memory_space<vmem>>
        %dma_start3A_295 = tpu.memref_squeeze %dma_start3A_294 : memref<1x40xi32, #tpu.memory_space<vmem>> -> memref<40xi32, #tpu.memory_space<vmem>>
        %dma_start3A_296 = tpu.memref_slice %arg4[%multiple_of3A_278] : memref<320000xi32, #tpu.memory_space<hbm>> -> memref<40xi32, #tpu.memory_space<hbm>>
        tpu.enqueue_dma source(%dma_start3A_296 : memref<40xi32, #tpu.memory_space<hbm>>) target(%dma_start3A_295 : memref<40xi32, #tpu.memory_space<vmem>>) target_semaphore(%arg14 : memref<!tpu.dma_semaphore, #tpu.memory_space<semaphore_mem>>)
      } else {
      }
      %mul3A_143 = arith.constant 6 : i32
      %mul3A_144 = arith.muli %mul3A_143, %scan3A_78 : i32
      %add3A_145 = arith.constant 2 : i32
      %add3A_146 = arith.addi %mul3A_144, %add3A_145 : i32
      %ge3A_147 = arith.constant 5 : i32
      %ge3A_148 = arith.cmpi sge, %add3A_146, %ge3A_147 : i32
      %lt3A_149 = arith.constant 255 : i32
      %lt3A_150 = arith.cmpi slt, %add3A_146, %lt3A_149 : i32
      %and3A_151 = arith.andi %ge3A_148, %lt3A_150 : i1
      %convert_element_type3A_152 = arith.extui %and3A_151 : i1 to i32
      %cond3A_153 = arith.constant 0 : i32
      %cond3A_154 = arith.cmpi ne, %convert_element_type3A_152, %cond3A_153 : i32
      scf.if %cond3A_154 {
        %dma_wait3A_275 = arith.constant 3 : i32
        %dma_wait3A_276 = arith.constant 3 : i32
        %dma_wait3A_277 = arith.constant 0 : i32
        %dma_wait3A_278 = arith.constant 0 : i32
        %dma_wait3A_279 = tpu.memref_slice %arg11[%dma_wait3A_275, %dma_wait3A_277, %dma_wait3A_278] : memref<6x40x128xf32, #tpu.memory_space<vmem>> -> memref<1x40x128xf32, #tpu.memory_space<vmem>>
        %dma_wait3A_280 = tpu.memref_squeeze %dma_wait3A_279 : memref<1x40x128xf32, #tpu.memory_space<vmem>> -> memref<40x128xf32, #tpu.memory_space<vmem>>
        %dma_wait3A_281 = arith.constant 0 : i32
        %dma_wait3A_282 = tpu.memref_slice %arg10[%dma_wait3A_276, %dma_wait3A_281] : memref<6x40xi32, #tpu.memory_space<vmem>> -> memref<1x40xi32, #tpu.memory_space<vmem>>
        %dma_wait3A_283 = tpu.memref_squeeze %dma_wait3A_282 : memref<1x40xi32, #tpu.memory_space<vmem>> -> memref<40xi32, #tpu.memory_space<vmem>>
        %dma_wait3A_284 = arith.constant 0 : i32
        %dma_wait3A_285 = arith.constant 0 : i32
        %dma_wait3A_286 = tpu.memref_slice %arg12[%dma_wait3A_284, %dma_wait3A_285] : memref<10000x128xf32, #tpu.memory_space<vmem_shared>> -> memref<10000x128xf32, #tpu.memory_space<vmem_shared>>
        tpu.wait_indirect_dma semaphore(%arg28 : memref<!tpu.dma_semaphore, #tpu.memory_space<semaphore_mem>>) src(%dma_wait3A_280 : memref<40x128xf32, #tpu.memory_space<vmem>>) dst(%dma_wait3A_286 : memref<10000x128xf32, #tpu.memory_space<vmem_shared>>)
      } else {
      }
      %ge3A_155 = arith.constant 4 : i32
      %ge3A_156 = arith.cmpi sge, %add3A_146, %ge3A_155 : i32
      %lt3A_157 = arith.constant 254 : i32
      %lt3A_158 = arith.cmpi slt, %add3A_146, %lt3A_157 : i32
      %and3A_159 = arith.andi %ge3A_156, %lt3A_158 : i1
      %convert_element_type3A_160 = arith.extui %and3A_159 : i1 to i32
      %cond3A_161 = arith.constant 0 : i32
      %cond3A_162 = arith.cmpi ne, %convert_element_type3A_160, %cond3A_161 : i32
      scf.if %cond3A_162 {
        %dma_wait3A_275 = arith.constant 4 : i32
        %dma_wait3A_276 = arith.constant 4 : i32
        %dma_wait3A_277 = arith.constant 0 : i32
        %dma_wait3A_278 = arith.constant 0 : i32
        %dma_wait3A_279 = tpu.memref_slice %arg11[%dma_wait3A_276, %dma_wait3A_277, %dma_wait3A_278] : memref<6x40x128xf32, #tpu.memory_space<vmem>> -> memref<1x40x128xf32, #tpu.memory_space<vmem>>
        %dma_wait3A_280 = tpu.memref_squeeze %dma_wait3A_279 : memref<1x40x128xf32, #tpu.memory_space<vmem>> -> memref<40x128xf32, #tpu.memory_space<vmem>>
        %dma_wait3A_281 = arith.constant 0 : i32
        %dma_wait3A_282 = tpu.memref_slice %arg9[%dma_wait3A_275, %dma_wait3A_281] : memref<6x40xi32, #tpu.memory_space<vmem>> -> memref<1x40xi32, #tpu.memory_space<vmem>>
        %dma_wait3A_283 = tpu.memref_squeeze %dma_wait3A_282 : memref<1x40xi32, #tpu.memory_space<vmem>> -> memref<40xi32, #tpu.memory_space<vmem>>
        %dma_wait3A_284 = arith.constant 0 : i32
        %dma_wait3A_285 = arith.constant 0 : i32
        %dma_wait3A_286 = tpu.memref_slice %arg2[%dma_wait3A_284, %dma_wait3A_285] : memref<10000x128xf32, #tpu.memory_space<hbm>> -> memref<10000x128xf32, #tpu.memory_space<hbm>>
        tpu.wait_indirect_dma semaphore(%arg23 : memref<!tpu.dma_semaphore, #tpu.memory_space<semaphore_mem>>) src(%dma_wait3A_286 : memref<10000x128xf32, #tpu.memory_space<hbm>>) dst(%dma_wait3A_280 : memref<40x128xf32, #tpu.memory_space<vmem>>)
        %dma_start3A_287 = arith.constant 4 : i32
        %dma_start3A_288 = arith.constant 4 : i32
        %dma_start3A_289 = arith.constant 0 : i32
        %dma_start3A_290 = arith.constant 0 : i32
        %dma_start3A_291 = tpu.memref_slice %arg11[%dma_start3A_287, %dma_start3A_289, %dma_start3A_290] : memref<6x40x128xf32, #tpu.memory_space<vmem>> -> memref<1x40x128xf32, #tpu.memory_space<vmem>>
        %dma_start3A_292 = tpu.memref_squeeze %dma_start3A_291 : memref<1x40x128xf32, #tpu.memory_space<vmem>> -> memref<40x128xf32, #tpu.memory_space<vmem>>
        %dma_start3A_293 = arith.constant 0 : i32
        %dma_start3A_294 = tpu.memref_slice %arg10[%dma_start3A_288, %dma_start3A_293] : memref<6x40xi32, #tpu.memory_space<vmem>> -> memref<1x40xi32, #tpu.memory_space<vmem>>
        %dma_start3A_295 = tpu.memref_squeeze %dma_start3A_294 : memref<1x40xi32, #tpu.memory_space<vmem>> -> memref<40xi32, #tpu.memory_space<vmem>>
        %dma_start3A_296 = arith.constant 0 : i32
        %dma_start3A_297 = arith.constant 0 : i32
        %dma_start3A_298 = tpu.memref_slice %arg12[%dma_start3A_296, %dma_start3A_297] : memref<10000x128xf32, #tpu.memory_space<vmem_shared>> -> memref<10000x128xf32, #tpu.memory_space<vmem_shared>>
        tpu.enqueue_indirect_dma source(%dma_start3A_292 : memref<40x128xf32, #tpu.memory_space<vmem>>) target(%dma_start3A_298 : memref<10000x128xf32, #tpu.memory_space<vmem_shared>>) offsets(%dma_start3A_295 : memref<40xi32, #tpu.memory_space<vmem>>) semaphore(%arg29 : memref<!tpu.dma_semaphore, #tpu.memory_space<semaphore_mem>>) {add = true}
      } else {
      }
      %ge3A_163 = arith.constant 1 : i32
      %ge3A_164 = arith.cmpi sge, %add3A_146, %ge3A_163 : i32
      %lt3A_165 = arith.constant 251 : i32
      %lt3A_166 = arith.cmpi slt, %add3A_146, %lt3A_165 : i32
      %and3A_167 = arith.andi %ge3A_164, %lt3A_166 : i1
      %convert_element_type3A_168 = arith.extui %and3A_167 : i1 to i32
      %cond3A_169 = arith.constant 0 : i32
      %cond3A_170 = arith.cmpi ne, %convert_element_type3A_168, %cond3A_169 : i32
      scf.if %cond3A_170 {
        %dma_wait3A_275 = arith.constant 1 : i32
        %dma_wait3A_276 = arith.constant 0 : i32
        %dma_wait3A_277 = tpu.memref_slice %arg9[%dma_wait3A_275, %dma_wait3A_276] : memref<6x40xi32, #tpu.memory_space<vmem>> -> memref<1x40xi32, #tpu.memory_space<vmem>>
        %dma_wait3A_278 = tpu.memref_squeeze %dma_wait3A_277 : memref<1x40xi32, #tpu.memory_space<vmem>> -> memref<40xi32, #tpu.memory_space<vmem>>
        %dma_wait3A_279 = arith.constant 0 : i32
        %dma_wait3A_280 = tpu.memref_slice %arg3[%dma_wait3A_279] : memref<320000xi32, #tpu.memory_space<hbm>> -> memref<40xi32, #tpu.memory_space<hbm>>
        %dma_wait3A_281 = arith.constant 0 : i32
        %dma_wait3A_282 = tpu.memref_slice %arg9[%dma_wait3A_275, %dma_wait3A_281] : memref<6x40xi32, #tpu.memory_space<vmem>> -> memref<1x40xi32, #tpu.memory_space<vmem>>
        %dma_wait3A_283 = tpu.memref_squeeze %dma_wait3A_282 : memref<1x40xi32, #tpu.memory_space<vmem>> -> memref<40xi32, #tpu.memory_space<vmem>>
        %dma_wait3A_284 = arith.constant 0 : i32
        %dma_wait3A_285 = tpu.memref_slice %arg3[%dma_wait3A_284] : memref<320000xi32, #tpu.memory_space<hbm>> -> memref<40xi32, #tpu.memory_space<hbm>>
        tpu.wait_dma2 semaphore(%arg14 : memref<!tpu.dma_semaphore, #tpu.memory_space<semaphore_mem>>) src(%dma_wait3A_285 : memref<40xi32, #tpu.memory_space<hbm>>) dst(%dma_wait3A_283 : memref<40xi32, #tpu.memory_space<vmem>>)
        %dma_wait3A_286 = arith.constant 1 : i32
        %dma_wait3A_287 = arith.constant 0 : i32
        %dma_wait3A_288 = tpu.memref_slice %arg10[%dma_wait3A_286, %dma_wait3A_287] : memref<6x40xi32, #tpu.memory_space<vmem>> -> memref<1x40xi32, #tpu.memory_space<vmem>>
        %dma_wait3A_289 = tpu.memref_squeeze %dma_wait3A_288 : memref<1x40xi32, #tpu.memory_space<vmem>> -> memref<40xi32, #tpu.memory_space<vmem>>
        %dma_wait3A_290 = arith.constant 0 : i32
        %dma_wait3A_291 = tpu.memref_slice %arg4[%dma_wait3A_290] : memref<320000xi32, #tpu.memory_space<hbm>> -> memref<40xi32, #tpu.memory_space<hbm>>
        %dma_wait3A_292 = arith.constant 0 : i32
        %dma_wait3A_293 = tpu.memref_slice %arg10[%dma_wait3A_286, %dma_wait3A_292] : memref<6x40xi32, #tpu.memory_space<vmem>> -> memref<1x40xi32, #tpu.memory_space<vmem>>
        %dma_wait3A_294 = tpu.memref_squeeze %dma_wait3A_293 : memref<1x40xi32, #tpu.memory_space<vmem>> -> memref<40xi32, #tpu.memory_space<vmem>>
        %dma_wait3A_295 = arith.constant 0 : i32
        %dma_wait3A_296 = tpu.memref_slice %arg4[%dma_wait3A_295] : memref<320000xi32, #tpu.memory_space<hbm>> -> memref<40xi32, #tpu.memory_space<hbm>>
        tpu.wait_dma2 semaphore(%arg14 : memref<!tpu.dma_semaphore, #tpu.memory_space<semaphore_mem>>) src(%dma_wait3A_296 : memref<40xi32, #tpu.memory_space<hbm>>) dst(%dma_wait3A_294 : memref<40xi32, #tpu.memory_space<vmem>>)
        %dma_start3A_297 = arith.constant 1 : i32
        %dma_start3A_298 = arith.constant 1 : i32
        %dma_start3A_299 = arith.constant 0 : i32
        %dma_start3A_300 = arith.constant 0 : i32
        %dma_start3A_301 = tpu.memref_slice %arg11[%dma_start3A_298, %dma_start3A_299, %dma_start3A_300] : memref<6x40x128xf32, #tpu.memory_space<vmem>> -> memref<1x40x128xf32, #tpu.memory_space<vmem>>
        %dma_start3A_302 = tpu.memref_squeeze %dma_start3A_301 : memref<1x40x128xf32, #tpu.memory_space<vmem>> -> memref<40x128xf32, #tpu.memory_space<vmem>>
        %dma_start3A_303 = arith.constant 0 : i32
        %dma_start3A_304 = tpu.memref_slice %arg9[%dma_start3A_297, %dma_start3A_303] : memref<6x40xi32, #tpu.memory_space<vmem>> -> memref<1x40xi32, #tpu.memory_space<vmem>>
        %dma_start3A_305 = tpu.memref_squeeze %dma_start3A_304 : memref<1x40xi32, #tpu.memory_space<vmem>> -> memref<40xi32, #tpu.memory_space<vmem>>
        %dma_start3A_306 = arith.constant 0 : i32
        %dma_start3A_307 = arith.constant 0 : i32
        %dma_start3A_308 = tpu.memref_slice %arg2[%dma_start3A_306, %dma_start3A_307] : memref<10000x128xf32, #tpu.memory_space<hbm>> -> memref<10000x128xf32, #tpu.memory_space<hbm>>
        tpu.enqueue_indirect_dma source(%dma_start3A_308 : memref<10000x128xf32, #tpu.memory_space<hbm>>) target(%dma_start3A_302 : memref<40x128xf32, #tpu.memory_space<vmem>>) offsets(%dma_start3A_305 : memref<40xi32, #tpu.memory_space<vmem>>) semaphore(%arg20 : memref<!tpu.dma_semaphore, #tpu.memory_space<semaphore_mem>>)
      } else {
      }
      %lt3A_171 = arith.constant 250 : i32
      %lt3A_172 = arith.cmpi slt, %add3A_146, %lt3A_171 : i32
      %convert_element_type3A_173 = arith.extui %lt3A_172 : i1 to i32
      %cond3A_174 = arith.constant 0 : i32
      %cond3A_175 = arith.cmpi ne, %convert_element_type3A_173, %cond3A_174 : i32
      scf.if %cond3A_175 {
        %mul3A_275 = arith.constant 40 : i32
        %mul3A_276 = arith.muli %add3A_146, %mul3A_275 : i32
        %add3A_277 = arith.addi %mul3A_10, %mul3A_276 : i32
        %multiple_of3A_278 = tpu.assume_multiple %add3A_277, 8 : i32
        %dma_start3A_279 = arith.constant 2 : i32
        %dma_start3A_280 = arith.constant 0 : i32
        %dma_start3A_281 = tpu.memref_slice %arg9[%dma_start3A_279, %dma_start3A_280] : memref<6x40xi32, #tpu.memory_space<vmem>> -> memref<1x40xi32, #tpu.memory_space<vmem>>
        %dma_start3A_282 = tpu.memref_squeeze %dma_start3A_281 : memref<1x40xi32, #tpu.memory_space<vmem>> -> memref<40xi32, #tpu.memory_space<vmem>>
        %dma_start3A_283 = tpu.memref_slice %arg3[%multiple_of3A_278] : memref<320000xi32, #tpu.memory_space<hbm>> -> memref<40xi32, #tpu.memory_space<hbm>>
        %dma_start3A_284 = arith.constant 0 : i32
        %dma_start3A_285 = tpu.memref_slice %arg9[%dma_start3A_279, %dma_start3A_284] : memref<6x40xi32, #tpu.memory_space<vmem>> -> memref<1x40xi32, #tpu.memory_space<vmem>>
        %dma_start3A_286 = tpu.memref_squeeze %dma_start3A_285 : memref<1x40xi32, #tpu.memory_space<vmem>> -> memref<40xi32, #tpu.memory_space<vmem>>
        %dma_start3A_287 = tpu.memref_slice %arg3[%multiple_of3A_278] : memref<320000xi32, #tpu.memory_space<hbm>> -> memref<40xi32, #tpu.memory_space<hbm>>
        tpu.enqueue_dma source(%dma_start3A_287 : memref<40xi32, #tpu.memory_space<hbm>>) target(%dma_start3A_286 : memref<40xi32, #tpu.memory_space<vmem>>) target_semaphore(%arg15 : memref<!tpu.dma_semaphore, #tpu.memory_space<semaphore_mem>>)
        %dma_start3A_288 = arith.constant 2 : i32
        %dma_start3A_289 = arith.constant 0 : i32
        %dma_start3A_290 = tpu.memref_slice %arg10[%dma_start3A_288, %dma_start3A_289] : memref<6x40xi32, #tpu.memory_space<vmem>> -> memref<1x40xi32, #tpu.memory_space<vmem>>
        %dma_start3A_291 = tpu.memref_squeeze %dma_start3A_290 : memref<1x40xi32, #tpu.memory_space<vmem>> -> memref<40xi32, #tpu.memory_space<vmem>>
        %dma_start3A_292 = tpu.memref_slice %arg4[%multiple_of3A_278] : memref<320000xi32, #tpu.memory_space<hbm>> -> memref<40xi32, #tpu.memory_space<hbm>>
        %dma_start3A_293 = arith.constant 0 : i32
        %dma_start3A_294 = tpu.memref_slice %arg10[%dma_start3A_288, %dma_start3A_293] : memref<6x40xi32, #tpu.memory_space<vmem>> -> memref<1x40xi32, #tpu.memory_space<vmem>>
        %dma_start3A_295 = tpu.memref_squeeze %dma_start3A_294 : memref<1x40xi32, #tpu.memory_space<vmem>> -> memref<40xi32, #tpu.memory_space<vmem>>
        %dma_start3A_296 = tpu.memref_slice %arg4[%multiple_of3A_278] : memref<320000xi32, #tpu.memory_space<hbm>> -> memref<40xi32, #tpu.memory_space<hbm>>
        tpu.enqueue_dma source(%dma_start3A_296 : memref<40xi32, #tpu.memory_space<hbm>>) target(%dma_start3A_295 : memref<40xi32, #tpu.memory_space<vmem>>) target_semaphore(%arg15 : memref<!tpu.dma_semaphore, #tpu.memory_space<semaphore_mem>>)
      } else {
      }
      %mul3A_176 = arith.constant 6 : i32
      %mul3A_177 = arith.muli %mul3A_176, %scan3A_78 : i32
      %add3A_178 = arith.constant 3 : i32
      %add3A_179 = arith.addi %mul3A_177, %add3A_178 : i32
      %ge3A_180 = arith.constant 5 : i32
      %ge3A_181 = arith.cmpi sge, %add3A_179, %ge3A_180 : i32
      %lt3A_182 = arith.constant 255 : i32
      %lt3A_183 = arith.cmpi slt, %add3A_179, %lt3A_182 : i32
      %and3A_184 = arith.andi %ge3A_181, %lt3A_183 : i1
      %convert_element_type3A_185 = arith.extui %and3A_184 : i1 to i32
      %cond3A_186 = arith.constant 0 : i32
      %cond3A_187 = arith.cmpi ne, %convert_element_type3A_185, %cond3A_186 : i32
      scf.if %cond3A_187 {
        %dma_wait3A_275 = arith.constant 4 : i32
        %dma_wait3A_276 = arith.constant 4 : i32
        %dma_wait3A_277 = arith.constant 0 : i32
        %dma_wait3A_278 = arith.constant 0 : i32
        %dma_wait3A_279 = tpu.memref_slice %arg11[%dma_wait3A_275, %dma_wait3A_277, %dma_wait3A_278] : memref<6x40x128xf32, #tpu.memory_space<vmem>> -> memref<1x40x128xf32, #tpu.memory_space<vmem>>
        %dma_wait3A_280 = tpu.memref_squeeze %dma_wait3A_279 : memref<1x40x128xf32, #tpu.memory_space<vmem>> -> memref<40x128xf32, #tpu.memory_space<vmem>>
        %dma_wait3A_281 = arith.constant 0 : i32
        %dma_wait3A_282 = tpu.memref_slice %arg10[%dma_wait3A_276, %dma_wait3A_281] : memref<6x40xi32, #tpu.memory_space<vmem>> -> memref<1x40xi32, #tpu.memory_space<vmem>>
        %dma_wait3A_283 = tpu.memref_squeeze %dma_wait3A_282 : memref<1x40xi32, #tpu.memory_space<vmem>> -> memref<40xi32, #tpu.memory_space<vmem>>
        %dma_wait3A_284 = arith.constant 0 : i32
        %dma_wait3A_285 = arith.constant 0 : i32
        %dma_wait3A_286 = tpu.memref_slice %arg12[%dma_wait3A_284, %dma_wait3A_285] : memref<10000x128xf32, #tpu.memory_space<vmem_shared>> -> memref<10000x128xf32, #tpu.memory_space<vmem_shared>>
        tpu.wait_indirect_dma semaphore(%arg29 : memref<!tpu.dma_semaphore, #tpu.memory_space<semaphore_mem>>) src(%dma_wait3A_280 : memref<40x128xf32, #tpu.memory_space<vmem>>) dst(%dma_wait3A_286 : memref<10000x128xf32, #tpu.memory_space<vmem_shared>>)
      } else {
      }
      %ge3A_188 = arith.constant 4 : i32
      %ge3A_189 = arith.cmpi sge, %add3A_179, %ge3A_188 : i32
      %lt3A_190 = arith.constant 254 : i32
      %lt3A_191 = arith.cmpi slt, %add3A_179, %lt3A_190 : i32
      %and3A_192 = arith.andi %ge3A_189, %lt3A_191 : i1
      %convert_element_type3A_193 = arith.extui %and3A_192 : i1 to i32
      %cond3A_194 = arith.constant 0 : i32
      %cond3A_195 = arith.cmpi ne, %convert_element_type3A_193, %cond3A_194 : i32
      scf.if %cond3A_195 {
        %dma_wait3A_275 = arith.constant 5 : i32
        %dma_wait3A_276 = arith.constant 5 : i32
        %dma_wait3A_277 = arith.constant 0 : i32
        %dma_wait3A_278 = arith.constant 0 : i32
        %dma_wait3A_279 = tpu.memref_slice %arg11[%dma_wait3A_276, %dma_wait3A_277, %dma_wait3A_278] : memref<6x40x128xf32, #tpu.memory_space<vmem>> -> memref<1x40x128xf32, #tpu.memory_space<vmem>>
        %dma_wait3A_280 = tpu.memref_squeeze %dma_wait3A_279 : memref<1x40x128xf32, #tpu.memory_space<vmem>> -> memref<40x128xf32, #tpu.memory_space<vmem>>
        %dma_wait3A_281 = arith.constant 0 : i32
        %dma_wait3A_282 = tpu.memref_slice %arg9[%dma_wait3A_275, %dma_wait3A_281] : memref<6x40xi32, #tpu.memory_space<vmem>> -> memref<1x40xi32, #tpu.memory_space<vmem>>
        %dma_wait3A_283 = tpu.memref_squeeze %dma_wait3A_282 : memref<1x40xi32, #tpu.memory_space<vmem>> -> memref<40xi32, #tpu.memory_space<vmem>>
        %dma_wait3A_284 = arith.constant 0 : i32
        %dma_wait3A_285 = arith.constant 0 : i32
        %dma_wait3A_286 = tpu.memref_slice %arg2[%dma_wait3A_284, %dma_wait3A_285] : memref<10000x128xf32, #tpu.memory_space<hbm>> -> memref<10000x128xf32, #tpu.memory_space<hbm>>
        tpu.wait_indirect_dma semaphore(%arg24 : memref<!tpu.dma_semaphore, #tpu.memory_space<semaphore_mem>>) src(%dma_wait3A_286 : memref<10000x128xf32, #tpu.memory_space<hbm>>) dst(%dma_wait3A_280 : memref<40x128xf32, #tpu.memory_space<vmem>>)
        %dma_start3A_287 = arith.constant 5 : i32
        %dma_start3A_288 = arith.constant 5 : i32
        %dma_start3A_289 = arith.constant 0 : i32
        %dma_start3A_290 = arith.constant 0 : i32
        %dma_start3A_291 = tpu.memref_slice %arg11[%dma_start3A_287, %dma_start3A_289, %dma_start3A_290] : memref<6x40x128xf32, #tpu.memory_space<vmem>> -> memref<1x40x128xf32, #tpu.memory_space<vmem>>
        %dma_start3A_292 = tpu.memref_squeeze %dma_start3A_291 : memref<1x40x128xf32, #tpu.memory_space<vmem>> -> memref<40x128xf32, #tpu.memory_space<vmem>>
        %dma_start3A_293 = arith.constant 0 : i32
        %dma_start3A_294 = tpu.memref_slice %arg10[%dma_start3A_288, %dma_start3A_293] : memref<6x40xi32, #tpu.memory_space<vmem>> -> memref<1x40xi32, #tpu.memory_space<vmem>>
        %dma_start3A_295 = tpu.memref_squeeze %dma_start3A_294 : memref<1x40xi32, #tpu.memory_space<vmem>> -> memref<40xi32, #tpu.memory_space<vmem>>
        %dma_start3A_296 = arith.constant 0 : i32
        %dma_start3A_297 = arith.constant 0 : i32
        %dma_start3A_298 = tpu.memref_slice %arg12[%dma_start3A_296, %dma_start3A_297] : memref<10000x128xf32, #tpu.memory_space<vmem_shared>> -> memref<10000x128xf32, #tpu.memory_space<vmem_shared>>
        tpu.enqueue_indirect_dma source(%dma_start3A_292 : memref<40x128xf32, #tpu.memory_space<vmem>>) target(%dma_start3A_298 : memref<10000x128xf32, #tpu.memory_space<vmem_shared>>) offsets(%dma_start3A_295 : memref<40xi32, #tpu.memory_space<vmem>>) semaphore(%arg30 : memref<!tpu.dma_semaphore, #tpu.memory_space<semaphore_mem>>) {add = true}
      } else {
      }
      %ge3A_196 = arith.constant 1 : i32
      %ge3A_197 = arith.cmpi sge, %add3A_179, %ge3A_196 : i32
      %lt3A_198 = arith.constant 251 : i32
      %lt3A_199 = arith.cmpi slt, %add3A_179, %lt3A_198 : i32
      %and3A_200 = arith.andi %ge3A_197, %lt3A_199 : i1
      %convert_element_type3A_201 = arith.extui %and3A_200 : i1 to i32
      %cond3A_202 = arith.constant 0 : i32
      %cond3A_203 = arith.cmpi ne, %convert_element_type3A_201, %cond3A_202 : i32
      scf.if %cond3A_203 {
        %dma_wait3A_275 = arith.constant 2 : i32
        %dma_wait3A_276 = arith.constant 0 : i32
        %dma_wait3A_277 = tpu.memref_slice %arg9[%dma_wait3A_275, %dma_wait3A_276] : memref<6x40xi32, #tpu.memory_space<vmem>> -> memref<1x40xi32, #tpu.memory_space<vmem>>
        %dma_wait3A_278 = tpu.memref_squeeze %dma_wait3A_277 : memref<1x40xi32, #tpu.memory_space<vmem>> -> memref<40xi32, #tpu.memory_space<vmem>>
        %dma_wait3A_279 = arith.constant 0 : i32
        %dma_wait3A_280 = tpu.memref_slice %arg3[%dma_wait3A_279] : memref<320000xi32, #tpu.memory_space<hbm>> -> memref<40xi32, #tpu.memory_space<hbm>>
        %dma_wait3A_281 = arith.constant 0 : i32
        %dma_wait3A_282 = tpu.memref_slice %arg9[%dma_wait3A_275, %dma_wait3A_281] : memref<6x40xi32, #tpu.memory_space<vmem>> -> memref<1x40xi32, #tpu.memory_space<vmem>>
        %dma_wait3A_283 = tpu.memref_squeeze %dma_wait3A_282 : memref<1x40xi32, #tpu.memory_space<vmem>> -> memref<40xi32, #tpu.memory_space<vmem>>
        %dma_wait3A_284 = arith.constant 0 : i32
        %dma_wait3A_285 = tpu.memref_slice %arg3[%dma_wait3A_284] : memref<320000xi32, #tpu.memory_space<hbm>> -> memref<40xi32, #tpu.memory_space<hbm>>
        tpu.wait_dma2 semaphore(%arg15 : memref<!tpu.dma_semaphore, #tpu.memory_space<semaphore_mem>>) src(%dma_wait3A_285 : memref<40xi32, #tpu.memory_space<hbm>>) dst(%dma_wait3A_283 : memref<40xi32, #tpu.memory_space<vmem>>)
        %dma_wait3A_286 = arith.constant 2 : i32
        %dma_wait3A_287 = arith.constant 0 : i32
        %dma_wait3A_288 = tpu.memref_slice %arg10[%dma_wait3A_286, %dma_wait3A_287] : memref<6x40xi32, #tpu.memory_space<vmem>> -> memref<1x40xi32, #tpu.memory_space<vmem>>
        %dma_wait3A_289 = tpu.memref_squeeze %dma_wait3A_288 : memref<1x40xi32, #tpu.memory_space<vmem>> -> memref<40xi32, #tpu.memory_space<vmem>>
        %dma_wait3A_290 = arith.constant 0 : i32
        %dma_wait3A_291 = tpu.memref_slice %arg4[%dma_wait3A_290] : memref<320000xi32, #tpu.memory_space<hbm>> -> memref<40xi32, #tpu.memory_space<hbm>>
        %dma_wait3A_292 = arith.constant 0 : i32
        %dma_wait3A_293 = tpu.memref_slice %arg10[%dma_wait3A_286, %dma_wait3A_292] : memref<6x40xi32, #tpu.memory_space<vmem>> -> memref<1x40xi32, #tpu.memory_space<vmem>>
        %dma_wait3A_294 = tpu.memref_squeeze %dma_wait3A_293 : memref<1x40xi32, #tpu.memory_space<vmem>> -> memref<40xi32, #tpu.memory_space<vmem>>
        %dma_wait3A_295 = arith.constant 0 : i32
        %dma_wait3A_296 = tpu.memref_slice %arg4[%dma_wait3A_295] : memref<320000xi32, #tpu.memory_space<hbm>> -> memref<40xi32, #tpu.memory_space<hbm>>
        tpu.wait_dma2 semaphore(%arg15 : memref<!tpu.dma_semaphore, #tpu.memory_space<semaphore_mem>>) src(%dma_wait3A_296 : memref<40xi32, #tpu.memory_space<hbm>>) dst(%dma_wait3A_294 : memref<40xi32, #tpu.memory_space<vmem>>)
        %dma_start3A_297 = arith.constant 2 : i32
        %dma_start3A_298 = arith.constant 2 : i32
        %dma_start3A_299 = arith.constant 0 : i32
        %dma_start3A_300 = arith.constant 0 : i32
        %dma_start3A_301 = tpu.memref_slice %arg11[%dma_start3A_298, %dma_start3A_299, %dma_start3A_300] : memref<6x40x128xf32, #tpu.memory_space<vmem>> -> memref<1x40x128xf32, #tpu.memory_space<vmem>>
        %dma_start3A_302 = tpu.memref_squeeze %dma_start3A_301 : memref<1x40x128xf32, #tpu.memory_space<vmem>> -> memref<40x128xf32, #tpu.memory_space<vmem>>
        %dma_start3A_303 = arith.constant 0 : i32
        %dma_start3A_304 = tpu.memref_slice %arg9[%dma_start3A_297, %dma_start3A_303] : memref<6x40xi32, #tpu.memory_space<vmem>> -> memref<1x40xi32, #tpu.memory_space<vmem>>
        %dma_start3A_305 = tpu.memref_squeeze %dma_start3A_304 : memref<1x40xi32, #tpu.memory_space<vmem>> -> memref<40xi32, #tpu.memory_space<vmem>>
        %dma_start3A_306 = arith.constant 0 : i32
        %dma_start3A_307 = arith.constant 0 : i32
        %dma_start3A_308 = tpu.memref_slice %arg2[%dma_start3A_306, %dma_start3A_307] : memref<10000x128xf32, #tpu.memory_space<hbm>> -> memref<10000x128xf32, #tpu.memory_space<hbm>>
        tpu.enqueue_indirect_dma source(%dma_start3A_308 : memref<10000x128xf32, #tpu.memory_space<hbm>>) target(%dma_start3A_302 : memref<40x128xf32, #tpu.memory_space<vmem>>) offsets(%dma_start3A_305 : memref<40xi32, #tpu.memory_space<vmem>>) semaphore(%arg21 : memref<!tpu.dma_semaphore, #tpu.memory_space<semaphore_mem>>)
      } else {
      }
      %lt3A_204 = arith.constant 250 : i32
      %lt3A_205 = arith.cmpi slt, %add3A_179, %lt3A_204 : i32
      %convert_element_type3A_206 = arith.extui %lt3A_205 : i1 to i32
      %cond3A_207 = arith.constant 0 : i32
      %cond3A_208 = arith.cmpi ne, %convert_element_type3A_206, %cond3A_207 : i32
      scf.if %cond3A_208 {
        %mul3A_275 = arith.constant 40 : i32
        %mul3A_276 = arith.muli %add3A_179, %mul3A_275 : i32
        %add3A_277 = arith.addi %mul3A_10, %mul3A_276 : i32
        %multiple_of3A_278 = tpu.assume_multiple %add3A_277, 8 : i32
        %dma_start3A_279 = arith.constant 3 : i32
        %dma_start3A_280 = arith.constant 0 : i32
        %dma_start3A_281 = tpu.memref_slice %arg9[%dma_start3A_279, %dma_start3A_280] : memref<6x40xi32, #tpu.memory_space<vmem>> -> memref<1x40xi32, #tpu.memory_space<vmem>>
        %dma_start3A_282 = tpu.memref_squeeze %dma_start3A_281 : memref<1x40xi32, #tpu.memory_space<vmem>> -> memref<40xi32, #tpu.memory_space<vmem>>
        %dma_start3A_283 = tpu.memref_slice %arg3[%multiple_of3A_278] : memref<320000xi32, #tpu.memory_space<hbm>> -> memref<40xi32, #tpu.memory_space<hbm>>
        %dma_start3A_284 = arith.constant 0 : i32
        %dma_start3A_285 = tpu.memref_slice %arg9[%dma_start3A_279, %dma_start3A_284] : memref<6x40xi32, #tpu.memory_space<vmem>> -> memref<1x40xi32, #tpu.memory_space<vmem>>
        %dma_start3A_286 = tpu.memref_squeeze %dma_start3A_285 : memref<1x40xi32, #tpu.memory_space<vmem>> -> memref<40xi32, #tpu.memory_space<vmem>>
        %dma_start3A_287 = tpu.memref_slice %arg3[%multiple_of3A_278] : memref<320000xi32, #tpu.memory_space<hbm>> -> memref<40xi32, #tpu.memory_space<hbm>>
        tpu.enqueue_dma source(%dma_start3A_287 : memref<40xi32, #tpu.memory_space<hbm>>) target(%dma_start3A_286 : memref<40xi32, #tpu.memory_space<vmem>>) target_semaphore(%arg16 : memref<!tpu.dma_semaphore, #tpu.memory_space<semaphore_mem>>)
        %dma_start3A_288 = arith.constant 3 : i32
        %dma_start3A_289 = arith.constant 0 : i32
        %dma_start3A_290 = tpu.memref_slice %arg10[%dma_start3A_288, %dma_start3A_289] : memref<6x40xi32, #tpu.memory_space<vmem>> -> memref<1x40xi32, #tpu.memory_space<vmem>>
        %dma_start3A_291 = tpu.memref_squeeze %dma_start3A_290 : memref<1x40xi32, #tpu.memory_space<vmem>> -> memref<40xi32, #tpu.memory_space<vmem>>
        %dma_start3A_292 = tpu.memref_slice %arg4[%multiple_of3A_278] : memref<320000xi32, #tpu.memory_space<hbm>> -> memref<40xi32, #tpu.memory_space<hbm>>
        %dma_start3A_293 = arith.constant 0 : i32
        %dma_start3A_294 = tpu.memref_slice %arg10[%dma_start3A_288, %dma_start3A_293] : memref<6x40xi32, #tpu.memory_space<vmem>> -> memref<1x40xi32, #tpu.memory_space<vmem>>
        %dma_start3A_295 = tpu.memref_squeeze %dma_start3A_294 : memref<1x40xi32, #tpu.memory_space<vmem>> -> memref<40xi32, #tpu.memory_space<vmem>>
        %dma_start3A_296 = tpu.memref_slice %arg4[%multiple_of3A_278] : memref<320000xi32, #tpu.memory_space<hbm>> -> memref<40xi32, #tpu.memory_space<hbm>>
        tpu.enqueue_dma source(%dma_start3A_296 : memref<40xi32, #tpu.memory_space<hbm>>) target(%dma_start3A_295 : memref<40xi32, #tpu.memory_space<vmem>>) target_semaphore(%arg16 : memref<!tpu.dma_semaphore, #tpu.memory_space<semaphore_mem>>)
      } else {
      }
      %mul3A_209 = arith.constant 6 : i32
      %mul3A_210 = arith.muli %mul3A_209, %scan3A_78 : i32
      %add3A_211 = arith.constant 4 : i32
      %add3A_212 = arith.addi %mul3A_210, %add3A_211 : i32
      %ge3A_213 = arith.constant 5 : i32
      %ge3A_214 = arith.cmpi sge, %add3A_212, %ge3A_213 : i32
      %lt3A_215 = arith.constant 255 : i32
      %lt3A_216 = arith.cmpi slt, %add3A_212, %lt3A_215 : i32
      %and3A_217 = arith.andi %ge3A_214, %lt3A_216 : i1
      %convert_element_type3A_218 = arith.extui %and3A_217 : i1 to i32
      %cond3A_219 = arith.constant 0 : i32
      %cond3A_220 = arith.cmpi ne, %convert_element_type3A_218, %cond3A_219 : i32
      scf.if %cond3A_220 {
        %dma_wait3A_275 = arith.constant 5 : i32
        %dma_wait3A_276 = arith.constant 5 : i32
        %dma_wait3A_277 = arith.constant 0 : i32
        %dma_wait3A_278 = arith.constant 0 : i32
        %dma_wait3A_279 = tpu.memref_slice %arg11[%dma_wait3A_275, %dma_wait3A_277, %dma_wait3A_278] : memref<6x40x128xf32, #tpu.memory_space<vmem>> -> memref<1x40x128xf32, #tpu.memory_space<vmem>>
        %dma_wait3A_280 = tpu.memref_squeeze %dma_wait3A_279 : memref<1x40x128xf32, #tpu.memory_space<vmem>> -> memref<40x128xf32, #tpu.memory_space<vmem>>
        %dma_wait3A_281 = arith.constant 0 : i32
        %dma_wait3A_282 = tpu.memref_slice %arg10[%dma_wait3A_276, %dma_wait3A_281] : memref<6x40xi32, #tpu.memory_space<vmem>> -> memref<1x40xi32, #tpu.memory_space<vmem>>
        %dma_wait3A_283 = tpu.memref_squeeze %dma_wait3A_282 : memref<1x40xi32, #tpu.memory_space<vmem>> -> memref<40xi32, #tpu.memory_space<vmem>>
        %dma_wait3A_284 = arith.constant 0 : i32
        %dma_wait3A_285 = arith.constant 0 : i32
        %dma_wait3A_286 = tpu.memref_slice %arg12[%dma_wait3A_284, %dma_wait3A_285] : memref<10000x128xf32, #tpu.memory_space<vmem_shared>> -> memref<10000x128xf32, #tpu.memory_space<vmem_shared>>
        tpu.wait_indirect_dma semaphore(%arg30 : memref<!tpu.dma_semaphore, #tpu.memory_space<semaphore_mem>>) src(%dma_wait3A_280 : memref<40x128xf32, #tpu.memory_space<vmem>>) dst(%dma_wait3A_286 : memref<10000x128xf32, #tpu.memory_space<vmem_shared>>)
      } else {
      }
      %ge3A_221 = arith.constant 4 : i32
      %ge3A_222 = arith.cmpi sge, %add3A_212, %ge3A_221 : i32
      %lt3A_223 = arith.constant 254 : i32
      %lt3A_224 = arith.cmpi slt, %add3A_212, %lt3A_223 : i32
      %and3A_225 = arith.andi %ge3A_222, %lt3A_224 : i1
      %convert_element_type3A_226 = arith.extui %and3A_225 : i1 to i32
      %cond3A_227 = arith.constant 0 : i32
      %cond3A_228 = arith.cmpi ne, %convert_element_type3A_226, %cond3A_227 : i32
      scf.if %cond3A_228 {
        %dma_wait3A_275 = arith.constant 0 : i32
        %dma_wait3A_276 = arith.constant 0 : i32
        %dma_wait3A_277 = arith.constant 0 : i32
        %dma_wait3A_278 = arith.constant 0 : i32
        %dma_wait3A_279 = tpu.memref_slice %arg11[%dma_wait3A_276, %dma_wait3A_277, %dma_wait3A_278] : memref<6x40x128xf32, #tpu.memory_space<vmem>> -> memref<1x40x128xf32, #tpu.memory_space<vmem>>
        %dma_wait3A_280 = tpu.memref_squeeze %dma_wait3A_279 : memref<1x40x128xf32, #tpu.memory_space<vmem>> -> memref<40x128xf32, #tpu.memory_space<vmem>>
        %dma_wait3A_281 = arith.constant 0 : i32
        %dma_wait3A_282 = tpu.memref_slice %arg9[%dma_wait3A_275, %dma_wait3A_281] : memref<6x40xi32, #tpu.memory_space<vmem>> -> memref<1x40xi32, #tpu.memory_space<vmem>>
        %dma_wait3A_283 = tpu.memref_squeeze %dma_wait3A_282 : memref<1x40xi32, #tpu.memory_space<vmem>> -> memref<40xi32, #tpu.memory_space<vmem>>
        %dma_wait3A_284 = arith.constant 0 : i32
        %dma_wait3A_285 = arith.constant 0 : i32
        %dma_wait3A_286 = tpu.memref_slice %arg2[%dma_wait3A_284, %dma_wait3A_285] : memref<10000x128xf32, #tpu.memory_space<hbm>> -> memref<10000x128xf32, #tpu.memory_space<hbm>>
        tpu.wait_indirect_dma semaphore(%arg19 : memref<!tpu.dma_semaphore, #tpu.memory_space<semaphore_mem>>) src(%dma_wait3A_286 : memref<10000x128xf32, #tpu.memory_space<hbm>>) dst(%dma_wait3A_280 : memref<40x128xf32, #tpu.memory_space<vmem>>)
        %dma_start3A_287 = arith.constant 0 : i32
        %dma_start3A_288 = arith.constant 0 : i32
        %dma_start3A_289 = arith.constant 0 : i32
        %dma_start3A_290 = arith.constant 0 : i32
        %dma_start3A_291 = tpu.memref_slice %arg11[%dma_start3A_287, %dma_start3A_289, %dma_start3A_290] : memref<6x40x128xf32, #tpu.memory_space<vmem>> -> memref<1x40x128xf32, #tpu.memory_space<vmem>>
        %dma_start3A_292 = tpu.memref_squeeze %dma_start3A_291 : memref<1x40x128xf32, #tpu.memory_space<vmem>> -> memref<40x128xf32, #tpu.memory_space<vmem>>
        %dma_start3A_293 = arith.constant 0 : i32
        %dma_start3A_294 = tpu.memref_slice %arg10[%dma_start3A_288, %dma_start3A_293] : memref<6x40xi32, #tpu.memory_space<vmem>> -> memref<1x40xi32, #tpu.memory_space<vmem>>
        %dma_start3A_295 = tpu.memref_squeeze %dma_start3A_294 : memref<1x40xi32, #tpu.memory_space<vmem>> -> memref<40xi32, #tpu.memory_space<vmem>>
        %dma_start3A_296 = arith.constant 0 : i32
        %dma_start3A_297 = arith.constant 0 : i32
        %dma_start3A_298 = tpu.memref_slice %arg12[%dma_start3A_296, %dma_start3A_297] : memref<10000x128xf32, #tpu.memory_space<vmem_shared>> -> memref<10000x128xf32, #tpu.memory_space<vmem_shared>>
        tpu.enqueue_indirect_dma source(%dma_start3A_292 : memref<40x128xf32, #tpu.memory_space<vmem>>) target(%dma_start3A_298 : memref<10000x128xf32, #tpu.memory_space<vmem_shared>>) offsets(%dma_start3A_295 : memref<40xi32, #tpu.memory_space<vmem>>) semaphore(%arg25 : memref<!tpu.dma_semaphore, #tpu.memory_space<semaphore_mem>>) {add = true}
      } else {
      }
      %ge3A_229 = arith.constant 1 : i32
      %ge3A_230 = arith.cmpi sge, %add3A_212, %ge3A_229 : i32
      %lt3A_231 = arith.constant 251 : i32
      %lt3A_232 = arith.cmpi slt, %add3A_212, %lt3A_231 : i32
      %and3A_233 = arith.andi %ge3A_230, %lt3A_232 : i1
      %convert_element_type3A_234 = arith.extui %and3A_233 : i1 to i32
      %cond3A_235 = arith.constant 0 : i32
      %cond3A_236 = arith.cmpi ne, %convert_element_type3A_234, %cond3A_235 : i32
      scf.if %cond3A_236 {
        %dma_wait3A_275 = arith.constant 3 : i32
        %dma_wait3A_276 = arith.constant 0 : i32
        %dma_wait3A_277 = tpu.memref_slice %arg9[%dma_wait3A_275, %dma_wait3A_276] : memref<6x40xi32, #tpu.memory_space<vmem>> -> memref<1x40xi32, #tpu.memory_space<vmem>>
        %dma_wait3A_278 = tpu.memref_squeeze %dma_wait3A_277 : memref<1x40xi32, #tpu.memory_space<vmem>> -> memref<40xi32, #tpu.memory_space<vmem>>
        %dma_wait3A_279 = arith.constant 0 : i32
        %dma_wait3A_280 = tpu.memref_slice %arg3[%dma_wait3A_279] : memref<320000xi32, #tpu.memory_space<hbm>> -> memref<40xi32, #tpu.memory_space<hbm>>
        %dma_wait3A_281 = arith.constant 0 : i32
        %dma_wait3A_282 = tpu.memref_slice %arg9[%dma_wait3A_275, %dma_wait3A_281] : memref<6x40xi32, #tpu.memory_space<vmem>> -> memref<1x40xi32, #tpu.memory_space<vmem>>
        %dma_wait3A_283 = tpu.memref_squeeze %dma_wait3A_282 : memref<1x40xi32, #tpu.memory_space<vmem>> -> memref<40xi32, #tpu.memory_space<vmem>>
        %dma_wait3A_284 = arith.constant 0 : i32
        %dma_wait3A_285 = tpu.memref_slice %arg3[%dma_wait3A_284] : memref<320000xi32, #tpu.memory_space<hbm>> -> memref<40xi32, #tpu.memory_space<hbm>>
        tpu.wait_dma2 semaphore(%arg16 : memref<!tpu.dma_semaphore, #tpu.memory_space<semaphore_mem>>) src(%dma_wait3A_285 : memref<40xi32, #tpu.memory_space<hbm>>) dst(%dma_wait3A_283 : memref<40xi32, #tpu.memory_space<vmem>>)
        %dma_wait3A_286 = arith.constant 3 : i32
        %dma_wait3A_287 = arith.constant 0 : i32
        %dma_wait3A_288 = tpu.memref_slice %arg10[%dma_wait3A_286, %dma_wait3A_287] : memref<6x40xi32, #tpu.memory_space<vmem>> -> memref<1x40xi32, #tpu.memory_space<vmem>>
        %dma_wait3A_289 = tpu.memref_squeeze %dma_wait3A_288 : memref<1x40xi32, #tpu.memory_space<vmem>> -> memref<40xi32, #tpu.memory_space<vmem>>
        %dma_wait3A_290 = arith.constant 0 : i32
        %dma_wait3A_291 = tpu.memref_slice %arg4[%dma_wait3A_290] : memref<320000xi32, #tpu.memory_space<hbm>> -> memref<40xi32, #tpu.memory_space<hbm>>
        %dma_wait3A_292 = arith.constant 0 : i32
        %dma_wait3A_293 = tpu.memref_slice %arg10[%dma_wait3A_286, %dma_wait3A_292] : memref<6x40xi32, #tpu.memory_space<vmem>> -> memref<1x40xi32, #tpu.memory_space<vmem>>
        %dma_wait3A_294 = tpu.memref_squeeze %dma_wait3A_293 : memref<1x40xi32, #tpu.memory_space<vmem>> -> memref<40xi32, #tpu.memory_space<vmem>>
        %dma_wait3A_295 = arith.constant 0 : i32
        %dma_wait3A_296 = tpu.memref_slice %arg4[%dma_wait3A_295] : memref<320000xi32, #tpu.memory_space<hbm>> -> memref<40xi32, #tpu.memory_space<hbm>>
        tpu.wait_dma2 semaphore(%arg16 : memref<!tpu.dma_semaphore, #tpu.memory_space<semaphore_mem>>) src(%dma_wait3A_296 : memref<40xi32, #tpu.memory_space<hbm>>) dst(%dma_wait3A_294 : memref<40xi32, #tpu.memory_space<vmem>>)
        %dma_start3A_297 = arith.constant 3 : i32
        %dma_start3A_298 = arith.constant 3 : i32
        %dma_start3A_299 = arith.constant 0 : i32
        %dma_start3A_300 = arith.constant 0 : i32
        %dma_start3A_301 = tpu.memref_slice %arg11[%dma_start3A_298, %dma_start3A_299, %dma_start3A_300] : memref<6x40x128xf32, #tpu.memory_space<vmem>> -> memref<1x40x128xf32, #tpu.memory_space<vmem>>
        %dma_start3A_302 = tpu.memref_squeeze %dma_start3A_301 : memref<1x40x128xf32, #tpu.memory_space<vmem>> -> memref<40x128xf32, #tpu.memory_space<vmem>>
        %dma_start3A_303 = arith.constant 0 : i32
        %dma_start3A_304 = tpu.memref_slice %arg9[%dma_start3A_297, %dma_start3A_303] : memref<6x40xi32, #tpu.memory_space<vmem>> -> memref<1x40xi32, #tpu.memory_space<vmem>>
        %dma_start3A_305 = tpu.memref_squeeze %dma_start3A_304 : memref<1x40xi32, #tpu.memory_space<vmem>> -> memref<40xi32, #tpu.memory_space<vmem>>
        %dma_start3A_306 = arith.constant 0 : i32
        %dma_start3A_307 = arith.constant 0 : i32
        %dma_start3A_308 = tpu.memref_slice %arg2[%dma_start3A_306, %dma_start3A_307] : memref<10000x128xf32, #tpu.memory_space<hbm>> -> memref<10000x128xf32, #tpu.memory_space<hbm>>
        tpu.enqueue_indirect_dma source(%dma_start3A_308 : memref<10000x128xf32, #tpu.memory_space<hbm>>) target(%dma_start3A_302 : memref<40x128xf32, #tpu.memory_space<vmem>>) offsets(%dma_start3A_305 : memref<40xi32, #tpu.memory_space<vmem>>) semaphore(%arg22 : memref<!tpu.dma_semaphore, #tpu.memory_space<semaphore_mem>>)
      } else {
      }
      %lt3A_237 = arith.constant 250 : i32
      %lt3A_238 = arith.cmpi slt, %add3A_212, %lt3A_237 : i32
      %convert_element_type3A_239 = arith.extui %lt3A_238 : i1 to i32
      %cond3A_240 = arith.constant 0 : i32
      %cond3A_241 = arith.cmpi ne, %convert_element_type3A_239, %cond3A_240 : i32
      scf.if %cond3A_241 {
        %mul3A_275 = arith.constant 40 : i32
        %mul3A_276 = arith.muli %add3A_212, %mul3A_275 : i32
        %add3A_277 = arith.addi %mul3A_10, %mul3A_276 : i32
        %multiple_of3A_278 = tpu.assume_multiple %add3A_277, 8 : i32
        %dma_start3A_279 = arith.constant 4 : i32
        %dma_start3A_280 = arith.constant 0 : i32
        %dma_start3A_281 = tpu.memref_slice %arg9[%dma_start3A_279, %dma_start3A_280] : memref<6x40xi32, #tpu.memory_space<vmem>> -> memref<1x40xi32, #tpu.memory_space<vmem>>
        %dma_start3A_282 = tpu.memref_squeeze %dma_start3A_281 : memref<1x40xi32, #tpu.memory_space<vmem>> -> memref<40xi32, #tpu.memory_space<vmem>>
        %dma_start3A_283 = tpu.memref_slice %arg3[%multiple_of3A_278] : memref<320000xi32, #tpu.memory_space<hbm>> -> memref<40xi32, #tpu.memory_space<hbm>>
        %dma_start3A_284 = arith.constant 0 : i32
        %dma_start3A_285 = tpu.memref_slice %arg9[%dma_start3A_279, %dma_start3A_284] : memref<6x40xi32, #tpu.memory_space<vmem>> -> memref<1x40xi32, #tpu.memory_space<vmem>>
        %dma_start3A_286 = tpu.memref_squeeze %dma_start3A_285 : memref<1x40xi32, #tpu.memory_space<vmem>> -> memref<40xi32, #tpu.memory_space<vmem>>
        %dma_start3A_287 = tpu.memref_slice %arg3[%multiple_of3A_278] : memref<320000xi32, #tpu.memory_space<hbm>> -> memref<40xi32, #tpu.memory_space<hbm>>
        tpu.enqueue_dma source(%dma_start3A_287 : memref<40xi32, #tpu.memory_space<hbm>>) target(%dma_start3A_286 : memref<40xi32, #tpu.memory_space<vmem>>) target_semaphore(%arg17 : memref<!tpu.dma_semaphore, #tpu.memory_space<semaphore_mem>>)
        %dma_start3A_288 = arith.constant 4 : i32
        %dma_start3A_289 = arith.constant 0 : i32
        %dma_start3A_290 = tpu.memref_slice %arg10[%dma_start3A_288, %dma_start3A_289] : memref<6x40xi32, #tpu.memory_space<vmem>> -> memref<1x40xi32, #tpu.memory_space<vmem>>
        %dma_start3A_291 = tpu.memref_squeeze %dma_start3A_290 : memref<1x40xi32, #tpu.memory_space<vmem>> -> memref<40xi32, #tpu.memory_space<vmem>>
        %dma_start3A_292 = tpu.memref_slice %arg4[%multiple_of3A_278] : memref<320000xi32, #tpu.memory_space<hbm>> -> memref<40xi32, #tpu.memory_space<hbm>>
        %dma_start3A_293 = arith.constant 0 : i32
        %dma_start3A_294 = tpu.memref_slice %arg10[%dma_start3A_288, %dma_start3A_293] : memref<6x40xi32, #tpu.memory_space<vmem>> -> memref<1x40xi32, #tpu.memory_space<vmem>>
        %dma_start3A_295 = tpu.memref_squeeze %dma_start3A_294 : memref<1x40xi32, #tpu.memory_space<vmem>> -> memref<40xi32, #tpu.memory_space<vmem>>
        %dma_start3A_296 = tpu.memref_slice %arg4[%multiple_of3A_278] : memref<320000xi32, #tpu.memory_space<hbm>> -> memref<40xi32, #tpu.memory_space<hbm>>
        tpu.enqueue_dma source(%dma_start3A_296 : memref<40xi32, #tpu.memory_space<hbm>>) target(%dma_start3A_295 : memref<40xi32, #tpu.memory_space<vmem>>) target_semaphore(%arg17 : memref<!tpu.dma_semaphore, #tpu.memory_space<semaphore_mem>>)
      } else {
      }
      %mul3A_242 = arith.constant 6 : i32
      %mul3A_243 = arith.muli %mul3A_242, %scan3A_78 : i32
      %add3A_244 = arith.constant 5 : i32
      %add3A_245 = arith.addi %mul3A_243, %add3A_244 : i32
      %ge3A_246 = arith.constant 5 : i32
      %ge3A_247 = arith.cmpi sge, %add3A_245, %ge3A_246 : i32
      %lt3A_248 = arith.constant 255 : i32
      %lt3A_249 = arith.cmpi slt, %add3A_245, %lt3A_248 : i32
      %and3A_250 = arith.andi %ge3A_247, %lt3A_249 : i1
      %convert_element_type3A_251 = arith.extui %and3A_250 : i1 to i32
      %cond3A_252 = arith.constant 0 : i32
      %cond3A_253 = arith.cmpi ne, %convert_element_type3A_251, %cond3A_252 : i32
      scf.if %cond3A_253 {
        %dma_wait3A_275 = arith.constant 0 : i32
        %dma_wait3A_276 = arith.constant 0 : i32
        %dma_wait3A_277 = arith.constant 0 : i32
        %dma_wait3A_278 = arith.constant 0 : i32
        %dma_wait3A_279 = tpu.memref_slice %arg11[%dma_wait3A_275, %dma_wait3A_277, %dma_wait3A_278] : memref<6x40x128xf32, #tpu.memory_space<vmem>> -> memref<1x40x128xf32, #tpu.memory_space<vmem>>
        %dma_wait3A_280 = tpu.memref_squeeze %dma_wait3A_279 : memref<1x40x128xf32, #tpu.memory_space<vmem>> -> memref<40x128xf32, #tpu.memory_space<vmem>>
        %dma_wait3A_281 = arith.constant 0 : i32
        %dma_wait3A_282 = tpu.memref_slice %arg10[%dma_wait3A_276, %dma_wait3A_281] : memref<6x40xi32, #tpu.memory_space<vmem>> -> memref<1x40xi32, #tpu.memory_space<vmem>>
        %dma_wait3A_283 = tpu.memref_squeeze %dma_wait3A_282 : memref<1x40xi32, #tpu.memory_space<vmem>> -> memref<40xi32, #tpu.memory_space<vmem>>
        %dma_wait3A_284 = arith.constant 0 : i32
        %dma_wait3A_285 = arith.constant 0 : i32
        %dma_wait3A_286 = tpu.memref_slice %arg12[%dma_wait3A_284, %dma_wait3A_285] : memref<10000x128xf32, #tpu.memory_space<vmem_shared>> -> memref<10000x128xf32, #tpu.memory_space<vmem_shared>>
        tpu.wait_indirect_dma semaphore(%arg25 : memref<!tpu.dma_semaphore, #tpu.memory_space<semaphore_mem>>) src(%dma_wait3A_280 : memref<40x128xf32, #tpu.memory_space<vmem>>) dst(%dma_wait3A_286 : memref<10000x128xf32, #tpu.memory_space<vmem_shared>>)
      } else {
      }
      %ge3A_254 = arith.constant 4 : i32
      %ge3A_255 = arith.cmpi sge, %add3A_245, %ge3A_254 : i32
      %lt3A_256 = arith.constant 254 : i32
      %lt3A_257 = arith.cmpi slt, %add3A_245, %lt3A_256 : i32
      %and3A_258 = arith.andi %ge3A_255, %lt3A_257 : i1
      %convert_element_type3A_259 = arith.extui %and3A_258 : i1 to i32
      %cond3A_260 = arith.constant 0 : i32
      %cond3A_261 = arith.cmpi ne, %convert_element_type3A_259, %cond3A_260 : i32
      scf.if %cond3A_261 {
        %dma_wait3A_275 = arith.constant 1 : i32
        %dma_wait3A_276 = arith.constant 1 : i32
        %dma_wait3A_277 = arith.constant 0 : i32
        %dma_wait3A_278 = arith.constant 0 : i32
        %dma_wait3A_279 = tpu.memref_slice %arg11[%dma_wait3A_276, %dma_wait3A_277, %dma_wait3A_278] : memref<6x40x128xf32, #tpu.memory_space<vmem>> -> memref<1x40x128xf32, #tpu.memory_space<vmem>>
        %dma_wait3A_280 = tpu.memref_squeeze %dma_wait3A_279 : memref<1x40x128xf32, #tpu.memory_space<vmem>> -> memref<40x128xf32, #tpu.memory_space<vmem>>
        %dma_wait3A_281 = arith.constant 0 : i32
        %dma_wait3A_282 = tpu.memref_slice %arg9[%dma_wait3A_275, %dma_wait3A_281] : memref<6x40xi32, #tpu.memory_space<vmem>> -> memref<1x40xi32, #tpu.memory_space<vmem>>
        %dma_wait3A_283 = tpu.memref_squeeze %dma_wait3A_282 : memref<1x40xi32, #tpu.memory_space<vmem>> -> memref<40xi32, #tpu.memory_space<vmem>>
        %dma_wait3A_284 = arith.constant 0 : i32
        %dma_wait3A_285 = arith.constant 0 : i32
        %dma_wait3A_286 = tpu.memref_slice %arg2[%dma_wait3A_284, %dma_wait3A_285] : memref<10000x128xf32, #tpu.memory_space<hbm>> -> memref<10000x128xf32, #tpu.memory_space<hbm>>
        tpu.wait_indirect_dma semaphore(%arg20 : memref<!tpu.dma_semaphore, #tpu.memory_space<semaphore_mem>>) src(%dma_wait3A_286 : memref<10000x128xf32, #tpu.memory_space<hbm>>) dst(%dma_wait3A_280 : memref<40x128xf32, #tpu.memory_space<vmem>>)
        %dma_start3A_287 = arith.constant 1 : i32
        %dma_start3A_288 = arith.constant 1 : i32
        %dma_start3A_289 = arith.constant 0 : i32
        %dma_start3A_290 = arith.constant 0 : i32
        %dma_start3A_291 = tpu.memref_slice %arg11[%dma_start3A_287, %dma_start3A_289, %dma_start3A_290] : memref<6x40x128xf32, #tpu.memory_space<vmem>> -> memref<1x40x128xf32, #tpu.memory_space<vmem>>
        %dma_start3A_292 = tpu.memref_squeeze %dma_start3A_291 : memref<1x40x128xf32, #tpu.memory_space<vmem>> -> memref<40x128xf32, #tpu.memory_space<vmem>>
        %dma_start3A_293 = arith.constant 0 : i32
        %dma_start3A_294 = tpu.memref_slice %arg10[%dma_start3A_288, %dma_start3A_293] : memref<6x40xi32, #tpu.memory_space<vmem>> -> memref<1x40xi32, #tpu.memory_space<vmem>>
        %dma_start3A_295 = tpu.memref_squeeze %dma_start3A_294 : memref<1x40xi32, #tpu.memory_space<vmem>> -> memref<40xi32, #tpu.memory_space<vmem>>
        %dma_start3A_296 = arith.constant 0 : i32
        %dma_start3A_297 = arith.constant 0 : i32
        %dma_start3A_298 = tpu.memref_slice %arg12[%dma_start3A_296, %dma_start3A_297] : memref<10000x128xf32, #tpu.memory_space<vmem_shared>> -> memref<10000x128xf32, #tpu.memory_space<vmem_shared>>
        tpu.enqueue_indirect_dma source(%dma_start3A_292 : memref<40x128xf32, #tpu.memory_space<vmem>>) target(%dma_start3A_298 : memref<10000x128xf32, #tpu.memory_space<vmem_shared>>) offsets(%dma_start3A_295 : memref<40xi32, #tpu.memory_space<vmem>>) semaphore(%arg26 : memref<!tpu.dma_semaphore, #tpu.memory_space<semaphore_mem>>) {add = true}
      } else {
      }
      %ge3A_262 = arith.constant 1 : i32
      %ge3A_263 = arith.cmpi sge, %add3A_245, %ge3A_262 : i32
      %lt3A_264 = arith.constant 251 : i32
      %lt3A_265 = arith.cmpi slt, %add3A_245, %lt3A_264 : i32
      %and3A_266 = arith.andi %ge3A_263, %lt3A_265 : i1
      %convert_element_type3A_267 = arith.extui %and3A_266 : i1 to i32
      %cond3A_268 = arith.constant 0 : i32
      %cond3A_269 = arith.cmpi ne, %convert_element_type3A_267, %cond3A_268 : i32
      scf.if %cond3A_269 {
        %dma_wait3A_275 = arith.constant 4 : i32
        %dma_wait3A_276 = arith.constant 0 : i32
        %dma_wait3A_277 = tpu.memref_slice %arg9[%dma_wait3A_275, %dma_wait3A_276] : memref<6x40xi32, #tpu.memory_space<vmem>> -> memref<1x40xi32, #tpu.memory_space<vmem>>
        %dma_wait3A_278 = tpu.memref_squeeze %dma_wait3A_277 : memref<1x40xi32, #tpu.memory_space<vmem>> -> memref<40xi32, #tpu.memory_space<vmem>>
        %dma_wait3A_279 = arith.constant 0 : i32
        %dma_wait3A_280 = tpu.memref_slice %arg3[%dma_wait3A_279] : memref<320000xi32, #tpu.memory_space<hbm>> -> memref<40xi32, #tpu.memory_space<hbm>>
        %dma_wait3A_281 = arith.constant 0 : i32
        %dma_wait3A_282 = tpu.memref_slice %arg9[%dma_wait3A_275, %dma_wait3A_281] : memref<6x40xi32, #tpu.memory_space<vmem>> -> memref<1x40xi32, #tpu.memory_space<vmem>>
        %dma_wait3A_283 = tpu.memref_squeeze %dma_wait3A_282 : memref<1x40xi32, #tpu.memory_space<vmem>> -> memref<40xi32, #tpu.memory_space<vmem>>
        %dma_wait3A_284 = arith.constant 0 : i32
        %dma_wait3A_285 = tpu.memref_slice %arg3[%dma_wait3A_284] : memref<320000xi32, #tpu.memory_space<hbm>> -> memref<40xi32, #tpu.memory_space<hbm>>
        tpu.wait_dma2 semaphore(%arg17 : memref<!tpu.dma_semaphore, #tpu.memory_space<semaphore_mem>>) src(%dma_wait3A_285 : memref<40xi32, #tpu.memory_space<hbm>>) dst(%dma_wait3A_283 : memref<40xi32, #tpu.memory_space<vmem>>)
        %dma_wait3A_286 = arith.constant 4 : i32
        %dma_wait3A_287 = arith.constant 0 : i32
        %dma_wait3A_288 = tpu.memref_slice %arg10[%dma_wait3A_286, %dma_wait3A_287] : memref<6x40xi32, #tpu.memory_space<vmem>> -> memref<1x40xi32, #tpu.memory_space<vmem>>
        %dma_wait3A_289 = tpu.memref_squeeze %dma_wait3A_288 : memref<1x40xi32, #tpu.memory_space<vmem>> -> memref<40xi32, #tpu.memory_space<vmem>>
        %dma_wait3A_290 = arith.constant 0 : i32
        %dma_wait3A_291 = tpu.memref_slice %arg4[%dma_wait3A_290] : memref<320000xi32, #tpu.memory_space<hbm>> -> memref<40xi32, #tpu.memory_space<hbm>>
        %dma_wait3A_292 = arith.constant 0 : i32
        %dma_wait3A_293 = tpu.memref_slice %arg10[%dma_wait3A_286, %dma_wait3A_292] : memref<6x40xi32, #tpu.memory_space<vmem>> -> memref<1x40xi32, #tpu.memory_space<vmem>>
        %dma_wait3A_294 = tpu.memref_squeeze %dma_wait3A_293 : memref<1x40xi32, #tpu.memory_space<vmem>> -> memref<40xi32, #tpu.memory_space<vmem>>
        %dma_wait3A_295 = arith.constant 0 : i32
        %dma_wait3A_296 = tpu.memref_slice %arg4[%dma_wait3A_295] : memref<320000xi32, #tpu.memory_space<hbm>> -> memref<40xi32, #tpu.memory_space<hbm>>
        tpu.wait_dma2 semaphore(%arg17 : memref<!tpu.dma_semaphore, #tpu.memory_space<semaphore_mem>>) src(%dma_wait3A_296 : memref<40xi32, #tpu.memory_space<hbm>>) dst(%dma_wait3A_294 : memref<40xi32, #tpu.memory_space<vmem>>)
        %dma_start3A_297 = arith.constant 4 : i32
        %dma_start3A_298 = arith.constant 4 : i32
        %dma_start3A_299 = arith.constant 0 : i32
        %dma_start3A_300 = arith.constant 0 : i32
        %dma_start3A_301 = tpu.memref_slice %arg11[%dma_start3A_298, %dma_start3A_299, %dma_start3A_300] : memref<6x40x128xf32, #tpu.memory_space<vmem>> -> memref<1x40x128xf32, #tpu.memory_space<vmem>>
        %dma_start3A_302 = tpu.memref_squeeze %dma_start3A_301 : memref<1x40x128xf32, #tpu.memory_space<vmem>> -> memref<40x128xf32, #tpu.memory_space<vmem>>
        %dma_start3A_303 = arith.constant 0 : i32
        %dma_start3A_304 = tpu.memref_slice %arg9[%dma_start3A_297, %dma_start3A_303] : memref<6x40xi32, #tpu.memory_space<vmem>> -> memref<1x40xi32, #tpu.memory_space<vmem>>
        %dma_start3A_305 = tpu.memref_squeeze %dma_start3A_304 : memref<1x40xi32, #tpu.memory_space<vmem>> -> memref<40xi32, #tpu.memory_space<vmem>>
        %dma_start3A_306 = arith.constant 0 : i32
        %dma_start3A_307 = arith.constant 0 : i32
        %dma_start3A_308 = tpu.memref_slice %arg2[%dma_start3A_306, %dma_start3A_307] : memref<10000x128xf32, #tpu.memory_space<hbm>> -> memref<10000x128xf32, #tpu.memory_space<hbm>>
        tpu.enqueue_indirect_dma source(%dma_start3A_308 : memref<10000x128xf32, #tpu.memory_space<hbm>>) target(%dma_start3A_302 : memref<40x128xf32, #tpu.memory_space<vmem>>) offsets(%dma_start3A_305 : memref<40xi32, #tpu.memory_space<vmem>>) semaphore(%arg23 : memref<!tpu.dma_semaphore, #tpu.memory_space<semaphore_mem>>)
      } else {
      }
      %lt3A_270 = arith.constant 250 : i32
      %lt3A_271 = arith.cmpi slt, %add3A_245, %lt3A_270 : i32
      %convert_element_type3A_272 = arith.extui %lt3A_271 : i1 to i32
      %cond3A_273 = arith.constant 0 : i32
      %cond3A_274 = arith.cmpi ne, %convert_element_type3A_272, %cond3A_273 : i32
      scf.if %cond3A_274 {
        %mul3A_275 = arith.constant 40 : i32
        %mul3A_276 = arith.muli %add3A_245, %mul3A_275 : i32
        %add3A_277 = arith.addi %mul3A_10, %mul3A_276 : i32
        %multiple_of3A_278 = tpu.assume_multiple %add3A_277, 8 : i32
        %dma_start3A_279 = arith.constant 5 : i32
        %dma_start3A_280 = arith.constant 0 : i32
        %dma_start3A_281 = tpu.memref_slice %arg9[%dma_start3A_279, %dma_start3A_280] : memref<6x40xi32, #tpu.memory_space<vmem>> -> memref<1x40xi32, #tpu.memory_space<vmem>>
        %dma_start3A_282 = tpu.memref_squeeze %dma_start3A_281 : memref<1x40xi32, #tpu.memory_space<vmem>> -> memref<40xi32, #tpu.memory_space<vmem>>
        %dma_start3A_283 = tpu.memref_slice %arg3[%multiple_of3A_278] : memref<320000xi32, #tpu.memory_space<hbm>> -> memref<40xi32, #tpu.memory_space<hbm>>
        %dma_start3A_284 = arith.constant 0 : i32
        %dma_start3A_285 = tpu.memref_slice %arg9[%dma_start3A_279, %dma_start3A_284] : memref<6x40xi32, #tpu.memory_space<vmem>> -> memref<1x40xi32, #tpu.memory_space<vmem>>
        %dma_start3A_286 = tpu.memref_squeeze %dma_start3A_285 : memref<1x40xi32, #tpu.memory_space<vmem>> -> memref<40xi32, #tpu.memory_space<vmem>>
        %dma_start3A_287 = tpu.memref_slice %arg3[%multiple_of3A_278] : memref<320000xi32, #tpu.memory_space<hbm>> -> memref<40xi32, #tpu.memory_space<hbm>>
        tpu.enqueue_dma source(%dma_start3A_287 : memref<40xi32, #tpu.memory_space<hbm>>) target(%dma_start3A_286 : memref<40xi32, #tpu.memory_space<vmem>>) target_semaphore(%arg18 : memref<!tpu.dma_semaphore, #tpu.memory_space<semaphore_mem>>)
        %dma_start3A_288 = arith.constant 5 : i32
        %dma_start3A_289 = arith.constant 0 : i32
        %dma_start3A_290 = tpu.memref_slice %arg10[%dma_start3A_288, %dma_start3A_289] : memref<6x40xi32, #tpu.memory_space<vmem>> -> memref<1x40xi32, #tpu.memory_space<vmem>>
        %dma_start3A_291 = tpu.memref_squeeze %dma_start3A_290 : memref<1x40xi32, #tpu.memory_space<vmem>> -> memref<40xi32, #tpu.memory_space<vmem>>
        %dma_start3A_292 = tpu.memref_slice %arg4[%multiple_of3A_278] : memref<320000xi32, #tpu.memory_space<hbm>> -> memref<40xi32, #tpu.memory_space<hbm>>
        %dma_start3A_293 = arith.constant 0 : i32
        %dma_start3A_294 = tpu.memref_slice %arg10[%dma_start3A_288, %dma_start3A_293] : memref<6x40xi32, #tpu.memory_space<vmem>> -> memref<1x40xi32, #tpu.memory_space<vmem>>
        %dma_start3A_295 = tpu.memref_squeeze %dma_start3A_294 : memref<1x40xi32, #tpu.memory_space<vmem>> -> memref<40xi32, #tpu.memory_space<vmem>>
        %dma_start3A_296 = tpu.memref_slice %arg4[%multiple_of3A_278] : memref<320000xi32, #tpu.memory_space<hbm>> -> memref<40xi32, #tpu.memory_space<hbm>>
        tpu.enqueue_dma source(%dma_start3A_296 : memref<40xi32, #tpu.memory_space<hbm>>) target(%dma_start3A_295 : memref<40xi32, #tpu.memory_space<vmem>>) target_semaphore(%arg18 : memref<!tpu.dma_semaphore, #tpu.memory_space<semaphore_mem>>)
      } else {
      }
    }
    %scan3A_15 = arith.constant 44 : i32
    %barrier3A_16 = arith.constant 0 : index
    tpu.barrier barrier_id(%barrier3A_16)
    %lt3A_17 = arith.constant 15 : i32
    %lt3A_18 = arith.cmpi slt, %arg1, %lt3A_17 : i32
    %convert_element_type3A_19 = arith.extui %lt3A_18 : i1 to i32
    %cond3A_20 = arith.constant 0 : i32
    %cond3A_21 = arith.cmpi ne, %convert_element_type3A_19, %cond3A_20 : i32
    scf.if %cond3A_21 {
      "tpu.region"() ({
        %run_scoped3A_78 = tpu.sem_alloc : memref<!tpu.dma_semaphore, #tpu.memory_space<semaphore_mem>>
        %dma_start3A_79 = arith.constant 0 : i32
        %dma_start3A_80 = tpu.memref_slice %arg7[%arg0, %multiple_of3A, %dma_start3A_79] : memref<2x10000x128xf32, #tpu.memory_space<hbm>> -> memref<1x624x128xf32, #tpu.memory_space<hbm>>
        %dma_start3A_81 = tpu.memref_squeeze %dma_start3A_80 : memref<1x624x128xf32, #tpu.memory_space<hbm>> -> memref<624x128xf32, #tpu.memory_space<hbm>>
        %dma_start3A_82 = arith.constant 0 : i32
        %dma_start3A_83 = tpu.memref_slice %arg12[%multiple_of3A, %dma_start3A_82] : memref<10000x128xf32, #tpu.memory_space<vmem_shared>> -> memref<624x128xf32, #tpu.memory_space<vmem_shared>>
        tpu.enqueue_dma source(%dma_start3A_83 : memref<624x128xf32, #tpu.memory_space<vmem_shared>>) target(%dma_start3A_81 : memref<624x128xf32, #tpu.memory_space<hbm>>) target_semaphore(%run_scoped3A_78 : memref<!tpu.dma_semaphore, #tpu.memory_space<semaphore_mem>>)
        %dma_wait3A_84 = arith.constant 0 : i32
        %dma_wait3A_85 = tpu.memref_slice %arg7[%arg0, %multiple_of3A, %dma_wait3A_84] : memref<2x10000x128xf32, #tpu.memory_space<hbm>> -> memref<1x624x128xf32, #tpu.memory_space<hbm>>
        %dma_wait3A_86 = tpu.memref_squeeze %dma_wait3A_85 : memref<1x624x128xf32, #tpu.memory_space<hbm>> -> memref<624x128xf32, #tpu.memory_space<hbm>>
        %dma_wait3A_87 = arith.constant 0 : i32
        %dma_wait3A_88 = tpu.memref_slice %arg12[%multiple_of3A, %dma_wait3A_87] : memref<10000x128xf32, #tpu.memory_space<vmem_shared>> -> memref<624x128xf32, #tpu.memory_space<vmem_shared>>
        tpu.wait_dma2 semaphore(%run_scoped3A_78 : memref<!tpu.dma_semaphore, #tpu.memory_space<semaphore_mem>>) src(%dma_wait3A_88 : memref<624x128xf32, #tpu.memory_space<vmem_shared>>) dst(%dma_wait3A_86 : memref<624x128xf32, #tpu.memory_space<hbm>>)
        tpu.yield
      }) : () -> ()
    } else {
    }
    %eq3A_22 = arith.constant 15 : i32
    %eq3A_23 = arith.cmpi eq, %arg1, %eq3A_22 : i32
    %convert_element_type3A_24 = arith.extui %eq3A_23 : i1 to i32
    %cond3A_25 = arith.constant 0 : i32
    %cond3A_26 = arith.cmpi ne, %convert_element_type3A_24, %cond3A_25 : i32
    scf.if %cond3A_26 {
      "tpu.region"() ({
        %run_scoped3A_78 = tpu.sem_alloc : memref<!tpu.dma_semaphore, #tpu.memory_space<semaphore_mem>>
        %dma_start3A_79 = arith.constant 9360 : i32
        %dma_start3A_80 = arith.constant 0 : i32
        %dma_start3A_81 = tpu.memref_slice %arg7[%arg0, %dma_start3A_79, %dma_start3A_80] : memref<2x10000x128xf32, #tpu.memory_space<hbm>> -> memref<1x640x128xf32, #tpu.memory_space<hbm>>
        %dma_start3A_82 = tpu.memref_squeeze %dma_start3A_81 : memref<1x640x128xf32, #tpu.memory_space<hbm>> -> memref<640x128xf32, #tpu.memory_space<hbm>>
        %dma_start3A_83 = arith.constant 9360 : i32
        %dma_start3A_84 = arith.constant 0 : i32
        %dma_start3A_85 = tpu.memref_slice %arg12[%dma_start3A_83, %dma_start3A_84] : memref<10000x128xf32, #tpu.memory_space<vmem_shared>> -> memref<640x128xf32, #tpu.memory_space<vmem_shared>>
        tpu.enqueue_dma source(%dma_start3A_85 : memref<640x128xf32, #tpu.memory_space<vmem_shared>>) target(%dma_start3A_82 : memref<640x128xf32, #tpu.memory_space<hbm>>) target_semaphore(%run_scoped3A_78 : memref<!tpu.dma_semaphore, #tpu.memory_space<semaphore_mem>>)
        %dma_wait3A_86 = arith.constant 9360 : i32
        %dma_wait3A_87 = arith.constant 0 : i32
        %dma_wait3A_88 = tpu.memref_slice %arg7[%arg0, %dma_wait3A_86, %dma_wait3A_87] : memref<2x10000x128xf32, #tpu.memory_space<hbm>> -> memref<1x640x128xf32, #tpu.memory_space<hbm>>
        %dma_wait3A_89 = tpu.memref_squeeze %dma_wait3A_88 : memref<1x640x128xf32, #tpu.memory_space<hbm>> -> memref<640x128xf32, #tpu.memory_space<hbm>>
        %dma_wait3A_90 = arith.constant 9360 : i32
        %dma_wait3A_91 = arith.constant 0 : i32
        %dma_wait3A_92 = tpu.memref_slice %arg12[%dma_wait3A_90, %dma_wait3A_91] : memref<10000x128xf32, #tpu.memory_space<vmem_shared>> -> memref<640x128xf32, #tpu.memory_space<vmem_shared>>
        tpu.wait_dma2 semaphore(%run_scoped3A_78 : memref<!tpu.dma_semaphore, #tpu.memory_space<semaphore_mem>>) src(%dma_wait3A_92 : memref<640x128xf32, #tpu.memory_space<vmem_shared>>) dst(%dma_wait3A_89 : memref<640x128xf32, #tpu.memory_space<hbm>>)
        tpu.yield
      }) : () -> ()
    } else {
    }
    "tpu.region"() ({
      %run_scoped3A_78 = tpu.sem_alloc : memref<!tpu.dma_semaphore, #tpu.memory_space<semaphore_mem>>
      tpu.enqueue_dma source(%arg6 : memref<80x128xf32, #tpu.memory_space<hbm>>) target(%arg31 : memref<80x128xf32, #tpu.memory_space<vmem>>) target_semaphore(%run_scoped3A_78 : memref<!tpu.dma_semaphore, #tpu.memory_space<semaphore_mem>>)
      tpu.wait_dma2 semaphore(%run_scoped3A_78 : memref<!tpu.dma_semaphore, #tpu.memory_space<semaphore_mem>>) src(%arg6 : memref<80x128xf32, #tpu.memory_space<hbm>>) dst(%arg31 : memref<80x128xf32, #tpu.memory_space<vmem>>)
      tpu.yield
    }) : () -> ()
    %barrier3A_27 = arith.constant 0 : index
    tpu.barrier barrier_id(%barrier3A_27)
    %lt3A_28 = arith.constant 15 : i32
    %lt3A_29 = arith.cmpi slt, %arg1, %lt3A_28 : i32
    %convert_element_type3A_30 = arith.extui %lt3A_29 : i1 to i32
    %cond3A_31 = arith.constant 0 : i32
    %cond3A_32 = arith.cmpi ne, %convert_element_type3A_30, %cond3A_31 : i32
    scf.if %cond3A_32 {
      "tpu.region"() ({
        %run_scoped3A_78 = tpu.sem_alloc : memref<!tpu.dma_semaphore, #tpu.memory_space<semaphore_mem>>
        %dma_start3A_79 = arith.constant 0 : i32
        %dma_start3A_80 = tpu.memref_slice %arg12[%multiple_of3A, %dma_start3A_79] : memref<10000x128xf32, #tpu.memory_space<vmem_shared>> -> memref<624x128xf32, #tpu.memory_space<vmem_shared>>
        %dma_start3A_81 = arith.constant 0 : i32
        %dma_start3A_82 = arith.constant 0 : i32
        %dma_start3A_83 = tpu.memref_slice %arg5[%dma_start3A_81, %dma_start3A_82] : memref<640x128xf32, #tpu.memory_space<hbm>> -> memref<624x128xf32, #tpu.memory_space<hbm>>
        tpu.enqueue_dma source(%dma_start3A_83 : memref<624x128xf32, #tpu.memory_space<hbm>>) target(%dma_start3A_80 : memref<624x128xf32, #tpu.memory_space<vmem_shared>>) target_semaphore(%run_scoped3A_78 : memref<!tpu.dma_semaphore, #tpu.memory_space<semaphore_mem>>)
        %dma_wait3A_84 = arith.constant 0 : i32
        %dma_wait3A_85 = tpu.memref_slice %arg12[%multiple_of3A, %dma_wait3A_84] : memref<10000x128xf32, #tpu.memory_space<vmem_shared>> -> memref<624x128xf32, #tpu.memory_space<vmem_shared>>
        %dma_wait3A_86 = arith.constant 0 : i32
        %dma_wait3A_87 = arith.constant 0 : i32
        %dma_wait3A_88 = tpu.memref_slice %arg5[%dma_wait3A_86, %dma_wait3A_87] : memref<640x128xf32, #tpu.memory_space<hbm>> -> memref<624x128xf32, #tpu.memory_space<hbm>>
        tpu.wait_dma2 semaphore(%run_scoped3A_78 : memref<!tpu.dma_semaphore, #tpu.memory_space<semaphore_mem>>) src(%dma_wait3A_88 : memref<624x128xf32, #tpu.memory_space<hbm>>) dst(%dma_wait3A_85 : memref<624x128xf32, #tpu.memory_space<vmem_shared>>)
        tpu.yield
      }) : () -> ()
    } else {
    }
    %eq3A_33 = arith.constant 15 : i32
    %eq3A_34 = arith.cmpi eq, %arg1, %eq3A_33 : i32
    %convert_element_type3A_35 = arith.extui %eq3A_34 : i1 to i32
    %cond3A_36 = arith.constant 0 : i32
    %cond3A_37 = arith.cmpi ne, %convert_element_type3A_35, %cond3A_36 : i32
    scf.if %cond3A_37 {
      "tpu.region"() ({
        %run_scoped3A_78 = tpu.sem_alloc : memref<!tpu.dma_semaphore, #tpu.memory_space<semaphore_mem>>
        %dma_start3A_79 = arith.constant 9360 : i32
        %dma_start3A_80 = arith.constant 0 : i32
        %dma_start3A_81 = tpu.memref_slice %arg12[%dma_start3A_79, %dma_start3A_80] : memref<10000x128xf32, #tpu.memory_space<vmem_shared>> -> memref<640x128xf32, #tpu.memory_space<vmem_shared>>
        %dma_start3A_82 = arith.constant 0 : i32
        %dma_start3A_83 = arith.constant 0 : i32
        %dma_start3A_84 = tpu.memref_slice %arg5[%dma_start3A_82, %dma_start3A_83] : memref<640x128xf32, #tpu.memory_space<hbm>> -> memref<640x128xf32, #tpu.memory_space<hbm>>
        tpu.enqueue_dma source(%dma_start3A_84 : memref<640x128xf32, #tpu.memory_space<hbm>>) target(%dma_start3A_81 : memref<640x128xf32, #tpu.memory_space<vmem_shared>>) target_semaphore(%run_scoped3A_78 : memref<!tpu.dma_semaphore, #tpu.memory_space<semaphore_mem>>)
        %dma_wait3A_85 = arith.constant 9360 : i32
        %dma_wait3A_86 = arith.constant 0 : i32
        %dma_wait3A_87 = tpu.memref_slice %arg12[%dma_wait3A_85, %dma_wait3A_86] : memref<10000x128xf32, #tpu.memory_space<vmem_shared>> -> memref<640x128xf32, #tpu.memory_space<vmem_shared>>
        %dma_wait3A_88 = arith.constant 0 : i32
        %dma_wait3A_89 = arith.constant 0 : i32
        %dma_wait3A_90 = tpu.memref_slice %arg5[%dma_wait3A_88, %dma_wait3A_89] : memref<640x128xf32, #tpu.memory_space<hbm>> -> memref<640x128xf32, #tpu.memory_space<hbm>>
        tpu.wait_dma2 semaphore(%run_scoped3A_78 : memref<!tpu.dma_semaphore, #tpu.memory_space<semaphore_mem>>) src(%dma_wait3A_90 : memref<640x128xf32, #tpu.memory_space<hbm>>) dst(%dma_wait3A_87 : memref<640x128xf32, #tpu.memory_space<vmem_shared>>)
        tpu.yield
      }) : () -> ()
    } else {
    }
    %barrier3A_38 = arith.constant 0 : index
    tpu.barrier barrier_id(%barrier3A_38)
    %add3A_39 = arith.constant 0 : i32
    %add3A_40 = arith.addi %mul3A_10, %add3A_39 : i32
    %multiple_of3A_41 = tpu.assume_multiple %add3A_40, 8 : i32
    %run_scoped3A = arith.constant 0 : i32
    "tpu.region"() ({
      %run_scoped3A_78 = tpu.sem_alloc : memref<!tpu.dma_semaphore, #tpu.memory_space<semaphore_mem>>
      %dma_start3A_79 = arith.constant 0 : i32
      %dma_start3A_80 = tpu.memref_slice %arg32[%run_scoped3A, %dma_start3A_79] : memref<2x80xi32, #tpu.memory_space<vmem>> -> memref<1x80xi32, #tpu.memory_space<vmem>>
      %dma_start3A_81 = tpu.memref_squeeze %dma_start3A_80 : memref<1x80xi32, #tpu.memory_space<vmem>> -> memref<80xi32, #tpu.memory_space<vmem>>
      %dma_start3A_82 = tpu.memref_slice %arg4[%multiple_of3A_41] : memref<320000xi32, #tpu.memory_space<hbm>> -> memref<80xi32, #tpu.memory_space<hbm>>
      %dma_start3A_83 = arith.constant 0 : i32
      %dma_start3A_84 = tpu.memref_slice %arg32[%run_scoped3A, %dma_start3A_83] : memref<2x80xi32, #tpu.memory_space<vmem>> -> memref<1x80xi32, #tpu.memory_space<vmem>>
      %dma_start3A_85 = tpu.memref_squeeze %dma_start3A_84 : memref<1x80xi32, #tpu.memory_space<vmem>> -> memref<80xi32, #tpu.memory_space<vmem>>
      %dma_start3A_86 = tpu.memref_slice %arg4[%multiple_of3A_41] : memref<320000xi32, #tpu.memory_space<hbm>> -> memref<80xi32, #tpu.memory_space<hbm>>
      tpu.enqueue_dma source(%dma_start3A_86 : memref<80xi32, #tpu.memory_space<hbm>>) target(%dma_start3A_85 : memref<80xi32, #tpu.memory_space<vmem>>) target_semaphore(%run_scoped3A_78 : memref<!tpu.dma_semaphore, #tpu.memory_space<semaphore_mem>>)
      %dma_wait3A_87 = arith.constant 0 : i32
      %dma_wait3A_88 = tpu.memref_slice %arg32[%run_scoped3A, %dma_wait3A_87] : memref<2x80xi32, #tpu.memory_space<vmem>> -> memref<1x80xi32, #tpu.memory_space<vmem>>
      %dma_wait3A_89 = tpu.memref_squeeze %dma_wait3A_88 : memref<1x80xi32, #tpu.memory_space<vmem>> -> memref<80xi32, #tpu.memory_space<vmem>>
      %dma_wait3A_90 = tpu.memref_slice %arg4[%multiple_of3A_41] : memref<320000xi32, #tpu.memory_space<hbm>> -> memref<80xi32, #tpu.memory_space<hbm>>
      %dma_wait3A_91 = arith.constant 0 : i32
      %dma_wait3A_92 = tpu.memref_slice %arg32[%run_scoped3A, %dma_wait3A_91] : memref<2x80xi32, #tpu.memory_space<vmem>> -> memref<1x80xi32, #tpu.memory_space<vmem>>
      %dma_wait3A_93 = tpu.memref_squeeze %dma_wait3A_92 : memref<1x80xi32, #tpu.memory_space<vmem>> -> memref<80xi32, #tpu.memory_space<vmem>>
      %dma_wait3A_94 = tpu.memref_slice %arg4[%multiple_of3A_41] : memref<320000xi32, #tpu.memory_space<hbm>> -> memref<80xi32, #tpu.memory_space<hbm>>
      tpu.wait_dma2 semaphore(%run_scoped3A_78 : memref<!tpu.dma_semaphore, #tpu.memory_space<semaphore_mem>>) src(%dma_wait3A_94 : memref<80xi32, #tpu.memory_space<hbm>>) dst(%dma_wait3A_93 : memref<80xi32, #tpu.memory_space<vmem>>)
      tpu.yield
    }) : () -> ()
    %scan3A_42 = arith.constant 0 : i32
    %scan3A_43 = arith.constant 0 : i32
    %scan3A_44 = arith.constant 62 : i32
    %scan3A_45 = arith.addi %scan3A_43, %scan3A_44 : i32
    %scan3A_46 = arith.constant 1 : i32
    scf.for %scan3A_78 = %scan3A_43 to %scan3A_45 step %scan3A_46  : i32 {
      %mul3A_79 = arith.constant 2 : i32
      %mul3A_80 = arith.muli %mul3A_79, %scan3A_78 : i32
      %dma_start3A_81 = arith.constant 0 : i32
      %dma_start3A_82 = arith.constant 0 : i32
      %dma_start3A_83 = tpu.memref_slice %arg32[%dma_start3A_81, %dma_start3A_82] : memref<2x80xi32, #tpu.memory_space<vmem>> -> memref<1x80xi32, #tpu.memory_space<vmem>>
      %dma_start3A_84 = tpu.memref_squeeze %dma_start3A_83 : memref<1x80xi32, #tpu.memory_space<vmem>> -> memref<80xi32, #tpu.memory_space<vmem>>
      %dma_start3A_85 = arith.constant 0 : i32
      %dma_start3A_86 = arith.constant 0 : i32
      %dma_start3A_87 = tpu.memref_slice %arg12[%dma_start3A_85, %dma_start3A_86] : memref<10000x128xf32, #tpu.memory_space<vmem_shared>> -> memref<10000x128xf32, #tpu.memory_space<vmem_shared>>
      tpu.enqueue_indirect_dma source(%arg31 : memref<80x128xf32, #tpu.memory_space<vmem>>) target(%dma_start3A_87 : memref<10000x128xf32, #tpu.memory_space<vmem_shared>>) offsets(%dma_start3A_84 : memref<80xi32, #tpu.memory_space<vmem>>) semaphore(%arg25 : memref<!tpu.dma_semaphore, #tpu.memory_space<semaphore_mem>>) {add = true}
      %gt3A = arith.constant 0 : i32
      %gt3A_88 = arith.cmpi sgt, %scan3A_78, %gt3A : i32
      %convert_element_type3A_89 = arith.extui %gt3A_88 : i1 to i32
      %cond3A_90 = arith.constant 0 : i32
      %cond3A_91 = arith.cmpi ne, %convert_element_type3A_89, %cond3A_90 : i32
      scf.if %cond3A_91 {
        %dma_wait3A_120 = arith.constant 1 : i32
        %dma_wait3A_121 = arith.constant 0 : i32
        %dma_wait3A_122 = tpu.memref_slice %arg32[%dma_wait3A_120, %dma_wait3A_121] : memref<2x80xi32, #tpu.memory_space<vmem>> -> memref<1x80xi32, #tpu.memory_space<vmem>>
        %dma_wait3A_123 = tpu.memref_squeeze %dma_wait3A_122 : memref<1x80xi32, #tpu.memory_space<vmem>> -> memref<80xi32, #tpu.memory_space<vmem>>
        %dma_wait3A_124 = arith.constant 0 : i32
        %dma_wait3A_125 = arith.constant 0 : i32
        %dma_wait3A_126 = tpu.memref_slice %arg12[%dma_wait3A_124, %dma_wait3A_125] : memref<10000x128xf32, #tpu.memory_space<vmem_shared>> -> memref<10000x128xf32, #tpu.memory_space<vmem_shared>>
        tpu.wait_indirect_dma semaphore(%arg26 : memref<!tpu.dma_semaphore, #tpu.memory_space<semaphore_mem>>) src(%arg31 : memref<80x128xf32, #tpu.memory_space<vmem>>) dst(%dma_wait3A_126 : memref<10000x128xf32, #tpu.memory_space<vmem_shared>>)
      } else {
      }
      %add3A_92 = arith.constant 1 : i32
      %add3A_93 = arith.addi %mul3A_80, %add3A_92 : i32
      %mul3A_94 = arith.constant 80 : i32
      %mul3A_95 = arith.muli %add3A_93, %mul3A_94 : i32
      %add3A_96 = arith.addi %mul3A_10, %mul3A_95 : i32
      %multiple_of3A_97 = tpu.assume_multiple %add3A_96, 8 : i32
      %run_scoped3A_98 = arith.constant 1 : i32
      "tpu.region"() ({
        %run_scoped3A_120 = tpu.sem_alloc : memref<!tpu.dma_semaphore, #tpu.memory_space<semaphore_mem>>
        %dma_start3A_121 = arith.constant 0 : i32
        %dma_start3A_122 = tpu.memref_slice %arg32[%run_scoped3A_98, %dma_start3A_121] : memref<2x80xi32, #tpu.memory_space<vmem>> -> memref<1x80xi32, #tpu.memory_space<vmem>>
        %dma_start3A_123 = tpu.memref_squeeze %dma_start3A_122 : memref<1x80xi32, #tpu.memory_space<vmem>> -> memref<80xi32, #tpu.memory_space<vmem>>
        %dma_start3A_124 = tpu.memref_slice %arg4[%multiple_of3A_97] : memref<320000xi32, #tpu.memory_space<hbm>> -> memref<80xi32, #tpu.memory_space<hbm>>
        %dma_start3A_125 = arith.constant 0 : i32
        %dma_start3A_126 = tpu.memref_slice %arg32[%run_scoped3A_98, %dma_start3A_125] : memref<2x80xi32, #tpu.memory_space<vmem>> -> memref<1x80xi32, #tpu.memory_space<vmem>>
        %dma_start3A_127 = tpu.memref_squeeze %dma_start3A_126 : memref<1x80xi32, #tpu.memory_space<vmem>> -> memref<80xi32, #tpu.memory_space<vmem>>
        %dma_start3A_128 = tpu.memref_slice %arg4[%multiple_of3A_97] : memref<320000xi32, #tpu.memory_space<hbm>> -> memref<80xi32, #tpu.memory_space<hbm>>
        tpu.enqueue_dma source(%dma_start3A_128 : memref<80xi32, #tpu.memory_space<hbm>>) target(%dma_start3A_127 : memref<80xi32, #tpu.memory_space<vmem>>) target_semaphore(%run_scoped3A_120 : memref<!tpu.dma_semaphore, #tpu.memory_space<semaphore_mem>>)
        %dma_wait3A_129 = arith.constant 0 : i32
        %dma_wait3A_130 = tpu.memref_slice %arg32[%run_scoped3A_98, %dma_wait3A_129] : memref<2x80xi32, #tpu.memory_space<vmem>> -> memref<1x80xi32, #tpu.memory_space<vmem>>
        %dma_wait3A_131 = tpu.memref_squeeze %dma_wait3A_130 : memref<1x80xi32, #tpu.memory_space<vmem>> -> memref<80xi32, #tpu.memory_space<vmem>>
        %dma_wait3A_132 = tpu.memref_slice %arg4[%multiple_of3A_97] : memref<320000xi32, #tpu.memory_space<hbm>> -> memref<80xi32, #tpu.memory_space<hbm>>
        %dma_wait3A_133 = arith.constant 0 : i32
        %dma_wait3A_134 = tpu.memref_slice %arg32[%run_scoped3A_98, %dma_wait3A_133] : memref<2x80xi32, #tpu.memory_space<vmem>> -> memref<1x80xi32, #tpu.memory_space<vmem>>
        %dma_wait3A_135 = tpu.memref_squeeze %dma_wait3A_134 : memref<1x80xi32, #tpu.memory_space<vmem>> -> memref<80xi32, #tpu.memory_space<vmem>>
        %dma_wait3A_136 = tpu.memref_slice %arg4[%multiple_of3A_97] : memref<320000xi32, #tpu.memory_space<hbm>> -> memref<80xi32, #tpu.memory_space<hbm>>
        tpu.wait_dma2 semaphore(%run_scoped3A_120 : memref<!tpu.dma_semaphore, #tpu.memory_space<semaphore_mem>>) src(%dma_wait3A_136 : memref<80xi32, #tpu.memory_space<hbm>>) dst(%dma_wait3A_135 : memref<80xi32, #tpu.memory_space<vmem>>)
        tpu.yield
      }) : () -> ()
      %dma_start3A_99 = arith.constant 1 : i32
      %dma_start3A_100 = arith.constant 0 : i32
      %dma_start3A_101 = tpu.memref_slice %arg32[%dma_start3A_99, %dma_start3A_100] : memref<2x80xi32, #tpu.memory_space<vmem>> -> memref<1x80xi32, #tpu.memory_space<vmem>>
      %dma_start3A_102 = tpu.memref_squeeze %dma_start3A_101 : memref<1x80xi32, #tpu.memory_space<vmem>> -> memref<80xi32, #tpu.memory_space<vmem>>
      %dma_start3A_103 = arith.constant 0 : i32
      %dma_start3A_104 = arith.constant 0 : i32
      %dma_start3A_105 = tpu.memref_slice %arg12[%dma_start3A_103, %dma_start3A_104] : memref<10000x128xf32, #tpu.memory_space<vmem_shared>> -> memref<10000x128xf32, #tpu.memory_space<vmem_shared>>
      tpu.enqueue_indirect_dma source(%arg31 : memref<80x128xf32, #tpu.memory_space<vmem>>) target(%dma_start3A_105 : memref<10000x128xf32, #tpu.memory_space<vmem_shared>>) offsets(%dma_start3A_102 : memref<80xi32, #tpu.memory_space<vmem>>) semaphore(%arg26 : memref<!tpu.dma_semaphore, #tpu.memory_space<semaphore_mem>>) {add = true}
      %dma_wait3A_106 = arith.constant 0 : i32
      %dma_wait3A_107 = arith.constant 0 : i32
      %dma_wait3A_108 = tpu.memref_slice %arg32[%dma_wait3A_106, %dma_wait3A_107] : memref<2x80xi32, #tpu.memory_space<vmem>> -> memref<1x80xi32, #tpu.memory_space<vmem>>
      %dma_wait3A_109 = tpu.memref_squeeze %dma_wait3A_108 : memref<1x80xi32, #tpu.memory_space<vmem>> -> memref<80xi32, #tpu.memory_space<vmem>>
      %dma_wait3A_110 = arith.constant 0 : i32
      %dma_wait3A_111 = arith.constant 0 : i32
      %dma_wait3A_112 = tpu.memref_slice %arg12[%dma_wait3A_110, %dma_wait3A_111] : memref<10000x128xf32, #tpu.memory_space<vmem_shared>> -> memref<10000x128xf32, #tpu.memory_space<vmem_shared>>
      tpu.wait_indirect_dma semaphore(%arg25 : memref<!tpu.dma_semaphore, #tpu.memory_space<semaphore_mem>>) src(%arg31 : memref<80x128xf32, #tpu.memory_space<vmem>>) dst(%dma_wait3A_112 : memref<10000x128xf32, #tpu.memory_space<vmem_shared>>)
      %add3A_113 = arith.constant 2 : i32
      %add3A_114 = arith.addi %mul3A_80, %add3A_113 : i32
      %mul3A_115 = arith.constant 80 : i32
      %mul3A_116 = arith.muli %add3A_114, %mul3A_115 : i32
      %add3A_117 = arith.addi %mul3A_10, %mul3A_116 : i32
      %multiple_of3A_118 = tpu.assume_multiple %add3A_117, 8 : i32
      %run_scoped3A_119 = arith.constant 0 : i32
      "tpu.region"() ({
        %run_scoped3A_120 = tpu.sem_alloc : memref<!tpu.dma_semaphore, #tpu.memory_space<semaphore_mem>>
        %dma_start3A_121 = arith.constant 0 : i32
        %dma_start3A_122 = tpu.memref_slice %arg32[%run_scoped3A_119, %dma_start3A_121] : memref<2x80xi32, #tpu.memory_space<vmem>> -> memref<1x80xi32, #tpu.memory_space<vmem>>
        %dma_start3A_123 = tpu.memref_squeeze %dma_start3A_122 : memref<1x80xi32, #tpu.memory_space<vmem>> -> memref<80xi32, #tpu.memory_space<vmem>>
        %dma_start3A_124 = tpu.memref_slice %arg4[%multiple_of3A_118] : memref<320000xi32, #tpu.memory_space<hbm>> -> memref<80xi32, #tpu.memory_space<hbm>>
        %dma_start3A_125 = arith.constant 0 : i32
        %dma_start3A_126 = tpu.memref_slice %arg32[%run_scoped3A_119, %dma_start3A_125] : memref<2x80xi32, #tpu.memory_space<vmem>> -> memref<1x80xi32, #tpu.memory_space<vmem>>
        %dma_start3A_127 = tpu.memref_squeeze %dma_start3A_126 : memref<1x80xi32, #tpu.memory_space<vmem>> -> memref<80xi32, #tpu.memory_space<vmem>>
        %dma_start3A_128 = tpu.memref_slice %arg4[%multiple_of3A_118] : memref<320000xi32, #tpu.memory_space<hbm>> -> memref<80xi32, #tpu.memory_space<hbm>>
        tpu.enqueue_dma source(%dma_start3A_128 : memref<80xi32, #tpu.memory_space<hbm>>) target(%dma_start3A_127 : memref<80xi32, #tpu.memory_space<vmem>>) target_semaphore(%run_scoped3A_120 : memref<!tpu.dma_semaphore, #tpu.memory_space<semaphore_mem>>)
        %dma_wait3A_129 = arith.constant 0 : i32
        %dma_wait3A_130 = tpu.memref_slice %arg32[%run_scoped3A_119, %dma_wait3A_129] : memref<2x80xi32, #tpu.memory_space<vmem>> -> memref<1x80xi32, #tpu.memory_space<vmem>>
        %dma_wait3A_131 = tpu.memref_squeeze %dma_wait3A_130 : memref<1x80xi32, #tpu.memory_space<vmem>> -> memref<80xi32, #tpu.memory_space<vmem>>
        %dma_wait3A_132 = tpu.memref_slice %arg4[%multiple_of3A_118] : memref<320000xi32, #tpu.memory_space<hbm>> -> memref<80xi32, #tpu.memory_space<hbm>>
        %dma_wait3A_133 = arith.constant 0 : i32
        %dma_wait3A_134 = tpu.memref_slice %arg32[%run_scoped3A_119, %dma_wait3A_133] : memref<2x80xi32, #tpu.memory_space<vmem>> -> memref<1x80xi32, #tpu.memory_space<vmem>>
        %dma_wait3A_135 = tpu.memref_squeeze %dma_wait3A_134 : memref<1x80xi32, #tpu.memory_space<vmem>> -> memref<80xi32, #tpu.memory_space<vmem>>
        %dma_wait3A_136 = tpu.memref_slice %arg4[%multiple_of3A_118] : memref<320000xi32, #tpu.memory_space<hbm>> -> memref<80xi32, #tpu.memory_space<hbm>>
        tpu.wait_dma2 semaphore(%run_scoped3A_120 : memref<!tpu.dma_semaphore, #tpu.memory_space<semaphore_mem>>) src(%dma_wait3A_136 : memref<80xi32, #tpu.memory_space<hbm>>) dst(%dma_wait3A_135 : memref<80xi32, #tpu.memory_space<vmem>>)
        tpu.yield
      }) : () -> ()
    }
    %scan3A_47 = arith.constant 62 : i32
    %dma_start3A = arith.constant 0 : i32
    %dma_start3A_48 = arith.constant 0 : i32
    %dma_start3A_49 = tpu.memref_slice %arg32[%dma_start3A, %dma_start3A_48] : memref<2x80xi32, #tpu.memory_space<vmem>> -> memref<1x80xi32, #tpu.memory_space<vmem>>
    %dma_start3A_50 = tpu.memref_squeeze %dma_start3A_49 : memref<1x80xi32, #tpu.memory_space<vmem>> -> memref<80xi32, #tpu.memory_space<vmem>>
    %dma_start3A_51 = arith.constant 0 : i32
    %dma_start3A_52 = arith.constant 0 : i32
    %dma_start3A_53 = tpu.memref_slice %arg12[%dma_start3A_51, %dma_start3A_52] : memref<10000x128xf32, #tpu.memory_space<vmem_shared>> -> memref<10000x128xf32, #tpu.memory_space<vmem_shared>>
    tpu.enqueue_indirect_dma source(%arg31 : memref<80x128xf32, #tpu.memory_space<vmem>>) target(%dma_start3A_53 : memref<10000x128xf32, #tpu.memory_space<vmem_shared>>) offsets(%dma_start3A_50 : memref<80xi32, #tpu.memory_space<vmem>>) semaphore(%arg25 : memref<!tpu.dma_semaphore, #tpu.memory_space<semaphore_mem>>) {add = true}
    %dma_wait3A = arith.constant 1 : i32
    %dma_wait3A_54 = arith.constant 0 : i32
    %dma_wait3A_55 = tpu.memref_slice %arg32[%dma_wait3A, %dma_wait3A_54] : memref<2x80xi32, #tpu.memory_space<vmem>> -> memref<1x80xi32, #tpu.memory_space<vmem>>
    %dma_wait3A_56 = tpu.memref_squeeze %dma_wait3A_55 : memref<1x80xi32, #tpu.memory_space<vmem>> -> memref<80xi32, #tpu.memory_space<vmem>>
    %dma_wait3A_57 = arith.constant 0 : i32
    %dma_wait3A_58 = arith.constant 0 : i32
    %dma_wait3A_59 = tpu.memref_slice %arg12[%dma_wait3A_57, %dma_wait3A_58] : memref<10000x128xf32, #tpu.memory_space<vmem_shared>> -> memref<10000x128xf32, #tpu.memory_space<vmem_shared>>
    tpu.wait_indirect_dma semaphore(%arg26 : memref<!tpu.dma_semaphore, #tpu.memory_space<semaphore_mem>>) src(%arg31 : memref<80x128xf32, #tpu.memory_space<vmem>>) dst(%dma_wait3A_59 : memref<10000x128xf32, #tpu.memory_space<vmem_shared>>)
    %dma_wait3A_60 = arith.constant 0 : i32
    %dma_wait3A_61 = arith.constant 0 : i32
    %dma_wait3A_62 = tpu.memref_slice %arg32[%dma_wait3A_60, %dma_wait3A_61] : memref<2x80xi32, #tpu.memory_space<vmem>> -> memref<1x80xi32, #tpu.memory_space<vmem>>
    %dma_wait3A_63 = tpu.memref_squeeze %dma_wait3A_62 : memref<1x80xi32, #tpu.memory_space<vmem>> -> memref<80xi32, #tpu.memory_space<vmem>>
    %dma_wait3A_64 = arith.constant 0 : i32
    %dma_wait3A_65 = arith.constant 0 : i32
    %dma_wait3A_66 = tpu.memref_slice %arg12[%dma_wait3A_64, %dma_wait3A_65] : memref<10000x128xf32, #tpu.memory_space<vmem_shared>> -> memref<10000x128xf32, #tpu.memory_space<vmem_shared>>
    tpu.wait_indirect_dma semaphore(%arg25 : memref<!tpu.dma_semaphore, #tpu.memory_space<semaphore_mem>>) src(%arg31 : memref<80x128xf32, #tpu.memory_space<vmem>>) dst(%dma_wait3A_66 : memref<10000x128xf32, #tpu.memory_space<vmem_shared>>)
    %barrier3A_67 = arith.constant 0 : index
    tpu.barrier barrier_id(%barrier3A_67)
    %lt3A_68 = arith.constant 15 : i32
    %lt3A_69 = arith.cmpi slt, %arg1, %lt3A_68 : i32
    %convert_element_type3A_70 = arith.extui %lt3A_69 : i1 to i32
    %cond3A_71 = arith.constant 0 : i32
    %cond3A_72 = arith.cmpi ne, %convert_element_type3A_70, %cond3A_71 : i32
    scf.if %cond3A_72 {
      "tpu.region"() ({
        %run_scoped3A_78 = tpu.sem_alloc : memref<!tpu.dma_semaphore, #tpu.memory_space<semaphore_mem>>
        %dma_start3A_79 = arith.constant 0 : i32
        %dma_start3A_80 = tpu.memref_slice %arg8[%arg0, %multiple_of3A, %dma_start3A_79] : memref<2x10000x128xf32, #tpu.memory_space<hbm>> -> memref<1x624x128xf32, #tpu.memory_space<hbm>>
        %dma_start3A_81 = tpu.memref_squeeze %dma_start3A_80 : memref<1x624x128xf32, #tpu.memory_space<hbm>> -> memref<624x128xf32, #tpu.memory_space<hbm>>
        %dma_start3A_82 = arith.constant 0 : i32
        %dma_start3A_83 = tpu.memref_slice %arg12[%multiple_of3A, %dma_start3A_82] : memref<10000x128xf32, #tpu.memory_space<vmem_shared>> -> memref<624x128xf32, #tpu.memory_space<vmem_shared>>
        tpu.enqueue_dma source(%dma_start3A_83 : memref<624x128xf32, #tpu.memory_space<vmem_shared>>) target(%dma_start3A_81 : memref<624x128xf32, #tpu.memory_space<hbm>>) target_semaphore(%run_scoped3A_78 : memref<!tpu.dma_semaphore, #tpu.memory_space<semaphore_mem>>)
        %dma_wait3A_84 = arith.constant 0 : i32
        %dma_wait3A_85 = tpu.memref_slice %arg8[%arg0, %multiple_of3A, %dma_wait3A_84] : memref<2x10000x128xf32, #tpu.memory_space<hbm>> -> memref<1x624x128xf32, #tpu.memory_space<hbm>>
        %dma_wait3A_86 = tpu.memref_squeeze %dma_wait3A_85 : memref<1x624x128xf32, #tpu.memory_space<hbm>> -> memref<624x128xf32, #tpu.memory_space<hbm>>
        %dma_wait3A_87 = arith.constant 0 : i32
        %dma_wait3A_88 = tpu.memref_slice %arg12[%multiple_of3A, %dma_wait3A_87] : memref<10000x128xf32, #tpu.memory_space<vmem_shared>> -> memref<624x128xf32, #tpu.memory_space<vmem_shared>>
        tpu.wait_dma2 semaphore(%run_scoped3A_78 : memref<!tpu.dma_semaphore, #tpu.memory_space<semaphore_mem>>) src(%dma_wait3A_88 : memref<624x128xf32, #tpu.memory_space<vmem_shared>>) dst(%dma_wait3A_86 : memref<624x128xf32, #tpu.memory_space<hbm>>)
        tpu.yield
      }) : () -> ()
    } else {
    }
    %eq3A_73 = arith.constant 15 : i32
    %eq3A_74 = arith.cmpi eq, %arg1, %eq3A_73 : i32
    %convert_element_type3A_75 = arith.extui %eq3A_74 : i1 to i32
    %cond3A_76 = arith.constant 0 : i32
    %cond3A_77 = arith.cmpi ne, %convert_element_type3A_75, %cond3A_76 : i32
    scf.if %cond3A_77 {
      "tpu.region"() ({
        %run_scoped3A_78 = tpu.sem_alloc : memref<!tpu.dma_semaphore, #tpu.memory_space<semaphore_mem>>
        %dma_start3A_79 = arith.constant 9360 : i32
        %dma_start3A_80 = arith.constant 0 : i32
        %dma_start3A_81 = tpu.memref_slice %arg8[%arg0, %dma_start3A_79, %dma_start3A_80] : memref<2x10000x128xf32, #tpu.memory_space<hbm>> -> memref<1x640x128xf32, #tpu.memory_space<hbm>>
        %dma_start3A_82 = tpu.memref_squeeze %dma_start3A_81 : memref<1x640x128xf32, #tpu.memory_space<hbm>> -> memref<640x128xf32, #tpu.memory_space<hbm>>
        %dma_start3A_83 = arith.constant 9360 : i32
        %dma_start3A_84 = arith.constant 0 : i32
        %dma_start3A_85 = tpu.memref_slice %arg12[%dma_start3A_83, %dma_start3A_84] : memref<10000x128xf32, #tpu.memory_space<vmem_shared>> -> memref<640x128xf32, #tpu.memory_space<vmem_shared>>
        tpu.enqueue_dma source(%dma_start3A_85 : memref<640x128xf32, #tpu.memory_space<vmem_shared>>) target(%dma_start3A_82 : memref<640x128xf32, #tpu.memory_space<hbm>>) target_semaphore(%run_scoped3A_78 : memref<!tpu.dma_semaphore, #tpu.memory_space<semaphore_mem>>)
        %dma_wait3A_86 = arith.constant 9360 : i32
        %dma_wait3A_87 = arith.constant 0 : i32
        %dma_wait3A_88 = tpu.memref_slice %arg8[%arg0, %dma_wait3A_86, %dma_wait3A_87] : memref<2x10000x128xf32, #tpu.memory_space<hbm>> -> memref<1x640x128xf32, #tpu.memory_space<hbm>>
        %dma_wait3A_89 = tpu.memref_squeeze %dma_wait3A_88 : memref<1x640x128xf32, #tpu.memory_space<hbm>> -> memref<640x128xf32, #tpu.memory_space<hbm>>
        %dma_wait3A_90 = arith.constant 9360 : i32
        %dma_wait3A_91 = arith.constant 0 : i32
        %dma_wait3A_92 = tpu.memref_slice %arg12[%dma_wait3A_90, %dma_wait3A_91] : memref<10000x128xf32, #tpu.memory_space<vmem_shared>> -> memref<640x128xf32, #tpu.memory_space<vmem_shared>>
        tpu.wait_dma2 semaphore(%run_scoped3A_78 : memref<!tpu.dma_semaphore, #tpu.memory_space<semaphore_mem>>) src(%dma_wait3A_92 : memref<640x128xf32, #tpu.memory_space<vmem_shared>>) dst(%dma_wait3A_89 : memref<640x128xf32, #tpu.memory_space<hbm>>)
        tpu.yield
      }) : () -> ()
    } else {
    }
    return
  }
}

module attributes {stable_mosaic.version = 14 : i64} {
  func.func @_tc_layer0_body(%arg0: i32, %arg1: memref<1000x128xf32, #tpu.memory_space<vmem>>, %arg2: memref<2x1000x128xf32, #tpu.memory_space<vmem>>, %arg3: memref<2x1000x128xf32, #tpu.memory_space<vmem>>, %arg4: memref<128x128xf32, #tpu.memory_space<vmem>>, %arg5: memref<128x128xf32, #tpu.memory_space<vmem>>, %arg6: memref<1x128xf32, #tpu.memory_space<vmem>>, %arg7: memref<1x128xf32, #tpu.memory_space<vmem>>, %arg8: memref<1x128xf32, #tpu.memory_space<vmem>>, %arg9: memref<1000x128xf32, #tpu.memory_space<vmem>>) attributes {dimension_semantics = [#tpu.dimension_semantics<arbitrary>], iteration_bounds = array<i64: 10>, scalar_prefetch = 0 : i64, scratch_operands = 0 : i64, tpu.core_type = #tpu.core_type<tc>, window_params = [{transform_indices = @transform_0, window_bounds = array<i64: 1000, 128>}, {transform_indices = @transform_1, window_bounds = array<i64: 2, 1000, 128>}, {transform_indices = @transform_2, window_bounds = array<i64: 2, 1000, 128>}, {pipeline_mode = #tpu.pipeline_mode<synchronous>, transform_indices = @transform_3, window_bounds = array<i64: 128, 128>}, {pipeline_mode = #tpu.pipeline_mode<synchronous>, transform_indices = @transform_4, window_bounds = array<i64: 128, 128>}, {pipeline_mode = #tpu.pipeline_mode<synchronous>, transform_indices = @transform_5, window_bounds = array<i64: 1, 128>}, {pipeline_mode = #tpu.pipeline_mode<synchronous>, transform_indices = @transform_6, window_bounds = array<i64: 1, 128>}, {pipeline_mode = #tpu.pipeline_mode<synchronous>, transform_indices = @transform_7, window_bounds = array<i64: 1, 128>}, {transform_indices = @transform_8, window_bounds = array<i64: 1000, 128>}]} {
    %get3A = arith.constant 0 : index
    %get3A_0 = arith.constant 0 : index
    %get3A_1 = arith.constant 0 : index
    %get3A_2 = vector.load %arg2[%get3A, %get3A_0, %get3A_1] : memref<2x1000x128xf32, #tpu.memory_space<vmem>>, vector<2x1000x128xf32>
    %slice3A = vector.extract_strided_slice %get3A_2 {offsets = [0, 0, 0], sizes = [1, 1000, 128], strides = [1, 1, 1]} : vector<2x1000x128xf32> to vector<1x1000x128xf32>
    %squeeze3A = vector.shape_cast %slice3A : vector<1x1000x128xf32> to vector<1000x128xf32>
    %slice3A_3 = vector.extract_strided_slice %get3A_2 {offsets = [1, 0, 0], sizes = [1, 1000, 128], strides = [1, 1, 1]} : vector<2x1000x128xf32> to vector<1x1000x128xf32>
    %squeeze3A_4 = vector.shape_cast %slice3A_3 : vector<1x1000x128xf32> to vector<1000x128xf32>
    %add3A = arith.addf %squeeze3A, %squeeze3A_4 : vector<1000x128xf32>
    %get3A_5 = arith.constant 0 : index
    %get3A_6 = arith.constant 0 : index
    %get3A_7 = arith.constant 0 : index
    %get3A_8 = vector.load %arg3[%get3A_5, %get3A_6, %get3A_7] : memref<2x1000x128xf32, #tpu.memory_space<vmem>>, vector<2x1000x128xf32>
    %slice3A_9 = vector.extract_strided_slice %get3A_8 {offsets = [0, 0, 0], sizes = [1, 1000, 128], strides = [1, 1, 1]} : vector<2x1000x128xf32> to vector<1x1000x128xf32>
    %squeeze3A_10 = vector.shape_cast %slice3A_9 : vector<1x1000x128xf32> to vector<1000x128xf32>
    %slice3A_11 = vector.extract_strided_slice %get3A_8 {offsets = [1, 0, 0], sizes = [1, 1000, 128], strides = [1, 1, 1]} : vector<2x1000x128xf32> to vector<1x1000x128xf32>
    %squeeze3A_12 = vector.shape_cast %slice3A_11 : vector<1x1000x128xf32> to vector<1000x128xf32>
    %add3A_13 = arith.addf %squeeze3A_10, %squeeze3A_12 : vector<1000x128xf32>
    %slice3A_14 = vector.extract_strided_slice %add3A_13 {offsets = [0, 0], sizes = [1000, 1], strides = [1, 1]} : vector<1000x128xf32> to vector<1000x1xf32>
    %max3A = arith.constant 1.000000e+00 : f32
    %max3A_15 = vector.broadcast %max3A : f32 to vector<1000x1xf32>
    %max3A_16 = arith.maximumf %slice3A_14, %max3A_15 : vector<1000x1xf32>
    %div3A = arith.constant 1.000000e+00 : f32
    %div3A_17 = vector.broadcast %div3A : f32 to vector<1000x1xf32>
    %div3A_18 = arith.divf %div3A_17, %max3A_16 : vector<1000x1xf32>
    %mul3A = vector.broadcast %div3A_18 : vector<1000x1xf32> to vector<1000x128xf32>
    %mul3A_19 = arith.mulf %add3A, %mul3A : vector<1000x128xf32>
    %get3A_20 = arith.constant 0 : index
    %get3A_21 = arith.constant 0 : index
    %get3A_22 = vector.load %arg1[%get3A_20, %get3A_21] : memref<1000x128xf32, #tpu.memory_space<vmem>>, vector<1000x128xf32>
    %get3A_23 = arith.constant 0 : index
    %get3A_24 = arith.constant 0 : index
    %get3A_25 = vector.load %arg4[%get3A_23, %get3A_24] : memref<128x128xf32, #tpu.memory_space<vmem>>, vector<128x128xf32>
    %dot_general3A = arith.constant dense<0.000000e+00> : vector<1000x128xf32>
    %dot_general3A_26 = tpu.matmul %get3A_22, %get3A_25, %dot_general3A {dimension_numbers = #tpu.dot_dimension_numbers<[1], [0], [0], [1], [0, 0, 1, 1], [], []>, transpose_lhs_hint = false} : vector<1000x128xf32>, vector<128x128xf32>, vector<1000x128xf32> -> vector<1000x128xf32>
    %get3A_27 = arith.constant 0 : index
    %get3A_28 = arith.constant 0 : index
    %get3A_29 = vector.load %arg5[%get3A_27, %get3A_28] : memref<128x128xf32, #tpu.memory_space<vmem>>, vector<128x128xf32>
    %dot_general3A_30 = arith.constant dense<0.000000e+00> : vector<1000x128xf32>
    %dot_general3A_31 = tpu.matmul %mul3A_19, %get3A_29, %dot_general3A_30 {dimension_numbers = #tpu.dot_dimension_numbers<[1], [0], [0], [1], [0, 0, 1, 1], [], []>, transpose_lhs_hint = false} : vector<1000x128xf32>, vector<128x128xf32>, vector<1000x128xf32> -> vector<1000x128xf32>
    %add3A_32 = arith.addf %dot_general3A_26, %dot_general3A_31 : vector<1000x128xf32>
    %get3A_33 = arith.constant 0 : index
    %get3A_34 = arith.constant 0 : index
    %get3A_35 = vector.load %arg6[%get3A_33, %get3A_34] : memref<1x128xf32, #tpu.memory_space<vmem>>, vector<1x128xf32>
    %add3A_36 = vector.broadcast %get3A_35 : vector<1x128xf32> to vector<1000x128xf32>
    %add3A_37 = arith.addf %add3A_32, %add3A_36 : vector<1000x128xf32>
    %reduce_sum3A = arith.constant dense<0.000000e+00> : vector<1000xf32>
    %reduce_sum3A_38 = vector.multi_reduction <add>, %add3A_37, %reduce_sum3A [1] : vector<1000x128xf32> to vector<1000xf32>
    %broadcast_in_dim3A = vector.shape_cast %reduce_sum3A_38 : vector<1000xf32> to vector<1000x1xf32>
    %div3A_39 = arith.constant 1.280000e+02 : f32
    %div3A_40 = vector.broadcast %div3A_39 : f32 to vector<1000x1xf32>
    %div3A_41 = arith.divf %broadcast_in_dim3A, %div3A_40 : vector<1000x1xf32>
    %sub3A = vector.broadcast %div3A_41 : vector<1000x1xf32> to vector<1000x128xf32>
    %sub3A_42 = arith.subf %add3A_37, %sub3A : vector<1000x128xf32>
    %integer_pow3A = arith.mulf %sub3A_42, %sub3A_42 : vector<1000x128xf32>
    %reduce_sum3A_43 = arith.constant dense<0.000000e+00> : vector<1000xf32>
    %reduce_sum3A_44 = vector.multi_reduction <add>, %integer_pow3A, %reduce_sum3A_43 [1] : vector<1000x128xf32> to vector<1000xf32>
    %broadcast_in_dim3A_45 = vector.shape_cast %reduce_sum3A_44 : vector<1000xf32> to vector<1000x1xf32>
    %div3A_46 = arith.constant 1.280000e+02 : f32
    %div3A_47 = vector.broadcast %div3A_46 : f32 to vector<1000x1xf32>
    %div3A_48 = arith.divf %broadcast_in_dim3A_45, %div3A_47 : vector<1000x1xf32>
    %sub3A_49 = vector.broadcast %div3A_41 : vector<1000x1xf32> to vector<1000x128xf32>
    %sub3A_50 = arith.subf %add3A_37, %sub3A_49 : vector<1000x128xf32>
    %add3A_51 = arith.constant 9.99999974E-6 : f32
    %add3A_52 = vector.broadcast %add3A_51 : f32 to vector<1000x1xf32>
    %add3A_53 = arith.addf %div3A_48, %add3A_52 : vector<1000x1xf32>
    %rsqrt3A = math.rsqrt %add3A_53 : vector<1000x1xf32>
    %mul3A_54 = vector.broadcast %rsqrt3A : vector<1000x1xf32> to vector<1000x128xf32>
    %mul3A_55 = arith.mulf %sub3A_50, %mul3A_54 : vector<1000x128xf32>
    %get3A_56 = arith.constant 0 : index
    %get3A_57 = arith.constant 0 : index
    %get3A_58 = vector.load %arg7[%get3A_56, %get3A_57] : memref<1x128xf32, #tpu.memory_space<vmem>>, vector<1x128xf32>
    %mul3A_59 = vector.broadcast %get3A_58 : vector<1x128xf32> to vector<1000x128xf32>
    %mul3A_60 = arith.mulf %mul3A_55, %mul3A_59 : vector<1000x128xf32>
    %get3A_61 = arith.constant 0 : index
    %get3A_62 = arith.constant 0 : index
    %get3A_63 = vector.load %arg8[%get3A_61, %get3A_62] : memref<1x128xf32, #tpu.memory_space<vmem>>, vector<1x128xf32>
    %add3A_64 = vector.broadcast %get3A_63 : vector<1x128xf32> to vector<1000x128xf32>
    %add3A_65 = arith.addf %mul3A_60, %add3A_64 : vector<1000x128xf32>
    %max3A_66 = arith.constant 0.000000e+00 : f32
    %max3A_67 = vector.broadcast %max3A_66 : f32 to vector<1000x128xf32>
    %max3A_68 = arith.maximumf %add3A_65, %max3A_67 : vector<1000x128xf32>
    %swap3A = arith.constant 0 : index
    %swap3A_69 = arith.constant 0 : index
    %swap3A_70 = vector.load %arg9[%swap3A, %swap3A_69] : memref<1000x128xf32, #tpu.memory_space<vmem>>, vector<1000x128xf32>
    tpu.vector_store %arg9[%swap3A, %swap3A_69], %max3A_68 {strides = array<i32>} : memref<1000x128xf32, #tpu.memory_space<vmem>>, vector<1000x128xf32>,
    return
  }
  func.func @transform_0(%arg0: i32) -> (i32, i32) {
    %c0_i32 = arith.constant 0 : i32
    %c0_i32_0 = arith.constant 0 : i32
    return %arg0, %c0_i32 : i32, i32
  }
  func.func @transform_1(%arg0: i32) -> (i32, i32, i32) {
    %c0_i32 = arith.constant 0 : i32
    %c0_i32_0 = arith.constant 0 : i32
    %c0_i32_1 = arith.constant 0 : i32
    return %c0_i32, %arg0, %c0_i32_0 : i32, i32, i32
  }
  func.func @transform_2(%arg0: i32) -> (i32, i32, i32) {
    %c0_i32 = arith.constant 0 : i32
    %c0_i32_0 = arith.constant 0 : i32
    %c0_i32_1 = arith.constant 0 : i32
    return %c0_i32, %arg0, %c0_i32_0 : i32, i32, i32
  }
  func.func @transform_3(%arg0: i32) -> (i32, i32) {
    %c0_i32 = arith.constant 0 : i32
    %c0_i32_0 = arith.constant 0 : i32
    %c0_i32_1 = arith.constant 0 : i32
    return %c0_i32, %c0_i32_0 : i32, i32
  }
  func.func @transform_4(%arg0: i32) -> (i32, i32) {
    %c0_i32 = arith.constant 0 : i32
    %c0_i32_0 = arith.constant 0 : i32
    %c0_i32_1 = arith.constant 0 : i32
    return %c0_i32, %c0_i32_0 : i32, i32
  }
  func.func @transform_5(%arg0: i32) -> (i32, i32) {
    %c0_i32 = arith.constant 0 : i32
    %c0_i32_0 = arith.constant 0 : i32
    %c0_i32_1 = arith.constant 0 : i32
    return %c0_i32, %c0_i32_0 : i32, i32
  }
  func.func @transform_6(%arg0: i32) -> (i32, i32) {
    %c0_i32 = arith.constant 0 : i32
    %c0_i32_0 = arith.constant 0 : i32
    %c0_i32_1 = arith.constant 0 : i32
    return %c0_i32, %c0_i32_0 : i32, i32
  }
  func.func @transform_7(%arg0: i32) -> (i32, i32) {
    %c0_i32 = arith.constant 0 : i32
    %c0_i32_0 = arith.constant 0 : i32
    %c0_i32_1 = arith.constant 0 : i32
    return %c0_i32, %c0_i32_0 : i32, i32
  }
  func.func @transform_8(%arg0: i32) -> (i32, i32) {
    %c0_i32 = arith.constant 0 : i32
    %c0_i32_0 = arith.constant 0 : i32
    return %arg0, %c0_i32 : i32, i32
  }
}

module attributes {stable_mosaic.version = 14 : i64} {
  func.func @_tc_layer1_body(%arg0: i32, %arg1: memref<1000x128xf32, #tpu.memory_space<vmem>>, %arg2: memref<2x1000x128xf32, #tpu.memory_space<vmem>>, %arg3: memref<2x1000x128xf32, #tpu.memory_space<vmem>>, %arg4: memref<128x128xf32, #tpu.memory_space<vmem>>, %arg5: memref<128x128xf32, #tpu.memory_space<vmem>>, %arg6: memref<1x128xf32, #tpu.memory_space<vmem>>, %arg7: memref<1000x128xf32, #tpu.memory_space<vmem>>) attributes {dimension_semantics = [#tpu.dimension_semantics<arbitrary>], iteration_bounds = array<i64: 10>, scalar_prefetch = 0 : i64, scratch_operands = 0 : i64, tpu.core_type = #tpu.core_type<tc>, window_params = [{transform_indices = @transform_0, window_bounds = array<i64: 1000, 128>}, {transform_indices = @transform_1, window_bounds = array<i64: 2, 1000, 128>}, {transform_indices = @transform_2, window_bounds = array<i64: 2, 1000, 128>}, {pipeline_mode = #tpu.pipeline_mode<synchronous>, transform_indices = @transform_3, window_bounds = array<i64: 128, 128>}, {pipeline_mode = #tpu.pipeline_mode<synchronous>, transform_indices = @transform_4, window_bounds = array<i64: 128, 128>}, {pipeline_mode = #tpu.pipeline_mode<synchronous>, transform_indices = @transform_5, window_bounds = array<i64: 1, 128>}, {transform_indices = @transform_6, window_bounds = array<i64: 1000, 128>}]} {
    %get3A = arith.constant 0 : index
    %get3A_0 = arith.constant 0 : index
    %get3A_1 = arith.constant 0 : index
    %get3A_2 = vector.load %arg2[%get3A, %get3A_0, %get3A_1] : memref<2x1000x128xf32, #tpu.memory_space<vmem>>, vector<2x1000x128xf32>
    %slice3A = vector.extract_strided_slice %get3A_2 {offsets = [0, 0, 0], sizes = [1, 1000, 128], strides = [1, 1, 1]} : vector<2x1000x128xf32> to vector<1x1000x128xf32>
    %squeeze3A = vector.shape_cast %slice3A : vector<1x1000x128xf32> to vector<1000x128xf32>
    %slice3A_3 = vector.extract_strided_slice %get3A_2 {offsets = [1, 0, 0], sizes = [1, 1000, 128], strides = [1, 1, 1]} : vector<2x1000x128xf32> to vector<1x1000x128xf32>
    %squeeze3A_4 = vector.shape_cast %slice3A_3 : vector<1x1000x128xf32> to vector<1000x128xf32>
    %add3A = arith.addf %squeeze3A, %squeeze3A_4 : vector<1000x128xf32>
    %get3A_5 = arith.constant 0 : index
    %get3A_6 = arith.constant 0 : index
    %get3A_7 = arith.constant 0 : index
    %get3A_8 = vector.load %arg3[%get3A_5, %get3A_6, %get3A_7] : memref<2x1000x128xf32, #tpu.memory_space<vmem>>, vector<2x1000x128xf32>
    %slice3A_9 = vector.extract_strided_slice %get3A_8 {offsets = [0, 0, 0], sizes = [1, 1000, 128], strides = [1, 1, 1]} : vector<2x1000x128xf32> to vector<1x1000x128xf32>
    %squeeze3A_10 = vector.shape_cast %slice3A_9 : vector<1x1000x128xf32> to vector<1000x128xf32>
    %slice3A_11 = vector.extract_strided_slice %get3A_8 {offsets = [1, 0, 0], sizes = [1, 1000, 128], strides = [1, 1, 1]} : vector<2x1000x128xf32> to vector<1x1000x128xf32>
    %squeeze3A_12 = vector.shape_cast %slice3A_11 : vector<1x1000x128xf32> to vector<1000x128xf32>
    %add3A_13 = arith.addf %squeeze3A_10, %squeeze3A_12 : vector<1000x128xf32>
    %slice3A_14 = vector.extract_strided_slice %add3A_13 {offsets = [0, 0], sizes = [1000, 1], strides = [1, 1]} : vector<1000x128xf32> to vector<1000x1xf32>
    %max3A = arith.constant 1.000000e+00 : f32
    %max3A_15 = vector.broadcast %max3A : f32 to vector<1000x1xf32>
    %max3A_16 = arith.maximumf %slice3A_14, %max3A_15 : vector<1000x1xf32>
    %div3A = arith.constant 1.000000e+00 : f32
    %div3A_17 = vector.broadcast %div3A : f32 to vector<1000x1xf32>
    %div3A_18 = arith.divf %div3A_17, %max3A_16 : vector<1000x1xf32>
    %mul3A = vector.broadcast %div3A_18 : vector<1000x1xf32> to vector<1000x128xf32>
    %mul3A_19 = arith.mulf %add3A, %mul3A : vector<1000x128xf32>
    %get3A_20 = arith.constant 0 : index
    %get3A_21 = arith.constant 0 : index
    %get3A_22 = vector.load %arg1[%get3A_20, %get3A_21] : memref<1000x128xf32, #tpu.memory_space<vmem>>, vector<1000x128xf32>
    %get3A_23 = arith.constant 0 : index
    %get3A_24 = arith.constant 0 : index
    %get3A_25 = vector.load %arg4[%get3A_23, %get3A_24] : memref<128x128xf32, #tpu.memory_space<vmem>>, vector<128x128xf32>
    %dot_general3A = arith.constant dense<0.000000e+00> : vector<1000x128xf32>
    %dot_general3A_26 = tpu.matmul %get3A_22, %get3A_25, %dot_general3A {dimension_numbers = #tpu.dot_dimension_numbers<[1], [0], [0], [1], [0, 0, 1, 1], [], []>, transpose_lhs_hint = false} : vector<1000x128xf32>, vector<128x128xf32>, vector<1000x128xf32> -> vector<1000x128xf32>
    %get3A_27 = arith.constant 0 : index
    %get3A_28 = arith.constant 0 : index
    %get3A_29 = vector.load %arg5[%get3A_27, %get3A_28] : memref<128x128xf32, #tpu.memory_space<vmem>>, vector<128x128xf32>
    %dot_general3A_30 = arith.constant dense<0.000000e+00> : vector<1000x128xf32>
    %dot_general3A_31 = tpu.matmul %mul3A_19, %get3A_29, %dot_general3A_30 {dimension_numbers = #tpu.dot_dimension_numbers<[1], [0], [0], [1], [0, 0, 1, 1], [], []>, transpose_lhs_hint = false} : vector<1000x128xf32>, vector<128x128xf32>, vector<1000x128xf32> -> vector<1000x128xf32>
    %add3A_32 = arith.addf %dot_general3A_26, %dot_general3A_31 : vector<1000x128xf32>
    %get3A_33 = arith.constant 0 : index
    %get3A_34 = arith.constant 0 : index
    %get3A_35 = vector.load %arg6[%get3A_33, %get3A_34] : memref<1x128xf32, #tpu.memory_space<vmem>>, vector<1x128xf32>
    %add3A_36 = vector.broadcast %get3A_35 : vector<1x128xf32> to vector<1000x128xf32>
    %add3A_37 = arith.addf %add3A_32, %add3A_36 : vector<1000x128xf32>
    %swap3A = arith.constant 0 : index
    %swap3A_38 = arith.constant 0 : index
    %swap3A_39 = vector.load %arg7[%swap3A, %swap3A_38] : memref<1000x128xf32, #tpu.memory_space<vmem>>, vector<1000x128xf32>
    tpu.vector_store %arg7[%swap3A, %swap3A_38], %add3A_37 {strides = array<i32>} : memref<1000x128xf32, #tpu.memory_space<vmem>>, vector<1000x128xf32>,
    return
  }
  func.func @transform_0(%arg0: i32) -> (i32, i32) {
    %c0_i32 = arith.constant 0 : i32
    %c0_i32_0 = arith.constant 0 : i32
    return %arg0, %c0_i32 : i32, i32
  }
  func.func @transform_1(%arg0: i32) -> (i32, i32, i32) {
    %c0_i32 = arith.constant 0 : i32
    %c0_i32_0 = arith.constant 0 : i32
    %c0_i32_1 = arith.constant 0 : i32
    return %c0_i32, %arg0, %c0_i32_0 : i32, i32, i32
  }
  func.func @transform_2(%arg0: i32) -> (i32, i32, i32) {
    %c0_i32 = arith.constant 0 : i32
    %c0_i32_0 = arith.constant 0 : i32
    %c0_i32_1 = arith.constant 0 : i32
    return %c0_i32, %arg0, %c0_i32_0 : i32, i32, i32
  }
  func.func @transform_3(%arg0: i32) -> (i32, i32) {
    %c0_i32 = arith.constant 0 : i32
    %c0_i32_0 = arith.constant 0 : i32
    %c0_i32_1 = arith.constant 0 : i32
    return %c0_i32, %c0_i32_0 : i32, i32
  }
  func.func @transform_4(%arg0: i32) -> (i32, i32) {
    %c0_i32 = arith.constant 0 : i32
    %c0_i32_0 = arith.constant 0 : i32
    %c0_i32_1 = arith.constant 0 : i32
    return %c0_i32, %c0_i32_0 : i32, i32
  }
  func.func @transform_5(%arg0: i32) -> (i32, i32) {
    %c0_i32 = arith.constant 0 : i32
    %c0_i32_0 = arith.constant 0 : i32
    %c0_i32_1 = arith.constant 0 : i32
    return %c0_i32, %c0_i32_0 : i32, i32
  }
  func.func @transform_6(%arg0: i32) -> (i32, i32) {
    %c0_i32 = arith.constant 0 : i32
    %c0_i32_0 = arith.constant 0 : i32
    return %arg0, %c0_i32 : i32, i32
  }
}

</mosaic_0001>

<sc_bundles>
// kernel: kernel.6.cloned.1.call-start
scs
__scs_entry_jumppad:
0x0: {  	(pc) =	sbr.rel $0x88, $3  }
0x1: {  	(tag) =	ssettag $0x0;
	lr =	simm.s32 $0x1  }
0x2: {  	[smem:$0x3F97] =	sst lr;
	_ =	strace $0xD0000000  }
0x3: {  	_ = 	snop  }
0x4: {  	_ = 	snop  }
0x5: {  	_ = 	snop  }
0x6: {  	_ = 	snop  }
0x7: {  	_ = 	snop  }
__scs_overlays_trampoline_lowered:
0x8: {  	[smem:$0x3FA6] =	sst s0  }
0x9: {  	[smem:$0x3FA7] =	sst s1  }
0xa: {  	[smem:$0x3FA8] =	sst s2  }
0xb: {  	[smem:$0x3FA9] =	sst s3  }
0xc: {  	[smem:$0x3FAA] =	sst s4  }
0xd: {  	[smem:$0x3FAB] =	sst s5  }
0xe: {  	[smem:$0x3FAC] =	sst s6  }
0xf: {  	[smem:$0x3FAD] =	sst s7  }
0x10: {  	[smem:$0x3FAE] =	sst s8  }
0x11: {  	[smem:$0x3FAF] =	sst s9;
	s0 =	simm.s32 @!p0 $0x0  }
0x12: {  	s1 =	sld [smem:$0x3F95];
	s0 =	simm.s32 @p0 $0x1  }
0x13: {  	[smem:$0x3FB0] =	sst s0;
	s0 =	simm.s32 @!p1 $0x0  }
0x14: {  	s2 =	sld [smem:$0x3F94];
	s0 =	simm.s32 @p1 $0x1  }
0x15: {  	[smem:$0x3FB1] =	sst s0;
	s0 =	simm.s32 @!p2 $0x0  }
0x16: {  	s3 =	sld [smem:$0x3FDB];
	s0 =	simm.s32 @p2 $0x1  }
0x17: {  	s4 =	simm.s32 $0x1BF5;
	[smem:$0x3FB3] =	sst s0  }
0x18: {  	s0 =	sld [smem:$0x3F96];
	_ =	swait.ge [sflag:s4], $0x0  }
0x19: {  	s7 =	sld [smem:$0x3F97]  }
0x1a: {  	s8 =	sadd.s32 $0xFFFFE003, lr  }
0x1b: {  	s9 =	sadd.s32 $0xFFFFFEF7, lr;
	s5 =	simm.s32 $0xFFFFFFFF;
	p2 =	slt.u32 s8, $0xFFFFF086  }
0x1c: {  	p1 =	slt.u32 s9, $0xF7A;
	s5 =	simm.s32 @!p2 $0x0  }
0x1d: {  	s5 =	simm.s32 @p1 $0x1;
	p0 =	seq.s32 s7, s2  }
0x1e: {  	s7 =	smul.u32 @!p0 $0xF7A, s2;
	p2 =	seq.s32 @!p0 s5, $0x0  }
0x1f: {  	s9 =	smul.u32 $0xF7A, s1;
	s8 =	simm.s32 @!p0 $0x1BF5;
	p2 =	por !p2, p0  }
0x20: {  	[sflag:s8] =	ssyncset.s32 @!p0 $0xFFFFF086;
	s6 =	sadd.s32 @!p0 s3, s7;
	s7 =	simm.s32 @!p0 $0x108  }
0x21: {  	s3 =	sadd.s32 s3, s9;
	s6 =	sadd.s32 @!p0 $0x88, s6;
	s7 =	simm.s32 @p2 $0x1082  }
0x22: {  	[simem:s7], [sflag:s8] =	dma.local @!p0 [hbm:s6], $0xF7A  }
0x23: {  	s9 =	sor.u32 $0xD0000000, s2;
	s6 =	simm.s32 $0x108;
	_ =	swait.ge @!p0 [sflag:s8], $0x0  }
0x24: {  	s3 =	sadd.s32 $0x88, s3;
	s6 =	simm.s32 @!p1 $0x1082;
	[sflag:s4] =	ssyncset.s32 $0xFFFFF086  }
0x25: {  	[simem:s6], [sflag:s4] =	dma.local [hbm:s3], $0xF7A  }
0x26: {  	[smem:$0x3F97] =	sst s1;
	(tag) =	ssettag s2;
	_ =	strace s9  }
0x27: {  	s1 =	sld [smem:$0x3FA7]  }
0x28: {  	s2 =	sld [smem:$0x3FA8]  }
0x29: {  	s4 =	sld [smem:$0x3FAA]  }
0x2a: {  	p0 =	seq.s32 s5, $0x0;
	s5 =	sld [smem:$0x3FAB]  }
0x2b: {  	s6 =	sld [smem:$0x3FAC]  }
0x2c: {  	s7 =	sld [smem:$0x3FAD]  }
0x2d: {  	s3 =	simm.s32 $0x108;
	s8 =	sld [smem:$0x3FAE]  }
0x2e: {  	s3 =	simm.s32 @!p0 $0x1082;
	s9 =	sld [smem:$0x3FAF]  }
0x2f: {  	lr =	sadd.s32 s0, s3;
	s0 =	sld [smem:$0x3FA6]  }
0x30: {  	s3 =	sld [smem:$0x3FA9]  }
0x31: {  	[smem:$0x3FB2] =	sst s10  }
0x32: {  	s10 =	sld [smem:$0x3FB0];
	_ =	sdelay $0x3  }
0x33: {  	p0 =	seq.s32 s10, $0x1;
	s10 =	sld [smem:$0x3FB2];
	_ =	sdelay $0x3  }
0x34: {  	[smem:$0x3FB2] =	sst s10  }
0x35: {  	s10 =	sld [smem:$0x3FB1];
	_ =	sdelay $0x3  }
0x36: {  	p1 =	seq.s32 s10, $0x1;
	s10 =	sld [smem:$0x3FB2];
	_ =	sdelay $0x3  }
0x37: {  	[smem:$0x3FB2] =	sst s10  }
0x38: {  	s10 =	sld [smem:$0x3FB3]  }
0x39: {  	_ = 	snop;
	(pc) =	sbr.ind lr, $3  }
0x3a: {  	_ = 	snop  }
0x3b: {  	_ = 	snop  }
0x3c: {  	p2 =	seq.s32 s10, $0x1;
	s10 =	sld [smem:$0x3FB2]  }
0x3d: {  	_ =	shalt  }
0x3e: {  	_ =	shalt  }
0x3f: {  	_ =	shalt  }
0x40: {  	_ =	shalt  }
0x41: {  	_ =	shalt  }
0x42: {  	_ =	shalt  }
0x43: {  	_ =	shalt  }
0x44: {  	_ =	shalt  }
0x45: {  	_ =	shalt  }
0x46: {  	_ =	shalt  }
0x47: {  	_ =	shalt  }
0x48: {  	_ =	shalt  }
0x49: {  	_ =	shalt  }
0x4a: {  	_ =	shalt  }
0x4b: {  	_ =	shalt  }
0x4c: {  	_ =	shalt  }
0x4d: {  	_ =	shalt  }
0x4e: {  	_ =	shalt  }
0x4f: {  	_ =	shalt  }
0x50: {  	_ =	shalt  }
0x51: {  	_ =	shalt  }
0x52: {  	_ =	shalt  }
0x53: {  	_ =	shalt  }
0x54: {  	_ =	shalt  }
0x55: {  	_ =	shalt  }
0x56: {  	_ =	shalt  }
0x57: {  	_ =	shalt  }
0x58: {  	_ =	shalt  }
0x59: {  	_ =	shalt  }
0x5a: {  	_ =	shalt  }
0x5b: {  	_ =	shalt  }
0x5c: {  	_ =	shalt  }
0x5d: {  	_ =	shalt  }
0x5e: {  	_ =	shalt  }
0x5f: {  	_ =	shalt  }
0x60: {  	_ =	shalt  }
0x61: {  	_ =	shalt  }
0x62: {  	_ =	shalt  }
0x63: {  	_ =	shalt  }
0x64: {  	_ =	shalt  }
0x65: {  	_ =	shalt  }
0x66: {  	_ =	shalt  }
0x67: {  	_ =	shalt  }
0x68: {  	_ =	shalt  }
0x69: {  	_ =	shalt  }
0x6a: {  	_ =	shalt  }
0x6b: {  	_ =	shalt  }
0x6c: {  	_ =	shalt  }
0x6d: {  	_ =	shalt  }
0x6e: {  	_ =	shalt  }
0x6f: {  	_ =	shalt  }
0x70: {  	_ =	shalt  }
0x71: {  	_ =	shalt  }
0x72: {  	_ =	shalt  }
0x73: {  	_ =	shalt  }
0x74: {  	_ =	shalt  }
0x75: {  	_ =	shalt  }
0x76: {  	_ =	shalt  }
0x77: {  	_ =	shalt  }
0x78: {  	_ =	shalt  }
0x79: {  	_ =	shalt  }
0x7a: {  	_ =	shalt  }
0x7b: {  	_ =	shalt  }
0x7c: {  	_ =	shalt  }
0x7d: {  	_ =	shalt  }
0x7e: {  	_ =	shalt  }
0x7f: {  	_ =	shalt  }
0x80: {  	_ =	shalt  }
0x81: {  	_ =	shalt  }
0x82: {  	_ =	shalt  }
0x83: {  	_ =	shalt  }
0x84: {  	_ =	shalt  }
0x85: {  	_ =	shalt  }
0x86: {  	_ =	shalt  }
0x87: {  	_ =	shalt  }
.Lfunc_end0:
.L_simem_size_0:
called_computation_lowered:
.L_overlay_start_0:
0x88: {  	s2 =	sld [smem:$0x3FD9]  }
0x89: {  	s3 =	sld [smem:$0x3FFE];
	_ =	sdelay $0x1  }
0x8a: {  	s1 =	srdreg.scid  }
0x8b: {  	s0 =	sand.u32 $0x1, s1  }
0x8c: {  	s17 =	sshll.u32 s0, $0xA;
	s2 =	sadd.s32 s3, s2  }
0x8d: {  	s2 =	sadd.s32 s2, s17  }
0x8e: {  	[smem:$0x3FBE] =	sst s2  }
0x8f: {  	_ = 	snop  }
0x90: {  	s2 =	sld [smem:$0x3FC9]  }
0x91: {  	s18 =	sld [smem:$0x3FD0];
	(tm) =	ssettm $0x1  }
0x92: {  	s4 =	sld [smem:$0x3FFB];
	_ =	sdelay $0x3  }
0x93: {  	_ =	strace s4  }
0x94: {  	s4 =	sld [smem:$0x3FFC];
	_ =	sdelay $0x3  }
0x95: {  	_ =	strace s4  }
0x96: {  	s4 =	sld [smem:$0x3FFD];
	_ =	sdelay $0x3  }
0x97: {  	_ =	strace s4  }
0x98: {  	_ =	strace $0x8FFFFFFF  }
0x99: {  	s19 =	sld [smem:$0x3FDB];
	_ =	sdelay $0x1  }
0x9a: {  	s5 =	simm.s32 $_scs_section_size  }
0x9b: {  	s6 =	simm.s32 $_size__tile_overlayer_lowered;
	s7 =	simm.s32 $_tile_overlayer_lowered  }
0x9c: {  	s22 =	simm.s32 $0x1BFF;
	s21 =	sshll.u32 s7, $0x1;
	s4 =	sadd.s32 s5, s19  }
0x9d: {  	s8 =	simm.s32 $0x0;
	s20 =	sshll.u32 s6, $0x1;
	s6 =	sadd.s32 s21, s4  }
0x9e: {  	[timem:s8], [sflag:s22] =	dma.local [hbm:s6], s20  }
0x9f: {  	_ =	swait.ge [sflag:s22], s20  }
0xa0: {  	s5 =	ssub.s32 $0x0, s20;
	[sflag:s22] =	ssyncset.done $0x0  }
0xa1: {  	[sflag:s22] =	ssyncadd.s32 s5;
	_ =	sdelay $0x1  }
0xa2: {  	s23 =	simm.s32 $0x1B8B  }
0xa3: {  	_ =	swait.ge [sflag:s23], $0x1  }
0xa4: {  	[sflag:s23] =	ssyncset.done $0x0  }
0xa5: {  	s25 =	simm.s32 $0x1B8E;
	s24 =	sld [smem:$0x3FFE];
	[sflag:s23] =	ssyncadd.s32 $0xFFFFFFFF  }
0xa6: {  	s26 =	simm.s32 $execute0_lowered;
	[smem:$0x3FD2] =	sst s25  }
0xa7: {  	s6 =	sshll.u32 s26, $0x1;
	_ =	strace $0x80000046;
	[dreg:$0x1] =	wrdreg $0xFFFFFFFF  }
0xa8: {  	s28 =	simm.s32 $_size_execute0_lowered;
	s4 =	sadd.s32 s4, s6;
	[dreg:$0x0] =	wrdreg $0x0  }
0xa9: {  	s6 =	sshll.u32 s28, $0x1;
	[dreg:$0x2] =	wrdreg s4  }
0xaa: {  	[dreg:$0x3] =	wrdreg s6  }
0xab: {  	[dreg:$0x4] =	wrdreg $0xC0  }
0xac: {  	_ =	task [dreg:s8], $0x5FFFF  }
0xad: {  	[dreg:$0x1] =	wrdreg $0xFFFFFFFF  }
0xae: {  	[dreg:$0x0] =	wrdreg $0x60  }
0xaf: {  	[dreg:$0x2] =	wrdreg s2  }
0xb0: {  	[dreg:$0x3] =	wrdreg s24  }
0xb1: {  	[dreg:$0x4] =	wrdreg s18  }
0xb2: {  	[dreg:$0x5] =	wrdreg $0x80000  }
0xb3: {  	[dreg:$0x6] =	wrdreg $0x9  }
0xb4: {  	_ =	task.clear_ibuf [dreg:s8], $0x7FFFF;
	_ =	strace $0x90000046  }
0xb5: {  	s29 =	simm.s32 $0x9;
	_ =	strace $0x80000048  }
0xb6: {  	_ =	swait.ge [sflag:s29], $0x1  }
0xb7: {  	[sflag:s29] =	ssyncadd.s32 $0xFFFFFFFF  }
0xb8: {  	_ =	strace $0x90000048  }
0xb9: {  	_ =	sfence  }
0xba: {  	s30 =	sld [smem:$0x0];
	_ =	sdelay $0x2  }
0xbb: {  	s31 =	sshll.u32 s1, $0xD;
	s1 =	sshrl.u32 s1, $0x2  }
0xbc: {  	s3 =	sand.u32 $0x4000, s31;
	s1 =	sadd.s32 s1, s30  }
0xbd: {  	s0 =	sor.u32 s3, s0;
	s1 =	sshll.u32 s1, $0x11  }
0xbe: {  	s0 =	sor.u32 s1, s0  }
0xbf: {  	s0 =	sadd.s32 $0x8F2B, s0  }
0xc0: {  	[sflag:s0] =	ssyncadd.remote.s32 $0x1  }
0xc1: {  	_ =	sfence.sel $0xFFFF  }
0xc2: {  	[dreg:$0x0] =	wrdreg $0xFFFFFFFF;
	(pc) =	sbr.abs _section_cstart, $3  }
0xc3: {  	[dreg:$0x1] =	wrdreg $0xFFFFFFFF  }
0xc4: {  	_ =	task.clear_ibuf [dreg:s8], $0x2FFFF;
	_ =	strace $0x9FFFFFFF  }
0xc5: {  	(tm) =	ssettm $0x7FFFFFFF  }
tec
execute0_lowered:
.L_overlay_start_1:
0x0: {  	(tag) =	ssettag $0x1  }
0x1: {  	s0 =	rddreg [dreg:$0x0]  }
0x2: {  	s1 =	rddreg [dreg:$0x1];
	s3 =	simm.s32 $0x0  }
0x3: {  	s2 =	srdreg.scid;
	s25 =	stileid.u32;
	s28 =	simm.s32 $0x1E080  }
0x4: {  	s29 =	simm.s32 $0x50;
	s30 =	simm.s32 $0x1E100;
	s31 =	simm.s32 $0xD  }
0x5: {  	[smem:$0x7FF] =	sst s3;
	s2 =	sand.u32 $0x1, s2;
	s4 =	sadd.s32 $0xC200, s1  }
0x6: {  	s5 =	sshll.u32 s25, $0x1;
	s7 =	sadd.s32 $0x2400, s1;
	s8 =	smul.u32 $0x13800, s25  }
0x7: {  	s9 =	sadd.s32 $0x18800, s1;
	s10 =	sadd.s32 $0x66A00, s1;
	s12 =	smul.u32 $0x4E20, s25  }
0x8: {  	p0 =	seq.s32 s25, $0xF;
	s6 =	smul.u32 $0x138800, s2;
	s11 =	ssub.s32 $0x2, s2  }
0x9: {  	s5 =	sor.u32 s2, s5;
	s2 =	smul.u32 $0x2710, s2;
	s13 =	sshrl.u32 s11, $0x1  }
0xa: {  	s5 =	smul.u32 $0x2710, s5;
	s8 =	sadd.s32 s8, s6;
	s21 =	ssub.s32 s11, s13  }
0xb: {  	s6 =	sshrl.u32 s6, $0x3;
	s2 =	sadd.s32 s2, s12;
	s8 =	sshrl.u32 s8, $0x3  }
0xc: {  	s6 =	sadd.s32 $0x24900, s6;
	s5 =	sshrl.u32 s5, $0x3;
	s14 =	sadd.s32 $0xC8, s2  }
0xd: {  	s15 =	sadd.s32 $0xA0, s2;
	s19 =	sadd.s32 $0x78, s2;
	s20 =	sadd.s32 $0x50, s2  }
0xe: {  	s23 =	sshrl.u32 s2, $0x3;
	s24 =	sadd.s32 $0x28, s2;
	s12 =	smax.u32 s21, $0x1  }
0xf: {  	s13 =	sadd.s32 s9, s8;
	s9 =	sadd.s32 s9, s6;
	s8 =	sadd.s32 s10, s8  }
0x10: {  	s6 =	sadd.s32 s10, s6;
	s17 =	sshrl.u32 s15, $0x3;
	[dreg:$0x5] =	wrdreg s13  }
0x11: {  	s22 =	sshrl.u32 s20, $0x3;
	s26 =	sshrl.u32 s24, $0x3;
	[dreg:$0x6] =	wrdreg s9  }
0x12: {  	s10 =	smul.u32 $0x4E000, s25;
	s9 =	sadd.s32 s7, s5;
	[dreg:$0x8] =	wrdreg s8  }
0x13: {  	s5 =	sshrl.u32 s14, $0x3;
	[dreg:$0x9] =	wrdreg s6;
	s18 =	sadd.s32 s17, s7  }
0x14: {  	s6 =	sadd.s32 s17, s4;
	s15 =	sadd.s32 s22, s7;
	s17 =	sadd.s32 s23, s7  }
0x15: {  	s8 =	sadd.s32 $0x140, s2;
	s20 =	sadd.s32 s26, s7;
	s2 =	sadd.s32 $0xF0, s2  }
0x16: {  	s16 =	sadd.s32 s5, s7;
	s5 =	sadd.s32 s5, s4;
	[dreg:$0xc] =	wrdreg s18  }
0x17: {  	[dreg:$0xd] =	wrdreg s6;
	s18 =	sadd.s32 s23, s4;
	s2 =	sshrl.u32 s2, $0x3  }
0x18: {  	s11 =	sshrl.u32 s10, $0x2;
	s25 =	sadd.s32 $0xA, s9;
	[dreg:$0xa] =	wrdreg s16  }
0x19: {  	s6 =	simm.s32 $0x1B880;
	[dreg:$0xb] =	wrdreg s5;
	s5 =	sshrl.u32 s19, $0x3  }
0x1a: {  	s16 =	sadd.s32 s22, s4;
	s19 =	sadd.s32 s26, s4;
	s22 =	rddreg [dreg:$0x3]  }
0x1b: {  	s24 =	sadd.s32 s2, s7;
	_ =	strace $0x80000047;
	[dreg:$0x10] =	wrdreg s12  }
0x1c: {  	s26 =	sadd.s32 $0x14, s9;
	s13 =	sadd.s32 s5, s7;
	[dreg:$0x12] =	wrdreg s25  }
0x1d: {  	s14 =	sadd.s32 s5, s4;
	s4 =	sshrl.u32 s8, $0x3;
	[dreg:$0x7] =	wrdreg s9  }
0x1e: {  	s21 =	sadd.s32 $0x124800, s22;
	[dreg:$0x13] =	wrdreg s26;
	s23 =	sadd.s32 s4, s7  }
0x1f: {  	s7 =	sadd.s32 $0x16000, s1;
	s1 =	sadd.s32 s11, s22;
	[dreg:$0x11] =	wrdreg s21  }
0x20: {  	s5 =	simm.s32 $0x4;
	s26 =	simm.s32 $0x13;
	[dreg:$0xf] =	wrdreg s1  }
0x21: {  	s25 =	simm.s32 $0xE;
	s4 =	simm.s32 $0x0;
	[dreg:$0xe] =	wrdreg s7  }
.LBB2_1:
0x22: {  	s1 =	rddreg [dreg:$0x11]  }
0x23: {  	[dreg:$0x14] =	wrdreg s4;
	s2 =	sshrl.u32 @p0 s1, $0x3  }
0x24: {  	s1 =	simm.s32 @p0 $0x1FD3;
	[dreg:$0x15] =	wrdreg s2  }
0x25: {  	[spmem:s2], [sflag:s1] =	dma.local @p0 [hbm:s7], $0x2800  }
0x26: {  	s1 =	simm.s32 @p0 $0x13  }
0x27: {  	s2 =	stileid.u32;
	_ =	swait.ge @p0 [sflag:s1], $0x2800  }
0x28: {  	s4 =	sshll.u32 @!p0 s2, $0x6;
	[sflag:s1] =	ssyncset.done @p0 $0x0  }
0x29: {  	s2 =	sor.u32 @!p0 $0x1C13, s4;
	[sflag:s1] =	ssyncadd.s32 @p0 $0xFFFFD800;
	s1 =	rddreg [dreg:$0xf]  }
0x2a: {  	[dreg:$0x16] =	wrdreg s2;
	s1 =	sshrl.u32 @!p0 s1, $0x3  }
0x2b: {  	[dreg:$0x17] =	wrdreg s1  }
0x2c: {  	[spmem:s1], [sflag:s2] =	dma.local @!p0 [hbm:s7], $0x2700  }
0x2d: {  	s1 =	simm.s32 @!p0 $0x13  }
.Ltmp0:
0x2e: {  	_ =	swait.ge @!p0 [sflag:s1], $0x2700;
	(pc) =	sbr.rel .LBB2_2-.Ltmp0, $4  }
0x2f: {  	[sflag:s1] =	ssyncset.done @!p0 $0x0  }
0x30: {  	[sflag:s1] =	ssyncadd.s32 @!p0 $0xFFFFD900  }
0x31: {  	[bflag:$0x0] =	sbarrier.arrive $0xFFFF  }
0x32: {  	s4 =	simm.s32 $0x0;
	s7 =	simm.s32 $0x0;
	s1 =	simm.s32 $0x1  }
.LBB2_4:
0x33: {  	s4 =	sadd.s32 $0x1E, s4  }
0x34: {  	p1 =	sne.s32 s4, $0x528  }
.Ltmp1:
0x35: {  	_ = 	snop;
	(pc) =	sbr.rel @!p1 .LBB2_5-.Ltmp1, $2  }
0x36: {  	_ =	sdelay $0x2  }
0x37: {  	s7 =	sadd.s32 $0x1, s7;
	s1 =	sadd.s32 $0x6, s1  }
.LBB2_2:
0x38: {  	s8 =	sadd.s32 $0xFFFFFFF9, s1  }
0x39: {  	p1 =	sgt.u32 s8, $0xF9  }
0x3a: {  	s8 =	simm.s32 @!p1 $0xE  }
0x3b: {  	s9 =	sadd.s32 $0xFFFFFFFB, s1;
	_ =	swait.ge @!p1 [sflag:s8], $0x1400  }
0x3c: {  	p3 =	sgt.u32 s9, $0xF9;
	[sflag:s8] =	ssyncset.done @!p1 $0x0  }
0x3d: {  	[sflag:s8] =	ssyncadd.s32 @!p1 $0xFFFFEC00;
	s8 =	simm.s32 @!p3 $0x9  }
0x3e: {  	s21 =	sadd.s32 $0xFFFFFFFD, s1;
	_ =	swait.ge @!p3 [sflag:s8], $0x1400  }
0x3f: {  	s9 =	simm.s32 @!p3 $0x500;
	s10 =	simm.s32 @!p3 $0x3000;
	[sflag:s8] =	ssyncset.done @!p3 $0x0  }
0x40: {  	p1 =	sgt.u32 s21, $0xF9;
	[sflag:s8] =	ssyncadd.s32 @!p3 $0xFFFFEC00;
	s8 =	simm.s32 @!p3 $0x28  }
0x41: {  	[spmem:s22] =	stream.indirect.scatter.add.f32 @!p3 [tilespmem:s10], [sflag:$0xF], $0x80, s9, s8, $0xb8;
	[tilespmem:$0x1E180] =	vst v63  }
0x42: {  	s8 =	simm.s32 @!p1 $0x6  }
0x43: {  	_ =	swait.ge @!p1 [sflag:s8], $0x28  }
0x44: {  	[sflag:s8] =	ssyncset.done @!p1 $0x0  }
0x45: {  	[sflag:s8] =	ssyncadd.s32 @!p1 $0xFFFFFFD8  }
0x46: {  	p2 =	sgt.u32 s7, $0x29;
	_ =	swait.ge @!p1 [sflag:s8], $0x28  }
0x47: {  	p4 =	seq.s32 s4, $0x0;
	s9 =	simm.s32 @!p1 $0x28;
	[sflag:s8] =	ssyncset.done @!p1 $0x0  }
0x48: {  	s10 =	simm.s32 @!p1 $0x6C00;
	[sflag:s8] =	ssyncadd.s32 @!p1 $0xFFFFFFD8;
	s8 =	simm.s32 @!p1 $0x280  }
0x49: {  	[tilespmem:s10], [sflag:$0xC] =	stream.indirect.gather @!p1 [hbm4b:s0+s9], $0x80, s8, s9, $0xb8;
	[tilespmem:$0x1E180] =	vst v63  }
0x4a: {  	s11 =	sadd.s32 @!p2 s4, s18;
	p5 =	sgt.u32 @!p4 s1, $0xFE;
	s8 =	simm.s32 @!p2 $0x0  }
0x4b: {  	[tilespmem:s8], [sflag:$0x1] =	stream.linear.gather @!p2 [hbm4b:s11+s8], $0x28, $0x38;
	[tilespmem:$0x1E180] =	vst v63  }
0x4c: {  	s12 =	simm.s32 @!p2 $0x400;
	p4 =	por p5, p4;
	s11 =	sadd.s32 @!p2 s4, s17  }
0x4d: {  	[tilespmem:s12], [sflag:$0x1] =	stream.linear.gather @!p2 [hbm4b:s11+s8], $0x28, $0x38;
	[tilespmem:$0x1E180] =	vst v63  }
0x4e: {  	p5 =	seq.s32 s7, $0x0;
	s11 =	simm.s32 @!p4 $0xF  }
0x4f: {  	p6 =	seq.s32 @!p5 s7, $0x2B;
	_ =	swait.ge @!p4 [sflag:s11], $0x1400  }
0x50: {  	p5 =	por p6, p5;
	[sflag:s11] =	ssyncset.done @!p4 $0x0  }
0x51: {  	[sflag:s11] =	ssyncadd.s32 @!p4 $0xFFFFEC00;
	s11 =	simm.s32 @!p5 $0xA  }
0x52: {  	_ =	swait.ge @!p5 [sflag:s11], $0x1400  }
0x53: {  	s2 =	simm.s32 @!p5 $0x4400;
	s12 =	simm.s32 @!p5 $0x580;
	[sflag:s11] =	ssyncset.done @!p5 $0x0  }
0x54: {  	p4 =	sgt.u32 s1, $0xFA;
	[sflag:s11] =	ssyncadd.s32 @!p5 $0xFFFFEC00;
	s11 =	simm.s32 @!p5 $0x28  }
0x55: {  	[spmem:s22] =	stream.indirect.scatter.add.f32 @!p5 [tilespmem:s2], [sflag:$0x10], $0x80, s12, s11, $0xb8;
	[tilespmem:$0x1E180] =	vst v63  }
0x56: {  	s2 =	simm.s32 @!p4 $0x1  }
0x57: {  	_ =	swait.ge @!p4 [sflag:s2], $0x28  }
0x58: {  	[sflag:s2] =	ssyncset.done @!p4 $0x0  }
0x59: {  	[sflag:s2] =	ssyncadd.s32 @!p4 $0xFFFFFFD8  }
0x5a: {  	_ =	swait.ge @!p4 [sflag:s2], $0x28  }
0x5b: {  	s11 =	simm.s32 @!p4 $0x0;
	[sflag:s2] =	ssyncset.done @!p4 $0x0  }
0x5c: {  	s12 =	simm.s32 @!p4 $0x800;
	[sflag:s2] =	ssyncadd.s32 @!p4 $0xFFFFFFD8;
	s2 =	simm.s32 @!p4 $0x28  }
0x5d: {  	[tilespmem:s12], [sflag:$0x7] =	stream.indirect.gather @!p4 [hbm4b:s0+s2], $0x80, s11, s2, $0xb8;
	[tilespmem:$0x1E180] =	vst v63  }
0x5e: {  	s2 =	sadd.s32 @!p2 s4, s19;
	s11 =	simm.s32 @!p2 $0x80  }
0x5f: {  	[tilespmem:s11], [sflag:$0x2] =	stream.linear.gather @!p2 [hbm4b:s2+s8], $0x28, $0x38;
	[tilespmem:$0x1E180] =	vst v63  }
0x60: {  	s12 =	simm.s32 @!p2 $0x480;
	s2 =	sadd.s32 @!p2 s4, s20  }
0x61: {  	[tilespmem:s12], [sflag:$0x2] =	stream.linear.gather @!p2 [hbm4b:s2+s8], $0x28, $0x38;
	[tilespmem:$0x1E180] =	vst v63  }
0x62: {  	s2 =	simm.s32 @!p3 $0x10  }
0x63: {  	_ =	swait.ge @!p3 [sflag:s2], $0x1400  }
0x64: {  	[sflag:s2] =	ssyncset.done @!p3 $0x0  }
0x65: {  	[sflag:s2] =	ssyncadd.s32 @!p3 $0xFFFFEC00;
	s2 =	simm.s32 @!p1 $0xB  }
0x66: {  	_ =	swait.ge @!p1 [sflag:s2], $0x1400  }
0x67: {  	[sflag:s2] =	ssyncset.done @!p1 $0x0  }
0x68: {  	s12 =	simm.s32 @!p1 $0x5800;
	[sflag:s2] =	ssyncadd.s32 @!p1 $0xFFFFEC00;
	s2 =	simm.s32 @!p1 $0x600  }
0x69: {  	[spmem:s22] =	stream.indirect.scatter.add.f32 @!p1 [tilespmem:s12], [sflag:$0x11], $0x80, s2, s9, $0xb8;
	[tilespmem:$0x1E180] =	vst v63  }
0x6a: {  	s2 =	simm.s32 @!p2 $0x2  }
0x6b: {  	_ =	swait.ge @!p2 [sflag:s2], $0x28  }
0x6c: {  	[sflag:s2] =	ssyncset.done @!p2 $0x0  }
0x6d: {  	[sflag:s2] =	ssyncadd.s32 @!p2 $0xFFFFFFD8  }
0x6e: {  	_ =	swait.ge @!p2 [sflag:s2], $0x28  }
0x6f: {  	[sflag:s2] =	ssyncset.done @!p2 $0x0  }
0x70: {  	s12 =	simm.s32 @!p2 $0x1C00;
	[sflag:s2] =	ssyncadd.s32 @!p2 $0xFFFFFFD8;
	s2 =	simm.s32 @!p2 $0x28  }
0x71: {  	[tilespmem:s12], [sflag:$0x8] =	stream.indirect.gather @!p2 [hbm4b:s0+s2], $0x80, s11, s2, $0xb8;
	[tilespmem:$0x1E180] =	vst v63  }
0x72: {  	s11 =	sadd.s32 @!p2 s4, s16;
	s12 =	simm.s32 @!p2 $0x100  }
0x73: {  	[tilespmem:s12], [sflag:$0x3] =	stream.linear.gather @!p2 [hbm4b:s11+s8], $0x28, $0x38;
	[tilespmem:$0x1E180] =	vst v63  }
0x74: {  	s21 =	simm.s32 @!p2 $0x500;
	s11 =	sadd.s32 @!p2 s4, s15  }
0x75: {  	[tilespmem:s21], [sflag:$0x3] =	stream.linear.gather @!p2 [hbm4b:s11+s8], $0x28, $0x38;
	[tilespmem:$0x1E180] =	vst v63  }
0x76: {  	s11 =	simm.s32 @!p1 $0x11  }
0x77: {  	_ =	swait.ge @!p1 [sflag:s11], $0x1400  }
0x78: {  	[sflag:s11] =	ssyncset.done @!p1 $0x0  }
0x79: {  	[sflag:s11] =	ssyncadd.s32 @!p1 $0xFFFFEC00;
	s11 =	simm.s32 @!p1 $0xC  }
0x7a: {  	_ =	swait.ge @!p1 [sflag:s11], $0x1400  }
0x7b: {  	[sflag:s11] =	ssyncset.done @!p1 $0x0  }
0x7c: {  	[sflag:s11] =	ssyncadd.s32 @!p1 $0xFFFFEC00;
	s11 =	simm.s32 @!p1 $0x680  }
0x7d: {  	[spmem:s22] =	stream.indirect.scatter.add.f32 @!p1 [tilespmem:s10], [sflag:$0x12], $0x80, s11, s9, $0xb8;
	[tilespmem:$0x1E180] =	vst v63  }
0x7e: {  	s9 =	simm.s32 @!p2 $0x3  }
0x7f: {  	_ =	swait.ge @!p2 [sflag:s9], $0x28  }
0x80: {  	[sflag:s9] =	ssyncset.done @!p2 $0x0  }
0x81: {  	[sflag:s9] =	ssyncadd.s32 @!p2 $0xFFFFFFD8  }
0x82: {  	_ =	swait.ge @!p2 [sflag:s9], $0x28  }
0x83: {  	[sflag:s9] =	ssyncset.done @!p2 $0x0  }
0x84: {  	[sflag:s9] =	ssyncadd.s32 @!p2 $0xFFFFFFD8;
	s9 =	simm.s32 @!p2 $0x3000  }
0x85: {  	[tilespmem:s9], [sflag:$0x9] =	stream.indirect.gather @!p2 [hbm4b:s0+s2], $0x80, s12, s2, $0xb8;
	[tilespmem:$0x1E180] =	vst v63  }
0x86: {  	s2 =	sadd.s32 @!p2 s4, s14;
	s9 =	simm.s32 @!p2 $0x180  }
0x87: {  	[tilespmem:s9], [sflag:$0x4] =	stream.linear.gather @!p2 [hbm4b:s2+s8], $0x28, $0x38;
	[tilespmem:$0x1E180] =	vst v63  }
0x88: {  	s2 =	sadd.s32 @!p2 s4, s13;
	s9 =	simm.s32 @!p2 $0x580  }
0x89: {  	[tilespmem:s9], [sflag:$0x4] =	stream.linear.gather @!p2 [hbm4b:s2+s8], $0x28, $0x38;
	[tilespmem:$0x1E180] =	vst v63  }
.Ltmp2:
0x8a: {  	_ = 	snop;
	(pc) =	sbr.rel @p2 .LBB2_4-.Ltmp2, $4  }
0x8b: {  	s2 =	simm.s32 @!p1 $0x12  }
0x8c: {  	_ =	swait.ge @!p1 [sflag:s2], $0x1400  }
0x8d: {  	[sflag:s2] =	ssyncset.done @!p1 $0x0  }
0x8e: {  	[sflag:s2] =	ssyncadd.s32 @!p1 $0xFFFFEC00  }
0x8f: {  	s2 =	simm.s32 $0x7  }
0x90: {  	_ =	swait.ge [sflag:s2], $0x1400  }
0x91: {  	s11 =	simm.s32 $0x28;
	[sflag:s2] =	ssyncset.done $0x0  }
0x92: {  	s8 =	simm.s32 $0x400;
	s9 =	simm.s32 $0x800;
	[sflag:s2] =	ssyncadd.s32 $0xFFFFEC00  }
0x93: {  	[spmem:s22] =	stream.indirect.scatter.add.f32 [tilespmem:s9], [sflag:$0xD], $0x80, s8, s11, $0xb8;
	[tilespmem:$0x1E180] =	vst v63  }
0x94: {  	_ =	swait.ge [sflag:s5], $0x28  }
0x95: {  	[sflag:s5] =	ssyncset.done $0x0  }
0x96: {  	[sflag:s5] =	ssyncadd.s32 $0xFFFFFFD8  }
0x97: {  	_ =	swait.ge [sflag:s5], $0x28  }
0x98: {  	s12 =	simm.s32 $0x180;
	p1 =	seq.s32 s4, $0x4CE;
	[sflag:s5] =	ssyncset.done $0x0  }
0x99: {  	s21 =	simm.s32 $0x4400;
	s2 =	simm.s32 @p1 $0xD;
	[sflag:s5] =	ssyncadd.s32 $0xFFFFFFD8  }
0x9a: {  	[tilespmem:s21], [sflag:$0xA] =	stream.indirect.gather [hbm4b:s0+s11], $0x80, s12, s11, $0xb8;
	[tilespmem:$0x1E180] =	vst v63  }
0x9b: {  	_ =	swait.ge @p1 [sflag:s2], $0x1400  }
0x9c: {  	[sflag:s2] =	ssyncset.done @p1 $0x0  }
0x9d: {  	[sflag:s2] =	ssyncadd.s32 @p1 $0xFFFFEC00;
	s2 =	simm.s32 @p1 $0x8  }
0x9e: {  	_ =	swait.ge @p1 [sflag:s2], $0x1400  }
0x9f: {  	s8 =	simm.s32 @p1 $0x480;
	[sflag:s2] =	ssyncset.done @p1 $0x0  }
0xa0: {  	s9 =	simm.s32 @p1 $0x1C00;
	[sflag:s2] =	ssyncadd.s32 @p1 $0xFFFFEC00;
	s2 =	simm.s32 @p1 $0x28  }
0xa1: {  	[spmem:s22] =	stream.indirect.scatter.add.f32 @p1 [tilespmem:s9], [sflag:$0xE], $0x80, s8, s2, $0xb8;
	[tilespmem:$0x1E180] =	vst v63  }
0xa2: {  	s2 =	rddreg [dreg:$0xd]  }
0xa3: {  	s8 =	simm.s32 @!p1 $0x0;
	s9 =	simm.s32 @!p1 $0x200;
	s2 =	sadd.s32 @!p1 s4, s2  }
0xa4: {  	[tilespmem:s9], [sflag:$0x5] =	stream.linear.gather @!p1 [hbm4b:s2+s8], $0x28, $0x38;
	[tilespmem:$0x1E180] =	vst v63  }
0xa5: {  	s2 =	rddreg [dreg:$0xc]  }
0xa6: {  	s10 =	simm.s32 @!p1 $0x600;
	s2 =	sadd.s32 @!p1 s4, s2  }
0xa7: {  	[tilespmem:s10], [sflag:$0x5] =	stream.linear.gather @!p1 [hbm4b:s2+s8], $0x28, $0x38;
	[tilespmem:$0x1E180] =	vst v63  }
0xa8: {  	s2 =	simm.s32 @!p1 $0xD  }
0xa9: {  	_ =	swait.ge @!p1 [sflag:s2], $0x1400  }
0xaa: {  	[sflag:s2] =	ssyncset.done @!p1 $0x0  }
0xab: {  	[sflag:s2] =	ssyncadd.s32 @!p1 $0xFFFFEC00;
	s2 =	simm.s32 @!p1 $0x8  }
0xac: {  	_ =	swait.ge @!p1 [sflag:s2], $0x1400  }
0xad: {  	s11 =	simm.s32 @!p1 $0x1C00;
	[sflag:s2] =	ssyncset.done @!p1 $0x0  }
0xae: {  	s10 =	simm.s32 @!p1 $0x480;
	[sflag:s2] =	ssyncadd.s32 @!p1 $0xFFFFEC00;
	s2 =	simm.s32 @!p1 $0x28  }
0xaf: {  	[spmem:s22] =	stream.indirect.scatter.add.f32 @!p1 [tilespmem:s11], [sflag:$0xE], $0x80, s10, s2, $0xb8;
	[tilespmem:$0x1E180] =	vst v63  }
0xb0: {  	s10 =	simm.s32 @!p1 $0x5  }
0xb1: {  	_ =	swait.ge @!p1 [sflag:s10], $0x28  }
0xb2: {  	[sflag:s10] =	ssyncset.done @!p1 $0x0  }
0xb3: {  	[sflag:s10] =	ssyncadd.s32 @!p1 $0xFFFFFFD8  }
0xb4: {  	_ =	swait.ge @!p1 [sflag:s10], $0x28  }
0xb5: {  	[sflag:s10] =	ssyncset.done @!p1 $0x0  }
0xb6: {  	[sflag:s10] =	ssyncadd.s32 @!p1 $0xFFFFFFD8;
	s10 =	simm.s32 @!p1 $0x5800  }
0xb7: {  	[tilespmem:s10], [sflag:$0xB] =	stream.indirect.gather @!p1 [hbm4b:s0+s2], $0x80, s9, s2, $0xb8;
	[tilespmem:$0x1E180] =	vst v63  }
0xb8: {  	s2 =	rddreg [dreg:$0xb]  }
.Ltmp3:
0xb9: {  	s9 =	simm.s32 @!p1 $0x280;
	s2 =	sadd.s32 @!p1 s4, s2;
	(pc) =	sbr.rel .LBB2_4-.Ltmp3, $4  }
0xba: {  	[tilespmem:s9], [sflag:$0x6] =	stream.linear.gather @!p1 [hbm4b:s2+s8], $0x28, $0x38;
	[tilespmem:$0x1E180] =	vst v63  }
0xbb: {  	s2 =	rddreg [dreg:$0xa]  }
0xbc: {  	s9 =	simm.s32 @!p1 $0x680;
	s2 =	sadd.s32 @!p1 s4, s2  }
0xbd: {  	[tilespmem:s9], [sflag:$0x6] =	stream.linear.gather @!p1 [hbm4b:s2+s8], $0x28, $0x38;
	[tilespmem:$0x1E180] =	vst v63  }
.LBB2_5:
0xbe: {  	[bflag:$0x0] =	sbarrier.arrive $0xFFFF  }
0xbf: {  	s2 =	rddreg [dreg:$0x6]  }
0xc0: {  	s1 =	simm.s32 @p0 $0x1FD3;
	s8 =	rddreg [dreg:$0x15]  }
0xc1: {  	[hbm:s2], [sflag:s1] =	dma.local @p0 [spmem:s8], $0x2800  }
0xc2: {  	s2 =	simm.s32 @p0 $0x13  }
0xc3: {  	_ =	swait.ge @p0 [sflag:s2], $0x2800  }
0xc4: {  	s4 =	rddreg [dreg:$0x5]  }
0xc5: {  	[sflag:s2] =	ssyncset.done @p0 $0x0;
	s9 =	rddreg [dreg:$0x16]  }
0xc6: {  	s10 =	rddreg [dreg:$0x17];
	[sflag:s2] =	ssyncadd.s32 @p0 $0xFFFFD800  }
0xc7: {  	[hbm:s4], [sflag:s9] =	dma.local @!p0 [spmem:s10], $0x2700  }
0xc8: {  	s4 =	simm.s32 @!p0 $0x13  }
0xc9: {  	_ =	swait.ge @!p0 [sflag:s4], $0x2700  }
0xca: {  	[sflag:s4] =	ssyncset.done @!p0 $0x0  }
0xcb: {  	[sflag:s4] =	ssyncadd.s32 @!p0 $0xFFFFD900  }
0xcc: {  	s7 =	rddreg [dreg:$0x2]  }
0xcd: {  	[tilespmem:s6], [sflag:$0x13] =	stream.linear.gather [hbm4b:s7+s3], $0x2800, $0x38;
	[tilespmem:$0x1E180] =	vst v63  }
0xce: {  	_ =	swait.ge [sflag:s26], $0x2800  }
0xcf: {  	[sflag:s26] =	ssyncset.done $0x0  }
0xd0: {  	[sflag:s26] =	ssyncadd.s32 $0xFFFFD800  }
0xd1: {  	[bflag:$0x0] =	sbarrier.arrive $0xFFFF  }
0xd2: {  	s7 =	rddreg [dreg:$0xe]  }
0xd3: {  	[spmem:s8], [sflag:s1] =	dma.local @p0 [hbm:s7], $0x2800  }
0xd4: {  	_ =	swait.ge @p0 [sflag:s2], $0x2800  }
0xd5: {  	[sflag:s2] =	ssyncset.done @p0 $0x0  }
0xd6: {  	[sflag:s2] =	ssyncadd.s32 @p0 $0xFFFFD800  }
0xd7: {  	[spmem:s10], [sflag:s9] =	dma.local @!p0 [hbm:s7], $0x2700  }
0xd8: {  	_ =	swait.ge @!p0 [sflag:s4], $0x2700  }
0xd9: {  	[sflag:s4] =	ssyncset.done @!p0 $0x0  }
0xda: {  	[sflag:s4] =	ssyncadd.s32 @!p0 $0xFFFFD900  }
0xdb: {  	[bflag:$0x0] =	sbarrier.arrive $0xFFFF  }
0xdc: {  	s12 =	simm.s32 $0x0;
	s21 =	rddreg [dreg:$0x7]  }
0xdd: {  	[tilespmem:s28], [sflag:$0x13] =	stream.linear.gather [hbm4b:s21+s12], $0x50, $0x38;
	[tilespmem:$0x1E180] =	vst v63  }
0xde: {  	_ =	swait.ge [sflag:s26], $0x50  }
0xdf: {  	[sflag:s26] =	ssyncset.done $0x0  }
0xe0: {  	[sflag:s26] =	ssyncadd.s32 $0xFFFFFFB0  }
0xe1: {  	[spmem:s22] =	stream.indirect.scatter.add.f32 [tilespmem:s6], [sflag:$0xD], $0x80, s28, s29, $0xb8;
	[tilespmem:$0x1E180] =	vst v63  }
0xe2: {  	s4 =	rddreg [dreg:$0x12]  }
0xe3: {  	[tilespmem:s30], [sflag:$0x13] =	stream.linear.gather [hbm4b:s4+s12], $0x50, $0x38;
	[tilespmem:$0x1E180] =	vst v63  }
0xe4: {  	_ =	swait.ge [sflag:s26], $0x50  }
0xe5: {  	[sflag:s26] =	ssyncset.done $0x0  }
0xe6: {  	[sflag:s26] =	ssyncadd.s32 $0xFFFFFFB0  }
0xe7: {  	[spmem:s22] =	stream.indirect.scatter.add.f32 [tilespmem:s6], [sflag:$0xE], $0x80, s30, s29, $0xb8;
	[tilespmem:$0x1E180] =	vst v63  }
0xe8: {  	_ =	swait.ge [sflag:s31], $0x2800  }
0xe9: {  	[sflag:s31] =	ssyncset.done $0x0  }
0xea: {  	s11 =	rddreg [dreg:$0x13];
	[sflag:s31] =	ssyncadd.s32 $0xFFFFD800  }
0xeb: {  	[tilespmem:s28], [sflag:$0x13] =	stream.linear.gather [hbm4b:s11+s12], $0x50, $0x38;
	[tilespmem:$0x1E180] =	vst v63  }
0xec: {  	_ =	swait.ge [sflag:s26], $0x50  }
0xed: {  	[sflag:s26] =	ssyncset.done $0x0  }
0xee: {  	[sflag:s26] =	ssyncadd.s32 $0xFFFFFFB0  }
0xef: {  	[spmem:s22] =	stream.indirect.scatter.add.f32 [tilespmem:s6], [sflag:$0xD], $0x80, s28, s29, $0xb8;
	[tilespmem:$0x1E180] =	vst v63  }
0xf0: {  	_ =	swait.ge [sflag:s25], $0x2800  }
0xf1: {  	[sflag:s25] =	ssyncset.done $0x0  }
0xf2: {  	s12 =	sadd.s32 $0x0, s24;
	[sflag:s25] =	ssyncadd.s32 $0xFFFFD800  }
0xf3: {  	[tilespmem:s30], [sflag:$0x13] =	stream.linear.gather [hbm4b:s12+s3], $0x50, $0x38;
	[tilespmem:$0x1E180] =	vst v63  }
0xf4: {  	_ =	swait.ge [sflag:s26], $0x50  }
0xf5: {  	[sflag:s26] =	ssyncset.done $0x0  }
0xf6: {  	[sflag:s26] =	ssyncadd.s32 $0xFFFFFFB0  }
0xf7: {  	[spmem:s22] =	stream.indirect.scatter.add.f32 [tilespmem:s6], [sflag:$0xE], $0x80, s30, s29, $0xb8;
	[tilespmem:$0x1E180] =	vst v63  }
0xf8: {  	_ =	swait.ge [sflag:s31], $0x2800  }
0xf9: {  	[sflag:s31] =	ssyncset.done $0x0  }
0xfa: {  	s21 =	sadd.s32 $0x0, s23;
	[sflag:s31] =	ssyncadd.s32 $0xFFFFD800  }
0xfb: {  	[tilespmem:s28], [sflag:$0x13] =	stream.linear.gather [hbm4b:s21+s3], $0x50, $0x38;
	[tilespmem:$0x1E180] =	vst v63  }
0xfc: {  	_ =	swait.ge [sflag:s26], $0x50  }
0xfd: {  	s1 =	simm.s32 $0x14;
	[sflag:s26] =	ssyncset.done $0x0  }
.LBB2_6:
0xfe: {  	p1 =	sne.s32 s1, $0x4B0  }
0xff: {  	[sflag:s26] =	ssyncadd.s32 $0xFFFFFFB0;
	s2 =	smov.u32 s1;
	s1 =	sadd.s32 $0x14, s1  }
0x100: {  	[spmem:s22] =	stream.indirect.scatter.add.f32 [tilespmem:s6], [sflag:$0xD], $0x80, s28, s29, $0xb8;
	[tilespmem:$0x1E180] =	vst v63  }
0x101: {  	_ =	swait.ge [sflag:s25], $0x2800  }
0x102: {  	[sflag:s25] =	ssyncset.done $0x0  }
0x103: {  	s4 =	sadd.s32 s2, s24;
	[sflag:s25] =	ssyncadd.s32 $0xFFFFD800  }
0x104: {  	[tilespmem:s30], [sflag:$0x13] =	stream.linear.gather [hbm4b:s4+s3], $0x50, $0x38;
	[tilespmem:$0x1E180] =	vst v63  }
0x105: {  	_ =	swait.ge [sflag:s26], $0x50  }
0x106: {  	[sflag:s26] =	ssyncset.done $0x0  }
0x107: {  	[sflag:s26] =	ssyncadd.s32 $0xFFFFFFB0  }
0x108: {  	[spmem:s22] =	stream.indirect.scatter.add.f32 [tilespmem:s6], [sflag:$0xE], $0x80, s30, s29, $0xb8;
	[tilespmem:$0x1E180] =	vst v63  }
0x109: {  	_ =	swait.ge [sflag:s31], $0x2800  }
.Ltmp4:
0x10a: {  	[sflag:s31] =	ssyncset.done $0x0;
	(pc) =	sbr.rel @p1 .LBB2_6-.Ltmp4, $4  }
0x10b: {  	s2 =	sadd.s32 s2, s23;
	[sflag:s31] =	ssyncadd.s32 $0xFFFFD800  }
0x10c: {  	[tilespmem:s28], [sflag:$0x13] =	stream.linear.gather [hbm4b:s2+s3], $0x50, $0x38;
	[tilespmem:$0x1E180] =	vst v63  }
0x10d: {  	_ =	swait.ge [sflag:s26], $0x50  }
0x10e: {  	[sflag:s26] =	ssyncset.done $0x0  }
0x10f: {  	[sflag:s26] =	ssyncadd.s32 $0xFFFFFFB0  }
0x110: {  	[spmem:s22] =	stream.indirect.scatter.add.f32 [tilespmem:s6], [sflag:$0xD], $0x80, s28, s29, $0xb8;
	[tilespmem:$0x1E180] =	vst v63  }
0x111: {  	_ =	swait.ge [sflag:s25], $0x2800  }
0x112: {  	[sflag:s25] =	ssyncset.done $0x0  }
0x113: {  	[sflag:s25] =	ssyncadd.s32 $0xFFFFD800  }
0x114: {  	_ =	swait.ge [sflag:s31], $0x2800  }
0x115: {  	[sflag:s31] =	ssyncset.done $0x0  }
0x116: {  	[sflag:s31] =	ssyncadd.s32 $0xFFFFD800  }
0x117: {  	[bflag:$0x0] =	sbarrier.arrive $0xFFFF  }
0x118: {  	s1 =	simm.s32 @p0 $0x1FD3;
	s2 =	rddreg [dreg:$0x9]  }
0x119: {  	[hbm:s2], [sflag:s1] =	dma.local @p0 [spmem:s8], $0x2800  }
0x11a: {  	s1 =	simm.s32 @p0 $0x13  }
0x11b: {  	_ =	swait.ge @p0 [sflag:s1], $0x2800  }
0x11c: {  	[sflag:s1] =	ssyncset.done @p0 $0x0  }
0x11d: {  	[sflag:s1] =	ssyncadd.s32 @p0 $0xFFFFD800;
	s1 =	rddreg [dreg:$0x8]  }
0x11e: {  	[hbm:s1], [sflag:s9] =	dma.local @!p0 [spmem:s10], $0x2700  }
0x11f: {  	s1 =	simm.s32 @!p0 $0x13  }
0x120: {  	_ =	swait.ge @!p0 [sflag:s1], $0x2700  }
0x121: {  	s4 =	rddreg [dreg:$0x14]  }
0x122: {  	s21 =	rddreg [dreg:$0x10];
	s4 =	sadd.s32 $0x1, s4  }
0x123: {  	p1 =	sne.s32 s4, s21  }
.Ltmp5:
0x124: {  	_ = 	snop;
	(pc) =	sbr.rel @p1 .LBB2_1-.Ltmp5, $3  }
0x125: {  	_ =	sdelay $0x1  }
0x126: {  	[sflag:s1] =	ssyncset.done @!p0 $0x0  }
0x127: {  	[sflag:s1] =	ssyncadd.s32 @!p0 $0xFFFFD900  }
0x128: {  	_ =	sfence.sel $0x180000  }
0x129: {  	[bflag:$0x0] =	sbarrier.arrive $0xFFFF  }
0x12a: {  	_ =	strace $0x90000047  }
0x12b: {  	s0 =	stileid.u32;
	[bflag:$0x2] =	sbarrier.arrive $0xFFFF  }
0x12c: {  	p0 =	sne.s32 s0, $0x0;
	s0 =	rddreg [dreg:$0x4]  }
0x12d: {  	s0 =	sadd.s32 @!p0 $0x100000, s0  }
0x12e: {  	[sflag:s0] =	ssyncadd.tile.s32 @!p0 $0x1;
	_ =	shalt  }
.Lfunc_end2:
_tile_overlayer_lowered:
.L_overlay_start_2:
0x12f: {  	(tag) =	ssettag $0x2  }
0x130: {  	s0 =	rddreg [dreg:$0x0];
	s2 =	stileid.u32  }
0x131: {  	s1 =	rddreg [dreg:$0x1];
	p0 =	sne.s32 s2, $0x0  }
0x132: {  	s3 =	rddreg [dreg:$0x2];
	[bflag:$0x3] =	sbarrier.arrive $0xFFFF;
	s2 =	simm.s32 @!p0 $0x1C13  }
0x133: {  	[timem:s3], [sflag:s2] =	dma.local @!p0 [hbm:s0], s1  }
0x134: {  	s0 =	simm.s32 @!p0 $0x13  }
0x135: {  	_ =	swait.ge @!p0 [sflag:s0], s1  }
0x136: {  	s1 =	ssub.s32 @!p0 $0x0, s1;
	[sflag:s0] =	ssyncset.done @!p0 $0x0  }
0x137: {  	[sflag:s0] =	ssyncadd.s32 @!p0 s1  }
0x138: {  	[bflag:$0x3] =	sbarrier.arrive $0xFFFF  }
0x139: {  	_ =	shalt  }

// kernel: kernel.9.cloned.1.call-start
scs
__scs_entry_jumppad:
0x0: {  	(pc) =	sbr.rel $0x88, $3  }
0x1: {  	(tag) =	ssettag $0x0;
	lr =	simm.s32 $0x1  }
0x2: {  	[smem:$0x3F97] =	sst lr;
	_ =	strace $0xD0000000  }
0x3: {  	_ = 	snop  }
0x4: {  	_ = 	snop  }
0x5: {  	_ = 	snop  }
0x6: {  	_ = 	snop  }
0x7: {  	_ = 	snop  }
__scs_overlays_trampoline_lowered:
0x8: {  	[smem:$0x3FA6] =	sst s0  }
0x9: {  	[smem:$0x3FA7] =	sst s1  }
0xa: {  	[smem:$0x3FA8] =	sst s2  }
0xb: {  	[smem:$0x3FA9] =	sst s3  }
0xc: {  	[smem:$0x3FAA] =	sst s4  }
0xd: {  	[smem:$0x3FAB] =	sst s5  }
0xe: {  	[smem:$0x3FAC] =	sst s6  }
0xf: {  	[smem:$0x3FAD] =	sst s7  }
0x10: {  	[smem:$0x3FAE] =	sst s8  }
0x11: {  	[smem:$0x3FAF] =	sst s9;
	s0 =	simm.s32 @!p0 $0x0  }
0x12: {  	s1 =	sld [smem:$0x3F95];
	s0 =	simm.s32 @p0 $0x1  }
0x13: {  	[smem:$0x3FB0] =	sst s0;
	s0 =	simm.s32 @!p1 $0x0  }
0x14: {  	s2 =	sld [smem:$0x3F94];
	s0 =	simm.s32 @p1 $0x1  }
0x15: {  	[smem:$0x3FB1] =	sst s0;
	s0 =	simm.s32 @!p2 $0x0  }
0x16: {  	s3 =	sld [smem:$0x3FDB];
	s0 =	simm.s32 @p2 $0x1  }
0x17: {  	s4 =	simm.s32 $0x1BF5;
	[smem:$0x3FB3] =	sst s0  }
0x18: {  	s0 =	sld [smem:$0x3F96];
	_ =	swait.ge [sflag:s4], $0x0  }
0x19: {  	s7 =	sld [smem:$0x3F97]  }
0x1a: {  	s8 =	sadd.s32 $0xFFFFE003, lr  }
0x1b: {  	s9 =	sadd.s32 $0xFFFFFEF7, lr;
	s5 =	simm.s32 $0xFFFFFFFF;
	p2 =	slt.u32 s8, $0xFFFFF086  }
0x1c: {  	p1 =	slt.u32 s9, $0xF7A;
	s5 =	simm.s32 @!p2 $0x0  }
0x1d: {  	s5 =	simm.s32 @p1 $0x1;
	p0 =	seq.s32 s7, s2  }
0x1e: {  	s7 =	smul.u32 @!p0 $0xF7A, s2;
	p2 =	seq.s32 @!p0 s5, $0x0  }
0x1f: {  	s9 =	smul.u32 $0xF7A, s1;
	s8 =	simm.s32 @!p0 $0x1BF5;
	p2 =	por !p2, p0  }
0x20: {  	[sflag:s8] =	ssyncset.s32 @!p0 $0xFFFFF086;
	s6 =	sadd.s32 @!p0 s3, s7;
	s7 =	simm.s32 @!p0 $0x108  }
0x21: {  	s3 =	sadd.s32 s3, s9;
	s6 =	sadd.s32 @!p0 $0x88, s6;
	s7 =	simm.s32 @p2 $0x1082  }
0x22: {  	[simem:s7], [sflag:s8] =	dma.local @!p0 [hbm:s6], $0xF7A  }
0x23: {  	s9 =	sor.u32 $0xD0000000, s2;
	s6 =	simm.s32 $0x108;
	_ =	swait.ge @!p0 [sflag:s8], $0x0  }
0x24: {  	s3 =	sadd.s32 $0x88, s3;
	s6 =	simm.s32 @!p1 $0x1082;
	[sflag:s4] =	ssyncset.s32 $0xFFFFF086  }
0x25: {  	[simem:s6], [sflag:s4] =	dma.local [hbm:s3], $0xF7A  }
0x26: {  	[smem:$0x3F97] =	sst s1;
	(tag) =	ssettag s2;
	_ =	strace s9  }
0x27: {  	s1 =	sld [smem:$0x3FA7]  }
0x28: {  	s2 =	sld [smem:$0x3FA8]  }
0x29: {  	s4 =	sld [smem:$0x3FAA]  }
0x2a: {  	p0 =	seq.s32 s5, $0x0;
	s5 =	sld [smem:$0x3FAB]  }
0x2b: {  	s6 =	sld [smem:$0x3FAC]  }
0x2c: {  	s7 =	sld [smem:$0x3FAD]  }
0x2d: {  	s3 =	simm.s32 $0x108;
	s8 =	sld [smem:$0x3FAE]  }
0x2e: {  	s3 =	simm.s32 @!p0 $0x1082;
	s9 =	sld [smem:$0x3FAF]  }
0x2f: {  	lr =	sadd.s32 s0, s3;
	s0 =	sld [smem:$0x3FA6]  }
0x30: {  	s3 =	sld [smem:$0x3FA9]  }
0x31: {  	[smem:$0x3FB2] =	sst s10  }
0x32: {  	s10 =	sld [smem:$0x3FB0];
	_ =	sdelay $0x3  }
0x33: {  	p0 =	seq.s32 s10, $0x1;
	s10 =	sld [smem:$0x3FB2];
	_ =	sdelay $0x3  }
0x34: {  	[smem:$0x3FB2] =	sst s10  }
0x35: {  	s10 =	sld [smem:$0x3FB1];
	_ =	sdelay $0x3  }
0x36: {  	p1 =	seq.s32 s10, $0x1;
	s10 =	sld [smem:$0x3FB2];
	_ =	sdelay $0x3  }
0x37: {  	[smem:$0x3FB2] =	sst s10  }
0x38: {  	s10 =	sld [smem:$0x3FB3]  }
0x39: {  	_ = 	snop;
	(pc) =	sbr.ind lr, $3  }
0x3a: {  	_ = 	snop  }
0x3b: {  	_ = 	snop  }
0x3c: {  	p2 =	seq.s32 s10, $0x1;
	s10 =	sld [smem:$0x3FB2]  }
0x3d: {  	_ =	shalt  }
0x3e: {  	_ =	shalt  }
0x3f: {  	_ =	shalt  }
0x40: {  	_ =	shalt  }
0x41: {  	_ =	shalt  }
0x42: {  	_ =	shalt  }
0x43: {  	_ =	shalt  }
0x44: {  	_ =	shalt  }
0x45: {  	_ =	shalt  }
0x46: {  	_ =	shalt  }
0x47: {  	_ =	shalt  }
0x48: {  	_ =	shalt  }
0x49: {  	_ =	shalt  }
0x4a: {  	_ =	shalt  }
0x4b: {  	_ =	shalt  }
0x4c: {  	_ =	shalt  }
0x4d: {  	_ =	shalt  }
0x4e: {  	_ =	shalt  }
0x4f: {  	_ =	shalt  }
0x50: {  	_ =	shalt  }
0x51: {  	_ =	shalt  }
0x52: {  	_ =	shalt  }
0x53: {  	_ =	shalt  }
0x54: {  	_ =	shalt  }
0x55: {  	_ =	shalt  }
0x56: {  	_ =	shalt  }
0x57: {  	_ =	shalt  }
0x58: {  	_ =	shalt  }
0x59: {  	_ =	shalt  }
0x5a: {  	_ =	shalt  }
0x5b: {  	_ =	shalt  }
0x5c: {  	_ =	shalt  }
0x5d: {  	_ =	shalt  }
0x5e: {  	_ =	shalt  }
0x5f: {  	_ =	shalt  }
0x60: {  	_ =	shalt  }
0x61: {  	_ =	shalt  }
0x62: {  	_ =	shalt  }
0x63: {  	_ =	shalt  }
0x64: {  	_ =	shalt  }
0x65: {  	_ =	shalt  }
0x66: {  	_ =	shalt  }
0x67: {  	_ =	shalt  }
0x68: {  	_ =	shalt  }
0x69: {  	_ =	shalt  }
0x6a: {  	_ =	shalt  }
0x6b: {  	_ =	shalt  }
0x6c: {  	_ =	shalt  }
0x6d: {  	_ =	shalt  }
0x6e: {  	_ =	shalt  }
0x6f: {  	_ =	shalt  }
0x70: {  	_ =	shalt  }
0x71: {  	_ =	shalt  }
0x72: {  	_ =	shalt  }
0x73: {  	_ =	shalt  }
0x74: {  	_ =	shalt  }
0x75: {  	_ =	shalt  }
0x76: {  	_ =	shalt  }
0x77: {  	_ =	shalt  }
0x78: {  	_ =	shalt  }
0x79: {  	_ =	shalt  }
0x7a: {  	_ =	shalt  }
0x7b: {  	_ =	shalt  }
0x7c: {  	_ =	shalt  }
0x7d: {  	_ =	shalt  }
0x7e: {  	_ =	shalt  }
0x7f: {  	_ =	shalt  }
0x80: {  	_ =	shalt  }
0x81: {  	_ =	shalt  }
0x82: {  	_ =	shalt  }
0x83: {  	_ =	shalt  }
0x84: {  	_ =	shalt  }
0x85: {  	_ =	shalt  }
0x86: {  	_ =	shalt  }
0x87: {  	_ =	shalt  }
.Lfunc_end0:
.L_simem_size_0:
called_computation.1_lowered:
.L_overlay_start_0:
0x88: {  	s2 =	sld [smem:$0x3FD9]  }
0x89: {  	s3 =	sld [smem:$0x3FFE];
	_ =	sdelay $0x1  }
0x8a: {  	s1 =	srdreg.scid  }
0x8b: {  	s0 =	sand.u32 $0x1, s1  }
0x8c: {  	s17 =	sshll.u32 s0, $0xA;
	s2 =	sadd.s32 s3, s2  }
0x8d: {  	s2 =	sadd.s32 s2, s17  }
0x8e: {  	[smem:$0x3FBE] =	sst s2  }
0x8f: {  	_ = 	snop  }
0x90: {  	s2 =	sld [smem:$0x3FD0];
	(tm) =	ssettm $0x1  }
0x91: {  	s18 =	sld [smem:$0x3FFB];
	_ =	sdelay $0x3  }
0x92: {  	_ =	strace s18  }
0x93: {  	s3 =	sld [smem:$0x3FFC];
	_ =	sdelay $0x3  }
0x94: {  	_ =	strace s3  }
0x95: {  	s3 =	sld [smem:$0x3FFD];
	_ =	sdelay $0x3  }
0x96: {  	_ =	strace s3  }
0x97: {  	_ =	strace $0x8FFFFFFF  }
0x98: {  	s19 =	sld [smem:$0x3FDB];
	_ =	sdelay $0x1  }
0x99: {  	s4 =	simm.s32 $_scs_section_size  }
0x9a: {  	s5 =	simm.s32 $_size__tile_overlayer_lowered;
	s6 =	simm.s32 $_tile_overlayer_lowered  }
0x9b: {  	s22 =	simm.s32 $0x1BFF;
	s21 =	sshll.u32 s6, $0x1;
	s3 =	sadd.s32 s4, s19  }
0x9c: {  	s7 =	simm.s32 $0x0;
	s20 =	sshll.u32 s5, $0x1;
	s5 =	sadd.s32 s21, s3  }
0x9d: {  	[timem:s7], [sflag:s22] =	dma.local [hbm:s5], s20  }
0x9e: {  	_ =	swait.ge [sflag:s22], s20  }
0x9f: {  	s4 =	ssub.s32 $0x0, s20;
	[sflag:s22] =	ssyncset.done $0x0  }
0xa0: {  	[sflag:s22] =	ssyncadd.s32 s4;
	_ =	sdelay $0x1  }
0xa1: {  	s23 =	simm.s32 $0x1B8B  }
0xa2: {  	_ =	swait.ge [sflag:s23], $0x1  }
0xa3: {  	[sflag:s23] =	ssyncset.done $0x0  }
0xa4: {  	s25 =	simm.s32 $0x1B8E;
	s24 =	sld [smem:$0x3FFE];
	[sflag:s23] =	ssyncadd.s32 $0xFFFFFFFF  }
0xa5: {  	s26 =	simm.s32 $execute0_lowered;
	[smem:$0x3FD2] =	sst s25  }
0xa6: {  	s5 =	sshll.u32 s26, $0x1;
	_ =	strace $0x80000049;
	[dreg:$0x1] =	wrdreg $0xFFFFFFFF  }
0xa7: {  	s28 =	simm.s32 $_size_execute0_lowered;
	s3 =	sadd.s32 s3, s5;
	[dreg:$0x0] =	wrdreg $0x0  }
0xa8: {  	s5 =	sshll.u32 s28, $0x1;
	[dreg:$0x2] =	wrdreg s3  }
0xa9: {  	[dreg:$0x3] =	wrdreg s5  }
0xaa: {  	[dreg:$0x4] =	wrdreg $0xC0  }
0xab: {  	_ =	task [dreg:s7], $0x5FFFF  }
0xac: {  	[dreg:$0x1] =	wrdreg $0xFFFFFFFF  }
0xad: {  	[dreg:$0x0] =	wrdreg $0x60  }
0xae: {  	[dreg:$0x2] =	wrdreg s2  }
0xaf: {  	[dreg:$0x3] =	wrdreg s24  }
0xb0: {  	[dreg:$0x4] =	wrdreg $0x80000  }
0xb1: {  	[dreg:$0x5] =	wrdreg $0x9  }
0xb2: {  	_ =	task.clear_ibuf [dreg:s7], $0x6FFFF;
	_ =	strace $0x90000049  }
0xb3: {  	s29 =	simm.s32 $0x9;
	_ =	strace $0x8000004B  }
0xb4: {  	_ =	swait.ge [sflag:s29], $0x1  }
0xb5: {  	[sflag:s29] =	ssyncadd.s32 $0xFFFFFFFF  }
0xb6: {  	_ =	strace $0x9000004B  }
0xb7: {  	_ =	sfence  }
0xb8: {  	s30 =	sld [smem:$0x0];
	_ =	sdelay $0x2  }
0xb9: {  	s31 =	sshll.u32 s1, $0xD;
	s1 =	sshrl.u32 s1, $0x2  }
0xba: {  	s3 =	sand.u32 $0x4000, s31;
	s1 =	sadd.s32 s1, s30  }
0xbb: {  	s0 =	sor.u32 s3, s0;
	s1 =	sshll.u32 s1, $0x11  }
0xbc: {  	s0 =	sor.u32 s1, s0  }
0xbd: {  	s0 =	sadd.s32 $0x8F2B, s0  }
0xbe: {  	[sflag:s0] =	ssyncadd.remote.s32 $0x1  }
0xbf: {  	_ =	sfence.sel $0xFFFF  }
0xc0: {  	[dreg:$0x0] =	wrdreg $0xFFFFFFFF;
	(pc) =	sbr.abs _section_cstart, $3  }
0xc1: {  	[dreg:$0x1] =	wrdreg $0xFFFFFFFF  }
0xc2: {  	_ =	task.clear_ibuf [dreg:s7], $0x2FFFF;
	_ =	strace $0x9FFFFFFF  }
0xc3: {  	(tm) =	ssettm $0x7FFFFFFF  }
tec
execute0_lowered:
.L_overlay_start_1:
0x0: {  	(tag) =	ssettag $0x1  }
0x1: {  	s1 =	rddreg [dreg:$0x0]  }
0x2: {  	s0 =	rddreg [dreg:$0x1]  }
0x3: {  	s2 =	rddreg [dreg:$0x2];
	s31 =	simm.s32 $0x0  }
0x4: {  	s3 =	srdreg.scid;
	s4 =	stileid.u32;
	s29 =	simm.s32 $0x180  }
0x5: {  	s30 =	simm.s32 $0x4400;
	[smem:$0x7FF] =	sst s31;
	s3 =	sand.u32 $0x1, s3  }
0x6: {  	s5 =	smul.u32 $0x4E000, s4;
	s6 =	sadd.s32 $0xC200, s0;
	s8 =	sadd.s32 $0x2400, s0  }
0x7: {  	s9 =	sadd.s32 $0x16000, s0;
	s26 =	smul.u32 $0x13800, s4;
	s0 =	sadd.s32 $0x18800, s0  }
0x8: {  	s11 =	smul.u32 $0x4E20, s4;
	s13 =	sadd.s32 $0x124800, s2;
	p0 =	seq.s32 s4, $0xF  }
0x9: {  	s28 =	simm.s32 $0x4;
	_ =	strace $0x8000004A;
	s7 =	smul.u32 $0x138800, s3  }
0xa: {  	[dreg:$0x5] =	wrdreg s9;
	s10 =	ssub.s32 $0x2, s3;
	s3 =	smul.u32 $0x2710, s3  }
0xb: {  	[dreg:$0x7] =	wrdreg s13;
	s12 =	sshrl.u32 s10, $0x1;
	s5 =	sshrl.u32 s5, $0x2  }
0xc: {  	s10 =	ssub.s32 s10, s12;
	s5 =	sadd.s32 s5, s2;
	s14 =	sadd.s32 s26, s7  }
0xd: {  	s7 =	sshrl.u32 s7, $0x3;
	s3 =	sadd.s32 s3, s11;
	[dreg:$0x6] =	wrdreg s5  }
0xe: {  	s5 =	sshrl.u32 s14, $0x3;
	s7 =	sadd.s32 s0, s7;
	s15 =	sadd.s32 $0xC8, s3  }
0xf: {  	s18 =	smax.u32 s10, $0x1;
	s19 =	sadd.s32 $0xA0, s3;
	s21 =	sadd.s32 $0x78, s3  }
0x10: {  	s22 =	sadd.s32 $0x50, s3;
	s24 =	sadd.s32 $0x28, s3;
	s25 =	sshrl.u32 s3, $0x3  }
0x11: {  	s0 =	sadd.s32 s0, s5;
	s16 =	sadd.s32 $0x24900, s7;
	s17 =	sshrl.u32 s15, $0x3  }
0x12: {  	[dreg:$0xa] =	wrdreg s18;
	s20 =	sshrl.u32 s19, $0x3;
	s5 =	sshrl.u32 s21, $0x3  }
0x13: {  	s23 =	sshrl.u32 s22, $0x3;
	s26 =	sshrl.u32 s24, $0x3;
	[dreg:$0x8] =	wrdreg s0  }
0x14: {  	s19 =	sadd.s32 s25, s8;
	s24 =	simm.s32 $0x28;
	[dreg:$0x9] =	wrdreg s16  }
.Ltmp0:
0x15: {  	s11 =	sadd.s32 s17, s8;
	s12 =	sadd.s32 s17, s6;
	(pc) =	sbr.rel .LBB2_1-.Ltmp0, $4  }
0x16: {  	s13 =	sadd.s32 s20, s8;
	s14 =	sadd.s32 s20, s6;
	s15 =	sadd.s32 s5, s8  }
0x17: {  	s16 =	sadd.s32 s5, s6;
	s17 =	sadd.s32 s23, s8;
	s18 =	sadd.s32 s23, s6  }
0x18: {  	s20 =	sadd.s32 s25, s6;
	s21 =	sadd.s32 s26, s8;
	s22 =	sadd.s32 s26, s6  }
0x19: {  	s23 =	simm.s32 $0x7;
	s25 =	simm.s32 $0x400;
	s26 =	simm.s32 $0x800  }
.LBB2_5:
0x1a: {  	[bflag:$0x0] =	sbarrier.arrive $0xFFFF  }
0x1b: {  	s3 =	rddreg [dreg:$0x9]  }
0x1c: {  	s0 =	simm.s32 @p0 $0x1FD3;
	s4 =	rddreg [dreg:$0xb]  }
0x1d: {  	[hbm:s3], [sflag:s0] =	dma.local @p0 [spmem:s4], $0x2800  }
0x1e: {  	s0 =	simm.s32 @p0 $0x13  }
0x1f: {  	_ =	swait.ge @p0 [sflag:s0], $0x2800  }
0x20: {  	s3 =	rddreg [dreg:$0xc]  }
0x21: {  	[sflag:s0] =	ssyncset.done @p0 $0x0;
	s4 =	rddreg [dreg:$0xd]  }
0x22: {  	[sflag:s0] =	ssyncadd.s32 @p0 $0xFFFFD800;
	s0 =	rddreg [dreg:$0x8]  }
0x23: {  	[hbm:s0], [sflag:s3] =	dma.local @!p0 [spmem:s4], $0x2700  }
0x24: {  	s0 =	simm.s32 @!p0 $0x13  }
0x25: {  	_ =	swait.ge @!p0 [sflag:s0], $0x2700  }
0x26: {  	s31 =	rddreg [dreg:$0x4]  }
0x27: {  	s10 =	rddreg [dreg:$0xa];
	s31 =	sadd.s32 $0x1, s31  }
0x28: {  	p1 =	sne.s32 s31, s10  }
.Ltmp1:
0x29: {  	_ = 	snop;
	(pc) =	sbr.rel @!p1 .LBB2_6-.Ltmp1, $3  }
0x2a: {  	_ =	sdelay $0x1  }
0x2b: {  	[sflag:s0] =	ssyncset.done @!p0 $0x0  }
0x2c: {  	[sflag:s0] =	ssyncadd.s32 @!p0 $0xFFFFD900  }
.LBB2_1:
0x2d: {  	[dreg:$0x4] =	wrdreg s31  }
0x2e: {  	s0 =	rddreg [dreg:$0x7]  }
0x2f: {  	s4 =	rddreg [dreg:$0x5];
	s3 =	sshrl.u32 @p0 s0, $0x3  }
0x30: {  	s0 =	simm.s32 @p0 $0x1FD3;
	[dreg:$0xb] =	wrdreg s3  }
0x31: {  	[spmem:s3], [sflag:s0] =	dma.local @p0 [hbm:s4], $0x2800  }
0x32: {  	s0 =	simm.s32 @p0 $0x13  }
0x33: {  	s3 =	stileid.u32;
	_ =	swait.ge @p0 [sflag:s0], $0x2800  }
0x34: {  	s3 =	sshll.u32 @!p0 s3, $0x6;
	[sflag:s0] =	ssyncset.done @p0 $0x0  }
0x35: {  	s3 =	sor.u32 @!p0 $0x1C13, s3;
	[sflag:s0] =	ssyncadd.s32 @p0 $0xFFFFD800;
	s0 =	rddreg [dreg:$0x6]  }
0x36: {  	[dreg:$0xc] =	wrdreg s3;
	s0 =	sshrl.u32 @!p0 s0, $0x3  }
0x37: {  	s5 =	simm.s32 @!p0 $0x13;
	[dreg:$0xd] =	wrdreg s0  }
0x38: {  	[spmem:s0], [sflag:s3] =	dma.local @!p0 [hbm:s4], $0x2700  }
.Ltmp2:
0x39: {  	_ =	swait.ge @!p0 [sflag:s5], $0x2700;
	(pc) =	sbr.rel .LBB2_2-.Ltmp2, $4  }
0x3a: {  	[sflag:s5] =	ssyncset.done @!p0 $0x0  }
0x3b: {  	[sflag:s5] =	ssyncadd.s32 @!p0 $0xFFFFD900  }
0x3c: {  	[bflag:$0x0] =	sbarrier.arrive $0xFFFF  }
0x3d: {  	s6 =	simm.s32 $0x1;
	s7 =	simm.s32 $0x0;
	s8 =	simm.s32 $0x0  }
.LBB2_4:
0x3e: {  	s7 =	sadd.s32 $0x1E, s7  }
0x3f: {  	p1 =	sne.s32 s7, $0x528  }
.Ltmp3:
0x40: {  	_ = 	snop;
	(pc) =	sbr.rel @!p1 .LBB2_5-.Ltmp3, $2  }
0x41: {  	_ =	sdelay $0x2  }
0x42: {  	s8 =	sadd.s32 $0x1, s8;
	s6 =	sadd.s32 $0x6, s6  }
.LBB2_2:
0x43: {  	s5 =	sadd.s32 $0xFFFFFFF9, s6  }
0x44: {  	p1 =	sgt.u32 s5, $0xF9  }
0x45: {  	s5 =	simm.s32 @!p1 $0xE  }
0x46: {  	s9 =	sadd.s32 $0xFFFFFFFB, s6;
	_ =	swait.ge @!p1 [sflag:s5], $0x1400  }
0x47: {  	p3 =	sgt.u32 s9, $0xF9;
	[sflag:s5] =	ssyncset.done @!p1 $0x0  }
0x48: {  	[sflag:s5] =	ssyncadd.s32 @!p1 $0xFFFFEC00;
	s5 =	simm.s32 @!p3 $0x9  }
0x49: {  	s31 =	sadd.s32 $0xFFFFFFFD, s6;
	_ =	swait.ge @!p3 [sflag:s5], $0x1400  }
0x4a: {  	s9 =	simm.s32 @!p3 $0x500;
	s10 =	simm.s32 @!p3 $0x3000;
	[sflag:s5] =	ssyncset.done @!p3 $0x0  }
0x4b: {  	p1 =	sgt.u32 s31, $0xF9;
	[sflag:s5] =	ssyncadd.s32 @!p3 $0xFFFFEC00;
	s5 =	simm.s32 @!p3 $0x28  }
0x4c: {  	[spmem:s2] =	stream.indirect.scatter.add.f32 @!p3 [tilespmem:s10], [sflag:$0xF], $0x80, s9, s5, $0xb8;
	[tilespmem:$0x1B880] =	vst v63  }
0x4d: {  	s5 =	simm.s32 @!p1 $0x6  }
0x4e: {  	_ =	swait.ge @!p1 [sflag:s5], $0x28  }
0x4f: {  	[sflag:s5] =	ssyncset.done @!p1 $0x0  }
0x50: {  	[sflag:s5] =	ssyncadd.s32 @!p1 $0xFFFFFFD8  }
0x51: {  	p2 =	sgt.u32 s8, $0x29;
	_ =	swait.ge @!p1 [sflag:s5], $0x28  }
0x52: {  	p4 =	seq.s32 s7, $0x0;
	s10 =	simm.s32 @!p1 $0x28;
	[sflag:s5] =	ssyncset.done @!p1 $0x0  }
0x53: {  	s9 =	simm.s32 @!p1 $0x280;
	[sflag:s5] =	ssyncadd.s32 @!p1 $0xFFFFFFD8;
	s5 =	simm.s32 @!p1 $0x6C00  }
0x54: {  	[tilespmem:s5], [sflag:$0xC] =	stream.indirect.gather @!p1 [hbm4b:s1+s10], $0x80, s9, s10, $0xb8;
	[tilespmem:$0x1B880] =	vst v63  }
0x55: {  	p5 =	sgt.u32 @!p4 s6, $0xFE;
	s31 =	sadd.s32 @!p2 s7, s20;
	s9 =	simm.s32 @!p2 $0x0  }
0x56: {  	[tilespmem:s9], [sflag:$0x1] =	stream.linear.gather @!p2 [hbm4b:s31+s9], $0x28, $0x38;
	[tilespmem:$0x1B880] =	vst v63  }
0x57: {  	s0 =	simm.s32 @!p2 $0x400;
	p4 =	por p5, p4;
	s31 =	sadd.s32 @!p2 s7, s19  }
0x58: {  	[tilespmem:s0], [sflag:$0x1] =	stream.linear.gather @!p2 [hbm4b:s31+s9], $0x28, $0x38;
	[tilespmem:$0x1B880] =	vst v63  }
0x59: {  	p5 =	seq.s32 s8, $0x0;
	s0 =	simm.s32 @!p4 $0xF  }
0x5a: {  	p6 =	seq.s32 @!p5 s8, $0x2B;
	_ =	swait.ge @!p4 [sflag:s0], $0x1400  }
0x5b: {  	p5 =	por p6, p5;
	[sflag:s0] =	ssyncset.done @!p4 $0x0  }
0x5c: {  	[sflag:s0] =	ssyncadd.s32 @!p4 $0xFFFFEC00;
	s0 =	simm.s32 @!p5 $0xA  }
0x5d: {  	_ =	swait.ge @!p5 [sflag:s0], $0x1400  }
0x5e: {  	s3 =	simm.s32 @!p5 $0x4400;
	s31 =	simm.s32 @!p5 $0x580;
	[sflag:s0] =	ssyncset.done @!p5 $0x0  }
0x5f: {  	p4 =	sgt.u32 s6, $0xFA;
	[sflag:s0] =	ssyncadd.s32 @!p5 $0xFFFFEC00;
	s0 =	simm.s32 @!p5 $0x28  }
0x60: {  	[spmem:s2] =	stream.indirect.scatter.add.f32 @!p5 [tilespmem:s3], [sflag:$0x10], $0x80, s31, s0, $0xb8;
	[tilespmem:$0x1B880] =	vst v63  }
0x61: {  	s0 =	simm.s32 @!p4 $0x1  }
0x62: {  	_ =	swait.ge @!p4 [sflag:s0], $0x28  }
0x63: {  	[sflag:s0] =	ssyncset.done @!p4 $0x0  }
0x64: {  	[sflag:s0] =	ssyncadd.s32 @!p4 $0xFFFFFFD8  }
0x65: {  	_ =	swait.ge @!p4 [sflag:s0], $0x28  }
0x66: {  	s3 =	simm.s32 @!p4 $0x0;
	[sflag:s0] =	ssyncset.done @!p4 $0x0  }
0x67: {  	s31 =	simm.s32 @!p4 $0x800;
	[sflag:s0] =	ssyncadd.s32 @!p4 $0xFFFFFFD8;
	s0 =	simm.s32 @!p4 $0x28  }
0x68: {  	[tilespmem:s31], [sflag:$0x7] =	stream.indirect.gather @!p4 [hbm4b:s1+s0], $0x80, s3, s0, $0xb8;
	[tilespmem:$0x1B880] =	vst v63  }
0x69: {  	s0 =	sadd.s32 @!p2 s7, s22;
	s3 =	simm.s32 @!p2 $0x80  }
0x6a: {  	[tilespmem:s3], [sflag:$0x2] =	stream.linear.gather @!p2 [hbm4b:s0+s9], $0x28, $0x38;
	[tilespmem:$0x1B880] =	vst v63  }
0x6b: {  	s31 =	simm.s32 @!p2 $0x480;
	s0 =	sadd.s32 @!p2 s7, s21  }
0x6c: {  	[tilespmem:s31], [sflag:$0x2] =	stream.linear.gather @!p2 [hbm4b:s0+s9], $0x28, $0x38;
	[tilespmem:$0x1B880] =	vst v63  }
0x6d: {  	s0 =	simm.s32 @!p3 $0x10  }
0x6e: {  	_ =	swait.ge @!p3 [sflag:s0], $0x1400  }
0x6f: {  	[sflag:s0] =	ssyncset.done @!p3 $0x0  }
0x70: {  	[sflag:s0] =	ssyncadd.s32 @!p3 $0xFFFFEC00;
	s0 =	simm.s32 @!p1 $0xB  }
0x71: {  	_ =	swait.ge @!p1 [sflag:s0], $0x1400  }
0x72: {  	[sflag:s0] =	ssyncset.done @!p1 $0x0  }
0x73: {  	s31 =	simm.s32 @!p1 $0x5800;
	[sflag:s0] =	ssyncadd.s32 @!p1 $0xFFFFEC00;
	s0 =	simm.s32 @!p1 $0x600  }
0x74: {  	[spmem:s2] =	stream.indirect.scatter.add.f32 @!p1 [tilespmem:s31], [sflag:$0x11], $0x80, s0, s10, $0xb8;
	[tilespmem:$0x1B880] =	vst v63  }
0x75: {  	s0 =	simm.s32 @!p2 $0x2  }
0x76: {  	_ =	swait.ge @!p2 [sflag:s0], $0x28  }
0x77: {  	[sflag:s0] =	ssyncset.done @!p2 $0x0  }
0x78: {  	[sflag:s0] =	ssyncadd.s32 @!p2 $0xFFFFFFD8  }
0x79: {  	_ =	swait.ge @!p2 [sflag:s0], $0x28  }
0x7a: {  	[sflag:s0] =	ssyncset.done @!p2 $0x0  }
0x7b: {  	s31 =	simm.s32 @!p2 $0x1C00;
	[sflag:s0] =	ssyncadd.s32 @!p2 $0xFFFFFFD8;
	s0 =	simm.s32 @!p2 $0x28  }
0x7c: {  	[tilespmem:s31], [sflag:$0x8] =	stream.indirect.gather @!p2 [hbm4b:s1+s0], $0x80, s3, s0, $0xb8;
	[tilespmem:$0x1B880] =	vst v63  }
0x7d: {  	s3 =	sadd.s32 @!p2 s7, s18;
	s31 =	simm.s32 @!p2 $0x100  }
0x7e: {  	[tilespmem:s31], [sflag:$0x3] =	stream.linear.gather @!p2 [hbm4b:s3+s9], $0x28, $0x38;
	[tilespmem:$0x1B880] =	vst v63  }
0x7f: {  	s4 =	simm.s32 @!p2 $0x500;
	s3 =	sadd.s32 @!p2 s7, s17  }
0x80: {  	[tilespmem:s4], [sflag:$0x3] =	stream.linear.gather @!p2 [hbm4b:s3+s9], $0x28, $0x38;
	[tilespmem:$0x1B880] =	vst v63  }
0x81: {  	s3 =	simm.s32 @!p1 $0x11  }
0x82: {  	_ =	swait.ge @!p1 [sflag:s3], $0x1400  }
0x83: {  	[sflag:s3] =	ssyncset.done @!p1 $0x0  }
0x84: {  	[sflag:s3] =	ssyncadd.s32 @!p1 $0xFFFFEC00;
	s3 =	simm.s32 @!p1 $0xC  }
0x85: {  	_ =	swait.ge @!p1 [sflag:s3], $0x1400  }
0x86: {  	[sflag:s3] =	ssyncset.done @!p1 $0x0  }
0x87: {  	[sflag:s3] =	ssyncadd.s32 @!p1 $0xFFFFEC00;
	s3 =	simm.s32 @!p1 $0x680  }
0x88: {  	[spmem:s2] =	stream.indirect.scatter.add.f32 @!p1 [tilespmem:s5], [sflag:$0x12], $0x80, s3, s10, $0xb8;
	[tilespmem:$0x1B880] =	vst v63  }
0x89: {  	s3 =	simm.s32 @!p2 $0x3  }
0x8a: {  	_ =	swait.ge @!p2 [sflag:s3], $0x28  }
0x8b: {  	[sflag:s3] =	ssyncset.done @!p2 $0x0  }
0x8c: {  	[sflag:s3] =	ssyncadd.s32 @!p2 $0xFFFFFFD8  }
0x8d: {  	_ =	swait.ge @!p2 [sflag:s3], $0x28  }
0x8e: {  	[sflag:s3] =	ssyncset.done @!p2 $0x0  }
0x8f: {  	[sflag:s3] =	ssyncadd.s32 @!p2 $0xFFFFFFD8;
	s3 =	simm.s32 @!p2 $0x3000  }
0x90: {  	[tilespmem:s3], [sflag:$0x9] =	stream.indirect.gather @!p2 [hbm4b:s1+s0], $0x80, s31, s0, $0xb8;
	[tilespmem:$0x1B880] =	vst v63  }
0x91: {  	s0 =	sadd.s32 @!p2 s7, s16;
	s3 =	simm.s32 @!p2 $0x180  }
0x92: {  	[tilespmem:s3], [sflag:$0x4] =	stream.linear.gather @!p2 [hbm4b:s0+s9], $0x28, $0x38;
	[tilespmem:$0x1B880] =	vst v63  }
0x93: {  	s0 =	sadd.s32 @!p2 s7, s15;
	s3 =	simm.s32 @!p2 $0x580  }
0x94: {  	[tilespmem:s3], [sflag:$0x4] =	stream.linear.gather @!p2 [hbm4b:s0+s9], $0x28, $0x38;
	[tilespmem:$0x1B880] =	vst v63  }
.Ltmp4:
0x95: {  	_ = 	snop;
	(pc) =	sbr.rel @p2 .LBB2_4-.Ltmp4, $4  }
0x96: {  	s0 =	simm.s32 @!p1 $0x12  }
0x97: {  	_ =	swait.ge @!p1 [sflag:s0], $0x1400  }
0x98: {  	[sflag:s0] =	ssyncset.done @!p1 $0x0  }
0x99: {  	[sflag:s0] =	ssyncadd.s32 @!p1 $0xFFFFEC00  }
0x9a: {  	_ =	swait.ge [sflag:s23], $0x1400  }
0x9b: {  	[sflag:s23] =	ssyncset.done $0x0  }
0x9c: {  	[sflag:s23] =	ssyncadd.s32 $0xFFFFEC00  }
0x9d: {  	[spmem:s2] =	stream.indirect.scatter.add.f32 [tilespmem:s26], [sflag:$0xD], $0x80, s25, s24, $0xb8;
	[tilespmem:$0x1B880] =	vst v63  }
0x9e: {  	_ =	swait.ge [sflag:s28], $0x28  }
0x9f: {  	[sflag:s28] =	ssyncset.done $0x0  }
0xa0: {  	[sflag:s28] =	ssyncadd.s32 $0xFFFFFFD8  }
0xa1: {  	_ =	swait.ge [sflag:s28], $0x28  }
0xa2: {  	p1 =	seq.s32 s7, $0x4CE;
	[sflag:s28] =	ssyncset.done $0x0  }
0xa3: {  	s0 =	simm.s32 @p1 $0xD;
	[sflag:s28] =	ssyncadd.s32 $0xFFFFFFD8  }
0xa4: {  	[tilespmem:s30], [sflag:$0xA] =	stream.indirect.gather [hbm4b:s1+s24], $0x80, s29, s24, $0xb8;
	[tilespmem:$0x1B880] =	vst v63  }
0xa5: {  	_ =	swait.ge @p1 [sflag:s0], $0x1400  }
0xa6: {  	[sflag:s0] =	ssyncset.done @p1 $0x0  }
0xa7: {  	[sflag:s0] =	ssyncadd.s32 @p1 $0xFFFFEC00;
	s0 =	simm.s32 @p1 $0x8  }
0xa8: {  	_ =	swait.ge @p1 [sflag:s0], $0x1400  }
0xa9: {  	s3 =	simm.s32 @p1 $0x480;
	[sflag:s0] =	ssyncset.done @p1 $0x0  }
0xaa: {  	s4 =	simm.s32 @p1 $0x1C00;
	[sflag:s0] =	ssyncadd.s32 @p1 $0xFFFFEC00;
	s0 =	simm.s32 @p1 $0x28  }
0xab: {  	[spmem:s2] =	stream.indirect.scatter.add.f32 @p1 [tilespmem:s4], [sflag:$0xE], $0x80, s3, s0, $0xb8;
	[tilespmem:$0x1B880] =	vst v63  }
0xac: {  	s0 =	sadd.s32 @!p1 s7, s14;
	s3 =	simm.s32 @!p1 $0x0;
	s4 =	simm.s32 @!p1 $0x200  }
0xad: {  	[tilespmem:s4], [sflag:$0x5] =	stream.linear.gather @!p1 [hbm4b:s0+s3], $0x28, $0x38;
	[tilespmem:$0x1B880] =	vst v63  }
0xae: {  	s5 =	simm.s32 @!p1 $0x600;
	s0 =	sadd.s32 @!p1 s7, s13  }
0xaf: {  	[tilespmem:s5], [sflag:$0x5] =	stream.linear.gather @!p1 [hbm4b:s0+s3], $0x28, $0x38;
	[tilespmem:$0x1B880] =	vst v63  }
0xb0: {  	s0 =	simm.s32 @!p1 $0xD  }
0xb1: {  	_ =	swait.ge @!p1 [sflag:s0], $0x1400  }
0xb2: {  	[sflag:s0] =	ssyncset.done @!p1 $0x0  }
0xb3: {  	[sflag:s0] =	ssyncadd.s32 @!p1 $0xFFFFEC00;
	s0 =	simm.s32 @!p1 $0x8  }
0xb4: {  	_ =	swait.ge @!p1 [sflag:s0], $0x1400  }
0xb5: {  	s9 =	simm.s32 @!p1 $0x1C00;
	[sflag:s0] =	ssyncset.done @!p1 $0x0  }
0xb6: {  	s5 =	simm.s32 @!p1 $0x480;
	[sflag:s0] =	ssyncadd.s32 @!p1 $0xFFFFEC00;
	s0 =	simm.s32 @!p1 $0x28  }
0xb7: {  	[spmem:s2] =	stream.indirect.scatter.add.f32 @!p1 [tilespmem:s9], [sflag:$0xE], $0x80, s5, s0, $0xb8;
	[tilespmem:$0x1B880] =	vst v63  }
0xb8: {  	s5 =	simm.s32 @!p1 $0x5  }
0xb9: {  	_ =	swait.ge @!p1 [sflag:s5], $0x28  }
0xba: {  	[sflag:s5] =	ssyncset.done @!p1 $0x0  }
0xbb: {  	[sflag:s5] =	ssyncadd.s32 @!p1 $0xFFFFFFD8  }
0xbc: {  	_ =	swait.ge @!p1 [sflag:s5], $0x28  }
0xbd: {  	[sflag:s5] =	ssyncset.done @!p1 $0x0  }
0xbe: {  	[sflag:s5] =	ssyncadd.s32 @!p1 $0xFFFFFFD8;
	s5 =	simm.s32 @!p1 $0x5800  }
0xbf: {  	[tilespmem:s5], [sflag:$0xB] =	stream.indirect.gather @!p1 [hbm4b:s1+s0], $0x80, s4, s0, $0xb8;
	[tilespmem:$0x1B880] =	vst v63  }
.Ltmp5:
0xc0: {  	_ = 	snop;
	(pc) =	sbr.rel .LBB2_4-.Ltmp5, $4  }
0xc1: {  	s0 =	sadd.s32 @!p1 s7, s12;
	s4 =	simm.s32 @!p1 $0x280  }
0xc2: {  	[tilespmem:s4], [sflag:$0x6] =	stream.linear.gather @!p1 [hbm4b:s0+s3], $0x28, $0x38;
	[tilespmem:$0x1B880] =	vst v63  }
0xc3: {  	s0 =	sadd.s32 @!p1 s7, s11;
	s4 =	simm.s32 @!p1 $0x680  }
0xc4: {  	[tilespmem:s4], [sflag:$0x6] =	stream.linear.gather @!p1 [hbm4b:s0+s3], $0x28, $0x38;
	[tilespmem:$0x1B880] =	vst v63  }
.LBB2_6:
0xc5: {  	_ =	sfence.sel $0x180000  }
0xc6: {  	[bflag:$0x0] =	sbarrier.arrive $0xFFFF  }
0xc7: {  	_ =	strace $0x9000004A  }
0xc8: {  	s0 =	stileid.u32;
	[bflag:$0x2] =	sbarrier.arrive $0xFFFF  }
0xc9: {  	p0 =	sne.s32 s0, $0x0;
	s0 =	rddreg [dreg:$0x3]  }
0xca: {  	s0 =	sadd.s32 @!p0 $0x100000, s0  }
0xcb: {  	[sflag:s0] =	ssyncadd.tile.s32 @!p0 $0x1;
	_ =	shalt  }
.Lfunc_end2:
_tile_overlayer_lowered:
.L_overlay_start_2:
0xcc: {  	(tag) =	ssettag $0x2  }
0xcd: {  	s0 =	rddreg [dreg:$0x0];
	s2 =	stileid.u32  }
0xce: {  	s1 =	rddreg [dreg:$0x1];
	p0 =	sne.s32 s2, $0x0  }
0xcf: {  	s3 =	rddreg [dreg:$0x2];
	[bflag:$0x3] =	sbarrier.arrive $0xFFFF;
	s2 =	simm.s32 @!p0 $0x1C13  }
0xd0: {  	[timem:s3], [sflag:s2] =	dma.local @!p0 [hbm:s0], s1  }
0xd1: {  	s0 =	simm.s32 @!p0 $0x13  }
0xd2: {  	_ =	swait.ge @!p0 [sflag:s0], s1  }
0xd3: {  	s1 =	ssub.s32 @!p0 $0x0, s1;
	[sflag:s0] =	ssyncset.done @!p0 $0x0  }
0xd4: {  	[sflag:s0] =	ssyncadd.s32 @!p0 s1  }
0xd5: {  	[bflag:$0x3] =	sbarrier.arrive $0xFFFF  }
0xd6: {  	_ =	shalt  }

</sc_bundles>
